<compile_context>
chip_gen: v7x
topology: tpu7x:2x2x1
jax: 0.10.2.dev20260603
libtpu: 0.0.44.dev20260713+nightly
codegen_flags: <defaults>
</compile_context>

<pallas_src>
import functools

import jax
import jax.numpy as jnp
from jax import lax
from jax.experimental import pallas as pl
from jax.experimental.pallas import tpu as pltpu
from jax.experimental.pallas import tpu_sc as plsc

N = 10000
E = 320000
D_IN = 128
D_H = 256
HALF = 128

NC, NS = 2, 16
RPT = 624
RTAIL = N - RPT * NS
EPT = E // NS
CHUNK = 200
NCHUNK = EPT // CHUNK
EPW = E // (NC * NS)
DCHUNK = 2000
NDCHUNK = EPW // DCHUNK

BN = 1000
GRID = N // BN

_MESH = dict(core_axis_name="c", subcore_axis_name="s",
             num_cores=NC, num_subcores=NS)



def _deg_kernel(cols, w, zeros):
    mesh = plsc.VectorSubcoreMesh(**_MESH)

    @functools.partial(
        pl.kernel, mesh=mesh,
        out_type=jax.ShapeDtypeStruct((2 * N, 16), jnp.float32),
        compiler_params=pltpu.CompilerParams(use_tc_tiling_on_sc=False,
                                             needs_layout_passes=False),
        scratch_types=[
            pltpu.VMEM((DCHUNK,), jnp.int32),
            pltpu.VMEM((DCHUNK,), jnp.float32),
            pltpu.VMEM((DCHUNK, 16), jnp.float32),
            pltpu.VMEM_SHARED((N, 16), jnp.float32),
        ],
    )
    def k(cols_hbm, w_hbm, z_hbm, out_hbm, idx_v, w_v, wexp, acc):
        c = lax.axis_index("c")
        s = lax.axis_index("s")
        r0 = s * RPT
        pltpu.sync_copy(z_hbm.at[pl.ds(r0, RPT)], acc.at[pl.ds(r0, RPT)])

        @pl.when(s == 0)
        def _():
            pltpu.sync_copy(z_hbm.at[pl.ds(RPT * NS, RTAIL)],
                            acc.at[pl.ds(RPT * NS, RTAIL)])

        plsc.subcore_barrier()
        wid = s * NC + c

        def body(ki, carry):
            e0 = wid * EPW + ki * DCHUNK
            pltpu.sync_copy(cols_hbm.at[pl.ds(e0, DCHUNK)], idx_v)
            pltpu.sync_copy(w_hbm.at[pl.ds(e0, DCHUNK)], w_v)

            def expand(i, cc):
                wexp[i, :] = plsc.load_gather(
                    w_v, [jnp.full((16,), 0, jnp.int32) + i])
                return cc

            lax.fori_loop(0, DCHUNK, expand, 0)
            pltpu.sync_copy(wexp, acc.at[idx_v], add=True)
            return carry

        lax.fori_loop(0, NDCHUNK, body, 0)
        plsc.subcore_barrier()
        pltpu.sync_copy(acc.at[pl.ds(r0, RPT)],
                        out_hbm.at[pl.ds(c * N + r0, RPT)])

        @pl.when(s == 0)
        def _():
            pltpu.sync_copy(acc.at[pl.ds(RPT * NS, RTAIL)],
                            out_hbm.at[pl.ds(c * N + RPT * NS, RTAIL)])

    return k(cols, w, zeros)


def _spmm_kernel(hs_flat, rows2, cols, w):
    mesh = plsc.VectorSubcoreMesh(**_MESH)

    @functools.partial(
        pl.kernel, mesh=mesh,
        out_type=jax.ShapeDtypeStruct((2 * N, HALF), jnp.float32),
        compiler_params=pltpu.CompilerParams(needs_layout_passes=False),
        scratch_types=[
            pltpu.VMEM((CHUNK,), jnp.int32),
            pltpu.VMEM((CHUNK,), jnp.int32),
            pltpu.VMEM((CHUNK,), jnp.float32),
            pltpu.VMEM((CHUNK, HALF), jnp.float32),
            pltpu.VMEM_SHARED((N, HALF), jnp.float32),
            pltpu.SemaphoreType.DMA,
        ],
    )
    def k(hs_hbm, rows_hbm, cols_hbm, w_hbm, out_hbm,
          rows_v, cols_v, w_v, msgs, acc, sem):
        c = lax.axis_index("c")
        s = lax.axis_index("s")
        r0 = s * RPT
        pltpu.sync_copy(hs_hbm.at[pl.ds(c * N + r0, RPT)],
                        acc.at[pl.ds(r0, RPT)])

        @pl.when(s == 0)
        def _():
            pltpu.sync_copy(hs_hbm.at[pl.ds(c * N + RPT * NS, RTAIL)],
                            acc.at[pl.ds(RPT * NS, RTAIL)])

        plsc.subcore_barrier()

        def body(ki, carry):
            e0 = c * E + s * EPT + ki * CHUNK
            ec = s * EPT + ki * CHUNK
            pltpu.sync_copy(rows_hbm.at[pl.ds(e0, CHUNK)], rows_v)
            pltpu.sync_copy(cols_hbm.at[pl.ds(ec, CHUNK)], cols_v)
            pltpu.sync_copy(w_hbm.at[pl.ds(ec, CHUNK)], w_v)
            pltpu.async_copy(hs_hbm.at[rows_v], msgs, sem).wait()

            @plsc.parallel_loop(0, CHUNK, unroll=8)
            def scale(i):
                wi = plsc.load_gather(w_v, [jnp.full((16,), 0, jnp.int32) + i])
                for j in range(HALF // 16):
                    msgs[i, pl.ds(j * 16, 16)] = msgs[i, pl.ds(j * 16, 16)] * wi
            pltpu.sync_copy(msgs, acc.at[cols_v], add=True)
            return carry

        lax.fori_loop(0, NCHUNK, body, 0)
        plsc.subcore_barrier()
        pltpu.sync_copy(acc.at[pl.ds(r0, RPT)],
                        out_hbm.at[pl.ds(c * N + r0, RPT)])

        @pl.when(s == 0)
        def _():
            pltpu.sync_copy(acc.at[pl.ds(RPT * NS, RTAIL)],
                            out_hbm.at[pl.ds(c * N + RPT * NS, RTAIL)])

    return k(hs_flat, rows2, cols, w)



def _first_tc(x, W0, degt):

    def body(x_ref, w_ref, deg_ref, hs_ref, dinv_ref):
        deg = deg_ref[:, 0] + deg_ref[:, 1] + 1.0
        dinv = jnp.where(deg > 0, lax.rsqrt(jnp.maximum(deg, 1e-12)), 0.0)
        h = jnp.dot(x_ref[...].astype(jnp.bfloat16), w_ref[...].astype(jnp.bfloat16), preferred_element_type=jnp.float32)
        hs = h * dinv[:, None]
        hs_ref[0] = hs[:, :HALF]
        hs_ref[1] = hs[:, HALF:]
        dinv_ref[...] = dinv[:, None]

    return pl.pallas_call(
        body,
        grid=(GRID,),
        in_specs=[
            pl.BlockSpec((BN, D_IN), lambda i: (i, 0)),
            pl.BlockSpec((D_IN, D_H), lambda i: (0, 0)),
            pl.BlockSpec((BN, 2), lambda i: (i, 0)),
        ],
        out_specs=[
            pl.BlockSpec((2, BN, HALF), lambda i: (0, i, 0)),
            pl.BlockSpec((BN, 1), lambda i: (i, 0)),
        ],
        out_shape=[
            jax.ShapeDtypeStruct((2, N, HALF), jnp.float32),
            jax.ShapeDtypeStruct((N, 1), jnp.float32),
        ],
    )(x, W0, degt)


def _post(acc_ref, dinv_ref, b_ref, g_ref, be_ref):
    s = jnp.concatenate([acc_ref[0], acc_ref[1]], axis=1)
    out = s * dinv_ref[...] + b_ref[...][None, :]
    mu = jnp.mean(out, axis=-1, keepdims=True)
    var = jnp.mean((out - mu) ** 2, axis=-1, keepdims=True)
    z = (out - mu) * lax.rsqrt(var + 1e-5) * g_ref[...][None, :] + be_ref[...][None, :]
    return jnp.maximum(z, 0.0)


def _mid_tc(acc2, dinv, b, g, be, W):

    def body(a_ref, dinv_ref, b_ref, g_ref, be_ref, w_ref, hs_ref):
        z = _post(a_ref, dinv_ref, b_ref, g_ref, be_ref)
        h = jnp.dot(z.astype(jnp.bfloat16), w_ref[...].astype(jnp.bfloat16), preferred_element_type=jnp.float32)
        hs = h * dinv_ref[...]
        hs_ref[0] = hs[:, :HALF]
        hs_ref[1] = hs[:, HALF:]

    return pl.pallas_call(
        body,
        grid=(GRID,),
        in_specs=[
            pl.BlockSpec((2, BN, HALF), lambda i: (0, i, 0)),
            pl.BlockSpec((BN, 1), lambda i: (i, 0)),
            pl.BlockSpec((D_H,), lambda i: (0,)),
            pl.BlockSpec((D_H,), lambda i: (0,)),
            pl.BlockSpec((D_H,), lambda i: (0,)),
            pl.BlockSpec((D_H, D_H), lambda i: (0, 0)),
        ],
        out_specs=pl.BlockSpec((2, BN, HALF), lambda i: (0, i, 0)),
        out_shape=jax.ShapeDtypeStruct((2, N, HALF), jnp.float32),
    )(acc2, dinv, b, g, be, W)


def _last_tc(acc2, dinv, b, g, be, lw, lb):

    def body(a_ref, dinv_ref, b_ref, g_ref, be_ref, lw_ref, lb_ref, y_ref):
        z = _post(a_ref, dinv_ref, b_ref, g_ref, be_ref)
        y = jnp.dot(z.astype(jnp.bfloat16), lw_ref[...].astype(jnp.bfloat16), preferred_element_type=jnp.float32)
        y_ref[...] = y + lb_ref[0]

    return pl.pallas_call(
        body,
        grid=(GRID,),
        in_specs=[
            pl.BlockSpec((2, BN, HALF), lambda i: (0, i, 0)),
            pl.BlockSpec((BN, 1), lambda i: (i, 0)),
            pl.BlockSpec((D_H,), lambda i: (0,)),
            pl.BlockSpec((D_H,), lambda i: (0,)),
            pl.BlockSpec((D_H,), lambda i: (0,)),
            pl.BlockSpec((D_H, 1), lambda i: (0, 0)),
            pl.BlockSpec((1,), lambda i: (0,)),
        ],
        out_specs=pl.BlockSpec((BN, 1), lambda i: (i, 0)),
        out_shape=jax.ShapeDtypeStruct((N, 1), jnp.float32),
    )(acc2, dinv, b, g, be, lw, lb)



def kernel(x, edge_index, edge_weight, W0, b0, g0, be0, W1, b1, g1, be1,
           W2, b2, g2, be2, lw, lb):
    rows = edge_index[0].astype(jnp.int32)
    cols = edge_index[1].astype(jnp.int32)
    w = edge_weight.astype(jnp.float32)
    rows2 = jnp.concatenate([rows, rows + N])
    zeros = jnp.zeros((N, 16), jnp.float32)

    degp = _deg_kernel(cols, w, zeros)
    degt = jnp.transpose(degp[:, 0].reshape(2, N), (1, 0))

    hs2, dinv = _first_tc(x, W0, degt)
    for (b, g, be, Wn) in ((b0, g0, be0, W1), (b1, g1, be1, W2)):
        acc = _spmm_kernel(hs2.reshape(2 * N, HALF), rows2, cols, w)
        hs2 = _mid_tc(acc.reshape(2, N, HALF), dinv, b, g, be, Wn)
    acc = _spmm_kernel(hs2.reshape(2 * N, HALF), rows2, cols, w)
    y = _last_tc(acc.reshape(2, N, HALF), dinv, b2, g2, be2, lw, lb)
    return y.reshape(N)

# --- scband reference (transcript-rebuilt; emitter-appended) ---
"""Pipeline reference for scband-stable-gcn-51762945851828 (READ-ONLY COPY).

The authoritative reference and input builder live on the scoring server;
editing this copy changes nothing except your own understanding.
"""

import jax, jax.numpy as jnp
import numpy as np

N = 10000
E = 320000
D_IN = 128
D_H = 256

def layer_norm(x, g, b):
    mu = jnp.mean(x, axis=-1, keepdims=True)
    var = jnp.mean((x - mu) ** 2, axis=-1, keepdims=True)
    return (x - mu) / jnp.sqrt(var + 1e-5) * g + b

def gcn_conv(x, edge_index, edge_weight, W, b):
    n = x.shape[0]
    sl = jnp.arange(n, dtype=edge_index.dtype)
    row = jnp.concatenate([edge_index[0], sl])
    col = jnp.concatenate([edge_index[1], sl])
    w = jnp.concatenate([edge_weight, jnp.ones((n,), dtype=edge_weight.dtype)])
    deg = jax.ops.segment_sum(w, col, num_segments=n)
    dinv = jnp.where(deg > 0, jax.lax.rsqrt(jnp.maximum(deg, 1e-12)), 0.0)
    norm = dinv[row] * w * dinv[col]
    h = x @ W
    msg = norm[:, None] * h[row]
    out = jax.ops.segment_sum(msg, col, num_segments=n)
    return out + b

def setup_inputs(seed: int = 0) -> dict:
    key = jax.random.key(seed)
    ks = jax.random.split(key, 16)
    inp = {}
    inp['x'] = jax.random.normal(ks[0], (N, D_IN), dtype=jnp.float32)
    inp['edge_index'] = jax.random.randint(ks[1], (2, E), 0, N, dtype=jnp.int64)
    inp['edge_weight'] = jax.random.uniform(ks[2], (E,), dtype=jnp.float32)
    dims = [(D_IN, D_H), (D_H, D_H), (D_H, D_H)]
    for i, (di, do) in enumerate(dims):
        inp[f'W{i}'] = jax.random.normal(ks[3 + i], (di, do), dtype=jnp.float32) * (1.0 / np.sqrt(di))
        inp[f'b{i}'] = jnp.zeros((do,), dtype=jnp.float32)
        inp[f'g{i}'] = jnp.ones((do,), dtype=jnp.float32)
        inp[f'be{i}'] = jnp.zeros((do,), dtype=jnp.float32)
    inp['lw'] = jax.random.normal(ks[10], (D_H, 1), dtype=jnp.float32) * (1.0 / np.sqrt(D_H))
    inp['lb'] = jnp.zeros((1,), dtype=jnp.float32)
    return inp

def reference(x, edge_index, edge_weight, W0, b0, g0, be0, W1, b1, g1, be1, W2, b2, g2, be2, lw, lb):
    h = x
    for (W, b, g, be) in ((W0, b0, g0, be0), (W1, b1, g1, be1), (W2, b2, g2, be2)):
        h = gcn_conv(h, edge_index, edge_weight, W, b)
        h = layer_norm(h, g, be)
        h = jax.nn.relu(h)
        # dropout is identity in eval mode
    return (h @ lw + lb).squeeze(-1)

if False:  # reference __main__ guard neutralized (emitter)
    out = reference(**setup_inputs())
    print(out.shape)

if __name__ == "__main__":
    import jax
    _d = setup_inputs()
    print(jax.jit(kernel)(*tuple(_d.values())))

</pallas_src>

<mosaic_0001>
#map = affine_map<(d0, d1) -> (0)>
#map1 = affine_map<(d0, d1) -> (0, 0)>
module attributes {stable_mosaic.version = 14 : i64} {
  func.func @k(%arg0: i32, %arg1: i32, %arg2: memref<320000xi32, #tpu.memory_space<hbm>>, %arg3: memref<320000xf32, #tpu.memory_space<hbm>>, %arg4: memref<10000x16xf32, #tpu.memory_space<hbm>>, %arg5: memref<20000x16xf32, #tpu.memory_space<hbm>>, %arg6: memref<2000xi32, #tpu.memory_space<vmem>>, %arg7: memref<2000xf32, #tpu.memory_space<vmem>>, %arg8: memref<2000x16xf32, #tpu.memory_space<vmem>>, %arg9: memref<10000x16xf32, #tpu.memory_space<vmem_shared>>) attributes {dimension_semantics = [#tpu.dimension_semantics<core_parallel>, #tpu.dimension_semantics<subcore_parallel>], iteration_bounds = array<i64: 2, 16>, scalar_prefetch = 0 : i64, scratch_operands = 4 : i64, tpu.core_type = #tpu.core_type<sc_vector_subcore>, window_params = [{transform_indices = #map}, {transform_indices = #map}, {transform_indices = #map1}, {transform_indices = #map1}]} {
    %mul3A = arith.constant 624 : i32
    %mul3A_0 = arith.muli %arg1, %mul3A : i32
    "tpu.region"() ({
      %run_scoped3A = tpu.sem_alloc : memref<!tpu.dma_semaphore, #tpu.memory_space<semaphore_mem>>
      %dma_start3A = arith.constant 0 : i32
      %dma_start3A_19 = tpu.memref_slice %arg9[%mul3A_0, %dma_start3A] : memref<10000x16xf32, #tpu.memory_space<vmem_shared>> -> memref<624x16xf32, #tpu.memory_space<vmem_shared>>
      %dma_start3A_20 = arith.constant 0 : i32
      %dma_start3A_21 = tpu.memref_slice %arg4[%mul3A_0, %dma_start3A_20] : memref<10000x16xf32, #tpu.memory_space<hbm>> -> memref<624x16xf32, #tpu.memory_space<hbm>>
      tpu.enqueue_dma source(%dma_start3A_21 : memref<624x16xf32, #tpu.memory_space<hbm>>) target(%dma_start3A_19 : memref<624x16xf32, #tpu.memory_space<vmem_shared>>) target_semaphore(%run_scoped3A : memref<!tpu.dma_semaphore, #tpu.memory_space<semaphore_mem>>)
      %dma_wait3A = arith.constant 0 : i32
      %dma_wait3A_22 = tpu.memref_slice %arg9[%mul3A_0, %dma_wait3A] : memref<10000x16xf32, #tpu.memory_space<vmem_shared>> -> memref<624x16xf32, #tpu.memory_space<vmem_shared>>
      %dma_wait3A_23 = arith.constant 0 : i32
      %dma_wait3A_24 = tpu.memref_slice %arg4[%mul3A_0, %dma_wait3A_23] : memref<10000x16xf32, #tpu.memory_space<hbm>> -> memref<624x16xf32, #tpu.memory_space<hbm>>
      tpu.wait_dma2 semaphore(%run_scoped3A : memref<!tpu.dma_semaphore, #tpu.memory_space<semaphore_mem>>) src(%dma_wait3A_24 : memref<624x16xf32, #tpu.memory_space<hbm>>) dst(%dma_wait3A_22 : memref<624x16xf32, #tpu.memory_space<vmem_shared>>)
      tpu.yield
    }) : () -> ()
    %eq3A = arith.constant 0 : i32
    %eq3A_1 = arith.cmpi eq, %arg1, %eq3A : i32
    %convert_element_type3A = arith.extui %eq3A_1 : i1 to i32
    %cond3A = arith.constant 0 : i32
    %cond3A_2 = arith.cmpi ne, %convert_element_type3A, %cond3A : i32
    scf.if %cond3A_2 {
      "tpu.region"() ({
        %run_scoped3A = tpu.sem_alloc : memref<!tpu.dma_semaphore, #tpu.memory_space<semaphore_mem>>
        %dma_start3A = arith.constant 9984 : i32
        %dma_start3A_19 = arith.constant 0 : i32
        %dma_start3A_20 = tpu.memref_slice %arg9[%dma_start3A, %dma_start3A_19] : memref<10000x16xf32, #tpu.memory_space<vmem_shared>> -> memref<16x16xf32, #tpu.memory_space<vmem_shared>>
        %dma_start3A_21 = arith.constant 9984 : i32
        %dma_start3A_22 = arith.constant 0 : i32
        %dma_start3A_23 = tpu.memref_slice %arg4[%dma_start3A_21, %dma_start3A_22] : memref<10000x16xf32, #tpu.memory_space<hbm>> -> memref<16x16xf32, #tpu.memory_space<hbm>>
        tpu.enqueue_dma source(%dma_start3A_23 : memref<16x16xf32, #tpu.memory_space<hbm>>) target(%dma_start3A_20 : memref<16x16xf32, #tpu.memory_space<vmem_shared>>) target_semaphore(%run_scoped3A : memref<!tpu.dma_semaphore, #tpu.memory_space<semaphore_mem>>)
        %dma_wait3A = arith.constant 9984 : i32
        %dma_wait3A_24 = arith.constant 0 : i32
        %dma_wait3A_25 = tpu.memref_slice %arg9[%dma_wait3A, %dma_wait3A_24] : memref<10000x16xf32, #tpu.memory_space<vmem_shared>> -> memref<16x16xf32, #tpu.memory_space<vmem_shared>>
        %dma_wait3A_26 = arith.constant 9984 : i32
        %dma_wait3A_27 = arith.constant 0 : i32
        %dma_wait3A_28 = tpu.memref_slice %arg4[%dma_wait3A_26, %dma_wait3A_27] : memref<10000x16xf32, #tpu.memory_space<hbm>> -> memref<16x16xf32, #tpu.memory_space<hbm>>
        tpu.wait_dma2 semaphore(%run_scoped3A : memref<!tpu.dma_semaphore, #tpu.memory_space<semaphore_mem>>) src(%dma_wait3A_28 : memref<16x16xf32, #tpu.memory_space<hbm>>) dst(%dma_wait3A_25 : memref<16x16xf32, #tpu.memory_space<vmem_shared>>)
        tpu.yield
      }) : () -> ()
    } else {
    }
    %barrier3A = arith.constant 0 : index
    tpu.barrier barrier_id(%barrier3A)
    %mul3A_3 = arith.constant 2 : i32
    %mul3A_4 = arith.muli %arg1, %mul3A_3 : i32
    %add3A = arith.addi %mul3A_4, %arg0 : i32
    %scan3A = arith.constant 0 : i32
    %scan3A_5 = arith.constant 0 : i32
    %scan3A_6 = arith.constant 5 : i32
    %scan3A_7 = arith.addi %scan3A_5, %scan3A_6 : i32
    %scan3A_8 = arith.constant 1 : i32
    scf.for %scan3A_19 = %scan3A_5 to %scan3A_7 step %scan3A_8  : i32 {
      %mul3A_20 = arith.constant 10000 : i32
      %mul3A_21 = arith.muli %add3A, %mul3A_20 : i32
      %mul3A_22 = arith.constant 2000 : i32
      %mul3A_23 = arith.muli %scan3A_19, %mul3A_22 : i32
      %add3A_24 = arith.addi %mul3A_21, %mul3A_23 : i32
      "tpu.region"() ({
        %run_scoped3A = tpu.sem_alloc : memref<!tpu.dma_semaphore, #tpu.memory_space<semaphore_mem>>
        %dma_start3A = tpu.memref_slice %arg2[%add3A_24] : memref<320000xi32, #tpu.memory_space<hbm>> -> memref<2000xi32, #tpu.memory_space<hbm>>
        %dma_start3A_31 = tpu.memref_slice %arg2[%add3A_24] : memref<320000xi32, #tpu.memory_space<hbm>> -> memref<2000xi32, #tpu.memory_space<hbm>>
        tpu.enqueue_dma source(%dma_start3A_31 : memref<2000xi32, #tpu.memory_space<hbm>>) target(%arg6 : memref<2000xi32, #tpu.memory_space<vmem>>) target_semaphore(%run_scoped3A : memref<!tpu.dma_semaphore, #tpu.memory_space<semaphore_mem>>)
        %dma_wait3A = tpu.memref_slice %arg2[%add3A_24] : memref<320000xi32, #tpu.memory_space<hbm>> -> memref<2000xi32, #tpu.memory_space<hbm>>
        %dma_wait3A_32 = tpu.memref_slice %arg2[%add3A_24] : memref<320000xi32, #tpu.memory_space<hbm>> -> memref<2000xi32, #tpu.memory_space<hbm>>
        tpu.wait_dma2 semaphore(%run_scoped3A : memref<!tpu.dma_semaphore, #tpu.memory_space<semaphore_mem>>) src(%dma_wait3A_32 : memref<2000xi32, #tpu.memory_space<hbm>>) dst(%arg6 : memref<2000xi32, #tpu.memory_space<vmem>>)
        tpu.yield
      }) : () -> ()
      "tpu.region"() ({
        %run_scoped3A = tpu.sem_alloc : memref<!tpu.dma_semaphore, #tpu.memory_space<semaphore_mem>>
        %dma_start3A = tpu.memref_slice %arg3[%add3A_24] : memref<320000xf32, #tpu.memory_space<hbm>> -> memref<2000xf32, #tpu.memory_space<hbm>>
        %dma_start3A_31 = tpu.memref_slice %arg3[%add3A_24] : memref<320000xf32, #tpu.memory_space<hbm>> -> memref<2000xf32, #tpu.memory_space<hbm>>
        tpu.enqueue_dma source(%dma_start3A_31 : memref<2000xf32, #tpu.memory_space<hbm>>) target(%arg7 : memref<2000xf32, #tpu.memory_space<vmem>>) target_semaphore(%run_scoped3A : memref<!tpu.dma_semaphore, #tpu.memory_space<semaphore_mem>>)
        %dma_wait3A = tpu.memref_slice %arg3[%add3A_24] : memref<320000xf32, #tpu.memory_space<hbm>> -> memref<2000xf32, #tpu.memory_space<hbm>>
        %dma_wait3A_32 = tpu.memref_slice %arg3[%add3A_24] : memref<320000xf32, #tpu.memory_space<hbm>> -> memref<2000xf32, #tpu.memory_space<hbm>>
        tpu.wait_dma2 semaphore(%run_scoped3A : memref<!tpu.dma_semaphore, #tpu.memory_space<semaphore_mem>>) src(%dma_wait3A_32 : memref<2000xf32, #tpu.memory_space<hbm>>) dst(%arg7 : memref<2000xf32, #tpu.memory_space<vmem>>)
        tpu.yield
      }) : () -> ()
      %scan3A_25 = arith.constant 0 : i32
      %scan3A_26 = arith.constant 0 : i32
      %scan3A_27 = arith.constant 2000 : i32
      %scan3A_28 = arith.addi %scan3A_26, %scan3A_27 : i32
      %scan3A_29 = arith.constant 1 : i32
      scf.for %scan3A_31 = %scan3A_26 to %scan3A_28 step %scan3A_29  : i32 {
        %broadcast_in_dim3A = arith.constant 0 : i32
        %broadcast_in_dim3A_32 = vector.broadcast %broadcast_in_dim3A : i32 to vector<16xi32>
        %add3A_33 = vector.broadcast %scan3A_31 : i32 to vector<16xi32>
        %add3A_34 = arith.addi %broadcast_in_dim3A_32, %add3A_33 : vector<16xi32>
        %gather3A = tpu.vector_load_idx %arg7[%add3A_34] : memref<2000xf32, #tpu.memory_space<vmem>>[vector<16xi32>], vector<16xf32>,
        %swap3A = arith.index_cast %scan3A_31 : i32 to index
        %swap3A_35 = arith.constant 0 : index
        %swap3A_36 = tpu.vector_load %arg8[%swap3A, %swap3A_35] {strides = array<i32>} : memref<2000x16xf32, #tpu.memory_space<vmem>>, vector<16xf32>,
        tpu.vector_store %arg8[%swap3A, %swap3A_35], %gather3A {strides = array<i32>} : memref<2000x16xf32, #tpu.memory_space<vmem>>, vector<16xf32>,
      }
      %scan3A_30 = arith.constant 2000 : i32
      "tpu.region"() ({
        %run_scoped3A = tpu.sem_alloc : memref<!tpu.dma_semaphore, #tpu.memory_space<semaphore_mem>>
        %dma_start3A = arith.constant 0 : i32
        %dma_start3A_31 = arith.constant 0 : i32
        %dma_start3A_32 = tpu.memref_slice %arg9[%dma_start3A, %dma_start3A_31] : memref<10000x16xf32, #tpu.memory_space<vmem_shared>> -> memref<10000x16xf32, #tpu.memory_space<vmem_shared>>
        tpu.enqueue_indirect_dma source(%arg8 : memref<2000x16xf32, #tpu.memory_space<vmem>>) target(%dma_start3A_32 : memref<10000x16xf32, #tpu.memory_space<vmem_shared>>) offsets(%arg6 : memref<2000xi32, #tpu.memory_space<vmem>>) semaphore(%run_scoped3A : memref<!tpu.dma_semaphore, #tpu.memory_space<semaphore_mem>>) {add = true}
        %dma_wait3A = arith.constant 0 : i32
        %dma_wait3A_33 = arith.constant 0 : i32
        %dma_wait3A_34 = tpu.memref_slice %arg9[%dma_wait3A, %dma_wait3A_33] : memref<10000x16xf32, #tpu.memory_space<vmem_shared>> -> memref<10000x16xf32, #tpu.memory_space<vmem_shared>>
        tpu.wait_indirect_dma semaphore(%run_scoped3A : memref<!tpu.dma_semaphore, #tpu.memory_space<semaphore_mem>>) src(%arg8 : memref<2000x16xf32, #tpu.memory_space<vmem>>) dst(%dma_wait3A_34 : memref<10000x16xf32, #tpu.memory_space<vmem_shared>>)
        tpu.yield
      }) : () -> ()
    }
    %scan3A_9 = arith.constant 5 : i32
    %barrier3A_10 = arith.constant 0 : index
    tpu.barrier barrier_id(%barrier3A_10)
    %mul3A_11 = arith.constant 10000 : i32
    %mul3A_12 = arith.muli %arg0, %mul3A_11 : i32
    %add3A_13 = arith.addi %mul3A_12, %mul3A_0 : i32
    "tpu.region"() ({
      %run_scoped3A = tpu.sem_alloc : memref<!tpu.dma_semaphore, #tpu.memory_space<semaphore_mem>>
      %dma_start3A = arith.constant 0 : i32
      %dma_start3A_19 = tpu.memref_slice %arg5[%add3A_13, %dma_start3A] : memref<20000x16xf32, #tpu.memory_space<hbm>> -> memref<624x16xf32, #tpu.memory_space<hbm>>
      %dma_start3A_20 = arith.constant 0 : i32
      %dma_start3A_21 = tpu.memref_slice %arg9[%mul3A_0, %dma_start3A_20] : memref<10000x16xf32, #tpu.memory_space<vmem_shared>> -> memref<624x16xf32, #tpu.memory_space<vmem_shared>>
      tpu.enqueue_dma source(%dma_start3A_21 : memref<624x16xf32, #tpu.memory_space<vmem_shared>>) target(%dma_start3A_19 : memref<624x16xf32, #tpu.memory_space<hbm>>) target_semaphore(%run_scoped3A : memref<!tpu.dma_semaphore, #tpu.memory_space<semaphore_mem>>)
      %dma_wait3A = arith.constant 0 : i32
      %dma_wait3A_22 = tpu.memref_slice %arg5[%add3A_13, %dma_wait3A] : memref<20000x16xf32, #tpu.memory_space<hbm>> -> memref<624x16xf32, #tpu.memory_space<hbm>>
      %dma_wait3A_23 = arith.constant 0 : i32
      %dma_wait3A_24 = tpu.memref_slice %arg9[%mul3A_0, %dma_wait3A_23] : memref<10000x16xf32, #tpu.memory_space<vmem_shared>> -> memref<624x16xf32, #tpu.memory_space<vmem_shared>>
      tpu.wait_dma2 semaphore(%run_scoped3A : memref<!tpu.dma_semaphore, #tpu.memory_space<semaphore_mem>>) src(%dma_wait3A_24 : memref<624x16xf32, #tpu.memory_space<vmem_shared>>) dst(%dma_wait3A_22 : memref<624x16xf32, #tpu.memory_space<hbm>>)
      tpu.yield
    }) : () -> ()
    %eq3A_14 = arith.constant 0 : i32
    %eq3A_15 = arith.cmpi eq, %arg1, %eq3A_14 : i32
    %convert_element_type3A_16 = arith.extui %eq3A_15 : i1 to i32
    %cond3A_17 = arith.constant 0 : i32
    %cond3A_18 = arith.cmpi ne, %convert_element_type3A_16, %cond3A_17 : i32
    scf.if %cond3A_18 {
      %mul3A_19 = arith.constant 10000 : i32
      %mul3A_20 = arith.muli %arg0, %mul3A_19 : i32
      %add3A_21 = arith.constant 9984 : i32
      %add3A_22 = arith.addi %mul3A_20, %add3A_21 : i32
      "tpu.region"() ({
        %run_scoped3A = tpu.sem_alloc : memref<!tpu.dma_semaphore, #tpu.memory_space<semaphore_mem>>
        %dma_start3A = arith.constant 0 : i32
        %dma_start3A_23 = tpu.memref_slice %arg5[%add3A_22, %dma_start3A] : memref<20000x16xf32, #tpu.memory_space<hbm>> -> memref<16x16xf32, #tpu.memory_space<hbm>>
        %dma_start3A_24 = arith.constant 9984 : i32
        %dma_start3A_25 = arith.constant 0 : i32
        %dma_start3A_26 = tpu.memref_slice %arg9[%dma_start3A_24, %dma_start3A_25] : memref<10000x16xf32, #tpu.memory_space<vmem_shared>> -> memref<16x16xf32, #tpu.memory_space<vmem_shared>>
        tpu.enqueue_dma source(%dma_start3A_26 : memref<16x16xf32, #tpu.memory_space<vmem_shared>>) target(%dma_start3A_23 : memref<16x16xf32, #tpu.memory_space<hbm>>) target_semaphore(%run_scoped3A : memref<!tpu.dma_semaphore, #tpu.memory_space<semaphore_mem>>)
        %dma_wait3A = arith.constant 0 : i32
        %dma_wait3A_27 = tpu.memref_slice %arg5[%add3A_22, %dma_wait3A] : memref<20000x16xf32, #tpu.memory_space<hbm>> -> memref<16x16xf32, #tpu.memory_space<hbm>>
        %dma_wait3A_28 = arith.constant 9984 : i32
        %dma_wait3A_29 = arith.constant 0 : i32
        %dma_wait3A_30 = tpu.memref_slice %arg9[%dma_wait3A_28, %dma_wait3A_29] : memref<10000x16xf32, #tpu.memory_space<vmem_shared>> -> memref<16x16xf32, #tpu.memory_space<vmem_shared>>
        tpu.wait_dma2 semaphore(%run_scoped3A : memref<!tpu.dma_semaphore, #tpu.memory_space<semaphore_mem>>) src(%dma_wait3A_30 : memref<16x16xf32, #tpu.memory_space<vmem_shared>>) dst(%dma_wait3A_27 : memref<16x16xf32, #tpu.memory_space<hbm>>)
        tpu.yield
      }) : () -> ()
    } else {
    }
    return
  }
}

#map = affine_map<(d0, d1) -> (0, 0)>
#map1 = affine_map<(d0, d1) -> (0)>
module attributes {stable_mosaic.version = 14 : i64} {
  func.func @k(%arg0: i32, %arg1: i32, %arg2: memref<20000x128xf32, #tpu.memory_space<hbm>>, %arg3: memref<640000xi32, #tpu.memory_space<hbm>>, %arg4: memref<320000xi32, #tpu.memory_space<hbm>>, %arg5: memref<320000xf32, #tpu.memory_space<hbm>>, %arg6: memref<20000x128xf32, #tpu.memory_space<hbm>>, %arg7: memref<200xi32, #tpu.memory_space<vmem>>, %arg8: memref<200xi32, #tpu.memory_space<vmem>>, %arg9: memref<200xf32, #tpu.memory_space<vmem>>, %arg10: memref<200x128xf32, #tpu.memory_space<vmem>>, %arg11: memref<10000x128xf32, #tpu.memory_space<vmem_shared>>, %arg12: memref<!tpu.dma_semaphore, #tpu.memory_space<semaphore_mem>>) attributes {dimension_semantics = [#tpu.dimension_semantics<core_parallel>, #tpu.dimension_semantics<subcore_parallel>], iteration_bounds = array<i64: 2, 16>, scalar_prefetch = 0 : i64, scratch_operands = 6 : i64, tpu.core_type = #tpu.core_type<sc_vector_subcore>, window_params = [{transform_indices = #map}, {transform_indices = #map1}, {transform_indices = #map1}, {transform_indices = #map1}, {transform_indices = #map}]} {
    %mul3A = arith.constant 624 : i32
    %mul3A_0 = arith.muli %arg1, %mul3A : i32
    %mul3A_1 = arith.constant 10000 : i32
    %mul3A_2 = arith.muli %arg0, %mul3A_1 : i32
    %add3A = arith.addi %mul3A_2, %mul3A_0 : i32
    "tpu.region"() ({
      %run_scoped3A = tpu.sem_alloc : memref<!tpu.dma_semaphore, #tpu.memory_space<semaphore_mem>>
      %dma_start3A = arith.constant 0 : i32
      %dma_start3A_19 = tpu.memref_slice %arg11[%mul3A_0, %dma_start3A] : memref<10000x128xf32, #tpu.memory_space<vmem_shared>> -> memref<624x128xf32, #tpu.memory_space<vmem_shared>>
      %dma_start3A_20 = arith.constant 0 : i32
      %dma_start3A_21 = tpu.memref_slice %arg2[%add3A, %dma_start3A_20] : memref<20000x128xf32, #tpu.memory_space<hbm>> -> memref<624x128xf32, #tpu.memory_space<hbm>>
      tpu.enqueue_dma source(%dma_start3A_21 : memref<624x128xf32, #tpu.memory_space<hbm>>) target(%dma_start3A_19 : memref<624x128xf32, #tpu.memory_space<vmem_shared>>) target_semaphore(%run_scoped3A : memref<!tpu.dma_semaphore, #tpu.memory_space<semaphore_mem>>)
      %dma_wait3A = arith.constant 0 : i32
      %dma_wait3A_22 = tpu.memref_slice %arg11[%mul3A_0, %dma_wait3A] : memref<10000x128xf32, #tpu.memory_space<vmem_shared>> -> memref<624x128xf32, #tpu.memory_space<vmem_shared>>
      %dma_wait3A_23 = arith.constant 0 : i32
      %dma_wait3A_24 = tpu.memref_slice %arg2[%add3A, %dma_wait3A_23] : memref<20000x128xf32, #tpu.memory_space<hbm>> -> memref<624x128xf32, #tpu.memory_space<hbm>>
      tpu.wait_dma2 semaphore(%run_scoped3A : memref<!tpu.dma_semaphore, #tpu.memory_space<semaphore_mem>>) src(%dma_wait3A_24 : memref<624x128xf32, #tpu.memory_space<hbm>>) dst(%dma_wait3A_22 : memref<624x128xf32, #tpu.memory_space<vmem_shared>>)
      tpu.yield
    }) : () -> ()
    %eq3A = arith.constant 0 : i32
    %eq3A_3 = arith.cmpi eq, %arg1, %eq3A : i32
    %convert_element_type3A = arith.extui %eq3A_3 : i1 to i32
    %cond3A = arith.constant 0 : i32
    %cond3A_4 = arith.cmpi ne, %convert_element_type3A, %cond3A : i32
    scf.if %cond3A_4 {
      %mul3A_19 = arith.constant 10000 : i32
      %mul3A_20 = arith.muli %arg0, %mul3A_19 : i32
      %add3A_21 = arith.constant 9984 : i32
      %add3A_22 = arith.addi %mul3A_20, %add3A_21 : i32
      "tpu.region"() ({
        %run_scoped3A = tpu.sem_alloc : memref<!tpu.dma_semaphore, #tpu.memory_space<semaphore_mem>>
        %dma_start3A = arith.constant 9984 : i32
        %dma_start3A_23 = arith.constant 0 : i32
        %dma_start3A_24 = tpu.memref_slice %arg11[%dma_start3A, %dma_start3A_23] : memref<10000x128xf32, #tpu.memory_space<vmem_shared>> -> memref<16x128xf32, #tpu.memory_space<vmem_shared>>
        %dma_start3A_25 = arith.constant 0 : i32
        %dma_start3A_26 = tpu.memref_slice %arg2[%add3A_22, %dma_start3A_25] : memref<20000x128xf32, #tpu.memory_space<hbm>> -> memref<16x128xf32, #tpu.memory_space<hbm>>
        tpu.enqueue_dma source(%dma_start3A_26 : memref<16x128xf32, #tpu.memory_space<hbm>>) target(%dma_start3A_24 : memref<16x128xf32, #tpu.memory_space<vmem_shared>>) target_semaphore(%run_scoped3A : memref<!tpu.dma_semaphore, #tpu.memory_space<semaphore_mem>>)
        %dma_wait3A = arith.constant 9984 : i32
        %dma_wait3A_27 = arith.constant 0 : i32
        %dma_wait3A_28 = tpu.memref_slice %arg11[%dma_wait3A, %dma_wait3A_27] : memref<10000x128xf32, #tpu.memory_space<vmem_shared>> -> memref<16x128xf32, #tpu.memory_space<vmem_shared>>
        %dma_wait3A_29 = arith.constant 0 : i32
        %dma_wait3A_30 = tpu.memref_slice %arg2[%add3A_22, %dma_wait3A_29] : memref<20000x128xf32, #tpu.memory_space<hbm>> -> memref<16x128xf32, #tpu.memory_space<hbm>>
        tpu.wait_dma2 semaphore(%run_scoped3A : memref<!tpu.dma_semaphore, #tpu.memory_space<semaphore_mem>>) src(%dma_wait3A_30 : memref<16x128xf32, #tpu.memory_space<hbm>>) dst(%dma_wait3A_28 : memref<16x128xf32, #tpu.memory_space<vmem_shared>>)
        tpu.yield
      }) : () -> ()
    } else {
    }
    %barrier3A = arith.constant 0 : index
    tpu.barrier barrier_id(%barrier3A)
    %scan3A = arith.constant 0 : i32
    %scan3A_5 = arith.constant 0 : i32
    %scan3A_6 = arith.constant 100 : i32
    %scan3A_7 = arith.addi %scan3A_5, %scan3A_6 : i32
    %scan3A_8 = arith.constant 1 : i32
    scf.for %scan3A_19 = %scan3A_5 to %scan3A_7 step %scan3A_8  : i32 {
      %mul3A_20 = arith.constant 320000 : i32
      %mul3A_21 = arith.muli %arg0, %mul3A_20 : i32
      %mul3A_22 = arith.constant 20000 : i32
      %mul3A_23 = arith.muli %arg1, %mul3A_22 : i32
      %add3A_24 = arith.addi %mul3A_21, %mul3A_23 : i32
      %mul3A_25 = arith.constant 200 : i32
      %mul3A_26 = arith.muli %scan3A_19, %mul3A_25 : i32
      %add3A_27 = arith.addi %add3A_24, %mul3A_26 : i32
      %mul3A_28 = arith.constant 20000 : i32
      %mul3A_29 = arith.muli %arg1, %mul3A_28 : i32
      %mul3A_30 = arith.constant 200 : i32
      %mul3A_31 = arith.muli %scan3A_19, %mul3A_30 : i32
      %add3A_32 = arith.addi %mul3A_29, %mul3A_31 : i32
      "tpu.region"() ({
        %run_scoped3A = tpu.sem_alloc : memref<!tpu.dma_semaphore, #tpu.memory_space<semaphore_mem>>
        %dma_start3A_39 = tpu.memref_slice %arg3[%add3A_27] : memref<640000xi32, #tpu.memory_space<hbm>> -> memref<200xi32, #tpu.memory_space<hbm>>
        %dma_start3A_40 = tpu.memref_slice %arg3[%add3A_27] : memref<640000xi32, #tpu.memory_space<hbm>> -> memref<200xi32, #tpu.memory_space<hbm>>
        tpu.enqueue_dma source(%dma_start3A_40 : memref<200xi32, #tpu.memory_space<hbm>>) target(%arg7 : memref<200xi32, #tpu.memory_space<vmem>>) target_semaphore(%run_scoped3A : memref<!tpu.dma_semaphore, #tpu.memory_space<semaphore_mem>>)
        %dma_wait3A_41 = tpu.memref_slice %arg3[%add3A_27] : memref<640000xi32, #tpu.memory_space<hbm>> -> memref<200xi32, #tpu.memory_space<hbm>>
        %dma_wait3A_42 = tpu.memref_slice %arg3[%add3A_27] : memref<640000xi32, #tpu.memory_space<hbm>> -> memref<200xi32, #tpu.memory_space<hbm>>
        tpu.wait_dma2 semaphore(%run_scoped3A : memref<!tpu.dma_semaphore, #tpu.memory_space<semaphore_mem>>) src(%dma_wait3A_42 : memref<200xi32, #tpu.memory_space<hbm>>) dst(%arg7 : memref<200xi32, #tpu.memory_space<vmem>>)
        tpu.yield
      }) : () -> ()
      "tpu.region"() ({
        %run_scoped3A = tpu.sem_alloc : memref<!tpu.dma_semaphore, #tpu.memory_space<semaphore_mem>>
        %dma_start3A_39 = tpu.memref_slice %arg4[%add3A_32] : memref<320000xi32, #tpu.memory_space<hbm>> -> memref<200xi32, #tpu.memory_space<hbm>>
        %dma_start3A_40 = tpu.memref_slice %arg4[%add3A_32] : memref<320000xi32, #tpu.memory_space<hbm>> -> memref<200xi32, #tpu.memory_space<hbm>>
        tpu.enqueue_dma source(%dma_start3A_40 : memref<200xi32, #tpu.memory_space<hbm>>) target(%arg8 : memref<200xi32, #tpu.memory_space<vmem>>) target_semaphore(%run_scoped3A : memref<!tpu.dma_semaphore, #tpu.memory_space<semaphore_mem>>)
        %dma_wait3A_41 = tpu.memref_slice %arg4[%add3A_32] : memref<320000xi32, #tpu.memory_space<hbm>> -> memref<200xi32, #tpu.memory_space<hbm>>
        %dma_wait3A_42 = tpu.memref_slice %arg4[%add3A_32] : memref<320000xi32, #tpu.memory_space<hbm>> -> memref<200xi32, #tpu.memory_space<hbm>>
        tpu.wait_dma2 semaphore(%run_scoped3A : memref<!tpu.dma_semaphore, #tpu.memory_space<semaphore_mem>>) src(%dma_wait3A_42 : memref<200xi32, #tpu.memory_space<hbm>>) dst(%arg8 : memref<200xi32, #tpu.memory_space<vmem>>)
        tpu.yield
      }) : () -> ()
      "tpu.region"() ({
        %run_scoped3A = tpu.sem_alloc : memref<!tpu.dma_semaphore, #tpu.memory_space<semaphore_mem>>
        %dma_start3A_39 = tpu.memref_slice %arg5[%add3A_32] : memref<320000xf32, #tpu.memory_space<hbm>> -> memref<200xf32, #tpu.memory_space<hbm>>
        %dma_start3A_40 = tpu.memref_slice %arg5[%add3A_32] : memref<320000xf32, #tpu.memory_space<hbm>> -> memref<200xf32, #tpu.memory_space<hbm>>
        tpu.enqueue_dma source(%dma_start3A_40 : memref<200xf32, #tpu.memory_space<hbm>>) target(%arg9 : memref<200xf32, #tpu.memory_space<vmem>>) target_semaphore(%run_scoped3A : memref<!tpu.dma_semaphore, #tpu.memory_space<semaphore_mem>>)
        %dma_wait3A_41 = tpu.memref_slice %arg5[%add3A_32] : memref<320000xf32, #tpu.memory_space<hbm>> -> memref<200xf32, #tpu.memory_space<hbm>>
        %dma_wait3A_42 = tpu.memref_slice %arg5[%add3A_32] : memref<320000xf32, #tpu.memory_space<hbm>> -> memref<200xf32, #tpu.memory_space<hbm>>
        tpu.wait_dma2 semaphore(%run_scoped3A : memref<!tpu.dma_semaphore, #tpu.memory_space<semaphore_mem>>) src(%dma_wait3A_42 : memref<200xf32, #tpu.memory_space<hbm>>) dst(%arg9 : memref<200xf32, #tpu.memory_space<vmem>>)
        tpu.yield
      }) : () -> ()
      %dma_start3A = arith.constant 0 : i32
      %dma_start3A_33 = arith.constant 0 : i32
      %dma_start3A_34 = tpu.memref_slice %arg2[%dma_start3A, %dma_start3A_33] : memref<20000x128xf32, #tpu.memory_space<hbm>> -> memref<20000x128xf32, #tpu.memory_space<hbm>>
      tpu.enqueue_indirect_dma source(%dma_start3A_34 : memref<20000x128xf32, #tpu.memory_space<hbm>>) target(%arg10 : memref<200x128xf32, #tpu.memory_space<vmem>>) offsets(%arg7 : memref<200xi32, #tpu.memory_space<vmem>>) semaphore(%arg12 : memref<!tpu.dma_semaphore, #tpu.memory_space<semaphore_mem>>)
      %dma_wait3A = arith.constant 0 : i32
      %dma_wait3A_35 = arith.constant 0 : i32
      %dma_wait3A_36 = tpu.memref_slice %arg2[%dma_wait3A, %dma_wait3A_35] : memref<20000x128xf32, #tpu.memory_space<hbm>> -> memref<20000x128xf32, #tpu.memory_space<hbm>>
      tpu.wait_indirect_dma semaphore(%arg12 : memref<!tpu.dma_semaphore, #tpu.memory_space<semaphore_mem>>) src(%dma_wait3A_36 : memref<20000x128xf32, #tpu.memory_space<hbm>>) dst(%arg10 : memref<200x128xf32, #tpu.memory_space<vmem>>)
      %parallel_loop3A = arith.constant 0 : i32
      %parallel_loop3A_37 = arith.constant 200 : i32
      %parallel_loop3A_38 = arith.constant 1 : i32
      scf.for %parallel_loop3A_39 = %parallel_loop3A to %parallel_loop3A_37 step %parallel_loop3A_38  : i32 {
        %parallel_loop3A_40 = arith.constant 0 : i32
        %parallel_loop3A_41 = vector.broadcast %parallel_loop3A_40 : i32 to vector<16xi32>
        %parallel_loop3A_42 = vector.broadcast %parallel_loop3A_39 : i32 to vector<16xi32>
        %parallel_loop3A_43 = arith.addi %parallel_loop3A_41, %parallel_loop3A_42 : vector<16xi32>
        %parallel_loop3A_44 = tpu.vector_load_idx %arg9[%parallel_loop3A_43] : memref<200xf32, #tpu.memory_space<vmem>>[vector<16xi32>], vector<16xf32>,
        %parallel_loop3A_45 = arith.index_cast %parallel_loop3A_39 : i32 to index
        %parallel_loop3A_46 = arith.constant 0 : index
        %parallel_loop3A_47 = tpu.vector_load %arg10[%parallel_loop3A_45, %parallel_loop3A_46] {strides = array<i32>} : memref<200x128xf32, #tpu.memory_space<vmem>>, vector<16xf32>,
        %parallel_loop3A_48 = arith.mulf %parallel_loop3A_47, %parallel_loop3A_44 : vector<16xf32>
        %parallel_loop3A_49 = arith.index_cast %parallel_loop3A_39 : i32 to index
        %parallel_loop3A_50 = arith.constant 0 : index
        %parallel_loop3A_51 = tpu.vector_load %arg10[%parallel_loop3A_49, %parallel_loop3A_50] {strides = array<i32>} : memref<200x128xf32, #tpu.memory_space<vmem>>, vector<16xf32>,
        tpu.vector_store %arg10[%parallel_loop3A_49, %parallel_loop3A_50], %parallel_loop3A_48 {strides = array<i32>} : memref<200x128xf32, #tpu.memory_space<vmem>>, vector<16xf32>,
        %parallel_loop3A_52 = arith.index_cast %parallel_loop3A_39 : i32 to index
        %parallel_loop3A_53 = arith.constant 16 : index
        %parallel_loop3A_54 = tpu.vector_load %arg10[%parallel_loop3A_52, %parallel_loop3A_53] {strides = array<i32>} : memref<200x128xf32, #tpu.memory_space<vmem>>, vector<16xf32>,
        %parallel_loop3A_55 = arith.mulf %parallel_loop3A_54, %parallel_loop3A_44 : vector<16xf32>
        %parallel_loop3A_56 = arith.index_cast %parallel_loop3A_39 : i32 to index
        %parallel_loop3A_57 = arith.constant 16 : index
        %parallel_loop3A_58 = tpu.vector_load %arg10[%parallel_loop3A_56, %parallel_loop3A_57] {strides = array<i32>} : memref<200x128xf32, #tpu.memory_space<vmem>>, vector<16xf32>,
        tpu.vector_store %arg10[%parallel_loop3A_56, %parallel_loop3A_57], %parallel_loop3A_55 {strides = array<i32>} : memref<200x128xf32, #tpu.memory_space<vmem>>, vector<16xf32>,
        %parallel_loop3A_59 = arith.index_cast %parallel_loop3A_39 : i32 to index
        %parallel_loop3A_60 = arith.constant 32 : index
        %parallel_loop3A_61 = tpu.vector_load %arg10[%parallel_loop3A_59, %parallel_loop3A_60] {strides = array<i32>} : memref<200x128xf32, #tpu.memory_space<vmem>>, vector<16xf32>,
        %parallel_loop3A_62 = arith.mulf %parallel_loop3A_61, %parallel_loop3A_44 : vector<16xf32>
        %parallel_loop3A_63 = arith.index_cast %parallel_loop3A_39 : i32 to index
        %parallel_loop3A_64 = arith.constant 32 : index
        %parallel_loop3A_65 = tpu.vector_load %arg10[%parallel_loop3A_63, %parallel_loop3A_64] {strides = array<i32>} : memref<200x128xf32, #tpu.memory_space<vmem>>, vector<16xf32>,
        tpu.vector_store %arg10[%parallel_loop3A_63, %parallel_loop3A_64], %parallel_loop3A_62 {strides = array<i32>} : memref<200x128xf32, #tpu.memory_space<vmem>>, vector<16xf32>,
        %parallel_loop3A_66 = arith.index_cast %parallel_loop3A_39 : i32 to index
        %parallel_loop3A_67 = arith.constant 48 : index
        %parallel_loop3A_68 = tpu.vector_load %arg10[%parallel_loop3A_66, %parallel_loop3A_67] {strides = array<i32>} : memref<200x128xf32, #tpu.memory_space<vmem>>, vector<16xf32>,
        %parallel_loop3A_69 = arith.mulf %parallel_loop3A_68, %parallel_loop3A_44 : vector<16xf32>
        %parallel_loop3A_70 = arith.index_cast %parallel_loop3A_39 : i32 to index
        %parallel_loop3A_71 = arith.constant 48 : index
        %parallel_loop3A_72 = tpu.vector_load %arg10[%parallel_loop3A_70, %parallel_loop3A_71] {strides = array<i32>} : memref<200x128xf32, #tpu.memory_space<vmem>>, vector<16xf32>,
        tpu.vector_store %arg10[%parallel_loop3A_70, %parallel_loop3A_71], %parallel_loop3A_69 {strides = array<i32>} : memref<200x128xf32, #tpu.memory_space<vmem>>, vector<16xf32>,
        %parallel_loop3A_73 = arith.index_cast %parallel_loop3A_39 : i32 to index
        %parallel_loop3A_74 = arith.constant 64 : index
        %parallel_loop3A_75 = tpu.vector_load %arg10[%parallel_loop3A_73, %parallel_loop3A_74] {strides = array<i32>} : memref<200x128xf32, #tpu.memory_space<vmem>>, vector<16xf32>,
        %parallel_loop3A_76 = arith.mulf %parallel_loop3A_75, %parallel_loop3A_44 : vector<16xf32>
        %parallel_loop3A_77 = arith.index_cast %parallel_loop3A_39 : i32 to index
        %parallel_loop3A_78 = arith.constant 64 : index
        %parallel_loop3A_79 = tpu.vector_load %arg10[%parallel_loop3A_77, %parallel_loop3A_78] {strides = array<i32>} : memref<200x128xf32, #tpu.memory_space<vmem>>, vector<16xf32>,
        tpu.vector_store %arg10[%parallel_loop3A_77, %parallel_loop3A_78], %parallel_loop3A_76 {strides = array<i32>} : memref<200x128xf32, #tpu.memory_space<vmem>>, vector<16xf32>,
        %parallel_loop3A_80 = arith.index_cast %parallel_loop3A_39 : i32 to index
        %parallel_loop3A_81 = arith.constant 80 : index
        %parallel_loop3A_82 = tpu.vector_load %arg10[%parallel_loop3A_80, %parallel_loop3A_81] {strides = array<i32>} : memref<200x128xf32, #tpu.memory_space<vmem>>, vector<16xf32>,
        %parallel_loop3A_83 = arith.mulf %parallel_loop3A_82, %parallel_loop3A_44 : vector<16xf32>
        %parallel_loop3A_84 = arith.index_cast %parallel_loop3A_39 : i32 to index
        %parallel_loop3A_85 = arith.constant 80 : index
        %parallel_loop3A_86 = tpu.vector_load %arg10[%parallel_loop3A_84, %parallel_loop3A_85] {strides = array<i32>} : memref<200x128xf32, #tpu.memory_space<vmem>>, vector<16xf32>,
        tpu.vector_store %arg10[%parallel_loop3A_84, %parallel_loop3A_85], %parallel_loop3A_83 {strides = array<i32>} : memref<200x128xf32, #tpu.memory_space<vmem>>, vector<16xf32>,
        %parallel_loop3A_87 = arith.index_cast %parallel_loop3A_39 : i32 to index
        %parallel_loop3A_88 = arith.constant 96 : index
        %parallel_loop3A_89 = tpu.vector_load %arg10[%parallel_loop3A_87, %parallel_loop3A_88] {strides = array<i32>} : memref<200x128xf32, #tpu.memory_space<vmem>>, vector<16xf32>,
        %parallel_loop3A_90 = arith.mulf %parallel_loop3A_89, %parallel_loop3A_44 : vector<16xf32>
        %parallel_loop3A_91 = arith.index_cast %parallel_loop3A_39 : i32 to index
        %parallel_loop3A_92 = arith.constant 96 : index
        %parallel_loop3A_93 = tpu.vector_load %arg10[%parallel_loop3A_91, %parallel_loop3A_92] {strides = array<i32>} : memref<200x128xf32, #tpu.memory_space<vmem>>, vector<16xf32>,
        tpu.vector_store %arg10[%parallel_loop3A_91, %parallel_loop3A_92], %parallel_loop3A_90 {strides = array<i32>} : memref<200x128xf32, #tpu.memory_space<vmem>>, vector<16xf32>,
        %parallel_loop3A_94 = arith.index_cast %parallel_loop3A_39 : i32 to index
        %parallel_loop3A_95 = arith.constant 112 : index
        %parallel_loop3A_96 = tpu.vector_load %arg10[%parallel_loop3A_94, %parallel_loop3A_95] {strides = array<i32>} : memref<200x128xf32, #tpu.memory_space<vmem>>, vector<16xf32>,
        %parallel_loop3A_97 = arith.mulf %parallel_loop3A_96, %parallel_loop3A_44 : vector<16xf32>
        %parallel_loop3A_98 = arith.index_cast %parallel_loop3A_39 : i32 to index
        %parallel_loop3A_99 = arith.constant 112 : index
        %parallel_loop3A_100 = tpu.vector_load %arg10[%parallel_loop3A_98, %parallel_loop3A_99] {strides = array<i32>} : memref<200x128xf32, #tpu.memory_space<vmem>>, vector<16xf32>,
        tpu.vector_store %arg10[%parallel_loop3A_98, %parallel_loop3A_99], %parallel_loop3A_97 {strides = array<i32>} : memref<200x128xf32, #tpu.memory_space<vmem>>, vector<16xf32>,
      } {sc.loop_unroll_factor = 8 : i64, sc.parallel_access}
      "tpu.region"() ({
        %run_scoped3A = tpu.sem_alloc : memref<!tpu.dma_semaphore, #tpu.memory_space<semaphore_mem>>
        %dma_start3A_39 = arith.constant 0 : i32
        %dma_start3A_40 = arith.constant 0 : i32
        %dma_start3A_41 = tpu.memref_slice %arg11[%dma_start3A_39, %dma_start3A_40] : memref<10000x128xf32, #tpu.memory_space<vmem_shared>> -> memref<10000x128xf32, #tpu.memory_space<vmem_shared>>
        tpu.enqueue_indirect_dma source(%arg10 : memref<200x128xf32, #tpu.memory_space<vmem>>) target(%dma_start3A_41 : memref<10000x128xf32, #tpu.memory_space<vmem_shared>>) offsets(%arg8 : memref<200xi32, #tpu.memory_space<vmem>>) semaphore(%run_scoped3A : memref<!tpu.dma_semaphore, #tpu.memory_space<semaphore_mem>>) {add = true}
        %dma_wait3A_42 = arith.constant 0 : i32
        %dma_wait3A_43 = arith.constant 0 : i32
        %dma_wait3A_44 = tpu.memref_slice %arg11[%dma_wait3A_42, %dma_wait3A_43] : memref<10000x128xf32, #tpu.memory_space<vmem_shared>> -> memref<10000x128xf32, #tpu.memory_space<vmem_shared>>
        tpu.wait_indirect_dma semaphore(%run_scoped3A : memref<!tpu.dma_semaphore, #tpu.memory_space<semaphore_mem>>) src(%arg10 : memref<200x128xf32, #tpu.memory_space<vmem>>) dst(%dma_wait3A_44 : memref<10000x128xf32, #tpu.memory_space<vmem_shared>>)
        tpu.yield
      }) : () -> ()
    }
    %scan3A_9 = arith.constant 100 : i32
    %barrier3A_10 = arith.constant 0 : index
    tpu.barrier barrier_id(%barrier3A_10)
    %mul3A_11 = arith.constant 10000 : i32
    %mul3A_12 = arith.muli %arg0, %mul3A_11 : i32
    %add3A_13 = arith.addi %mul3A_12, %mul3A_0 : i32
    "tpu.region"() ({
      %run_scoped3A = tpu.sem_alloc : memref<!tpu.dma_semaphore, #tpu.memory_space<semaphore_mem>>
      %dma_start3A = arith.constant 0 : i32
      %dma_start3A_19 = tpu.memref_slice %arg6[%add3A_13, %dma_start3A] : memref<20000x128xf32, #tpu.memory_space<hbm>> -> memref<624x128xf32, #tpu.memory_space<hbm>>
      %dma_start3A_20 = arith.constant 0 : i32
      %dma_start3A_21 = tpu.memref_slice %arg11[%mul3A_0, %dma_start3A_20] : memref<10000x128xf32, #tpu.memory_space<vmem_shared>> -> memref<624x128xf32, #tpu.memory_space<vmem_shared>>
      tpu.enqueue_dma source(%dma_start3A_21 : memref<624x128xf32, #tpu.memory_space<vmem_shared>>) target(%dma_start3A_19 : memref<624x128xf32, #tpu.memory_space<hbm>>) target_semaphore(%run_scoped3A : memref<!tpu.dma_semaphore, #tpu.memory_space<semaphore_mem>>)
      %dma_wait3A = arith.constant 0 : i32
      %dma_wait3A_22 = tpu.memref_slice %arg6[%add3A_13, %dma_wait3A] : memref<20000x128xf32, #tpu.memory_space<hbm>> -> memref<624x128xf32, #tpu.memory_space<hbm>>
      %dma_wait3A_23 = arith.constant 0 : i32
      %dma_wait3A_24 = tpu.memref_slice %arg11[%mul3A_0, %dma_wait3A_23] : memref<10000x128xf32, #tpu.memory_space<vmem_shared>> -> memref<624x128xf32, #tpu.memory_space<vmem_shared>>
      tpu.wait_dma2 semaphore(%run_scoped3A : memref<!tpu.dma_semaphore, #tpu.memory_space<semaphore_mem>>) src(%dma_wait3A_24 : memref<624x128xf32, #tpu.memory_space<vmem_shared>>) dst(%dma_wait3A_22 : memref<624x128xf32, #tpu.memory_space<hbm>>)
      tpu.yield
    }) : () -> ()
    %eq3A_14 = arith.constant 0 : i32
    %eq3A_15 = arith.cmpi eq, %arg1, %eq3A_14 : i32
    %convert_element_type3A_16 = arith.extui %eq3A_15 : i1 to i32
    %cond3A_17 = arith.constant 0 : i32
    %cond3A_18 = arith.cmpi ne, %convert_element_type3A_16, %cond3A_17 : i32
    scf.if %cond3A_18 {
      %mul3A_19 = arith.constant 10000 : i32
      %mul3A_20 = arith.muli %arg0, %mul3A_19 : i32
      %add3A_21 = arith.constant 9984 : i32
      %add3A_22 = arith.addi %mul3A_20, %add3A_21 : i32
      "tpu.region"() ({
        %run_scoped3A = tpu.sem_alloc : memref<!tpu.dma_semaphore, #tpu.memory_space<semaphore_mem>>
        %dma_start3A = arith.constant 0 : i32
        %dma_start3A_23 = tpu.memref_slice %arg6[%add3A_22, %dma_start3A] : memref<20000x128xf32, #tpu.memory_space<hbm>> -> memref<16x128xf32, #tpu.memory_space<hbm>>
        %dma_start3A_24 = arith.constant 9984 : i32
        %dma_start3A_25 = arith.constant 0 : i32
        %dma_start3A_26 = tpu.memref_slice %arg11[%dma_start3A_24, %dma_start3A_25] : memref<10000x128xf32, #tpu.memory_space<vmem_shared>> -> memref<16x128xf32, #tpu.memory_space<vmem_shared>>
        tpu.enqueue_dma source(%dma_start3A_26 : memref<16x128xf32, #tpu.memory_space<vmem_shared>>) target(%dma_start3A_23 : memref<16x128xf32, #tpu.memory_space<hbm>>) target_semaphore(%run_scoped3A : memref<!tpu.dma_semaphore, #tpu.memory_space<semaphore_mem>>)
        %dma_wait3A = arith.constant 0 : i32
        %dma_wait3A_27 = tpu.memref_slice %arg6[%add3A_22, %dma_wait3A] : memref<20000x128xf32, #tpu.memory_space<hbm>> -> memref<16x128xf32, #tpu.memory_space<hbm>>
        %dma_wait3A_28 = arith.constant 9984 : i32
        %dma_wait3A_29 = arith.constant 0 : i32
        %dma_wait3A_30 = tpu.memref_slice %arg11[%dma_wait3A_28, %dma_wait3A_29] : memref<10000x128xf32, #tpu.memory_space<vmem_shared>> -> memref<16x128xf32, #tpu.memory_space<vmem_shared>>
        tpu.wait_dma2 semaphore(%run_scoped3A : memref<!tpu.dma_semaphore, #tpu.memory_space<semaphore_mem>>) src(%dma_wait3A_30 : memref<16x128xf32, #tpu.memory_space<vmem_shared>>) dst(%dma_wait3A_27 : memref<16x128xf32, #tpu.memory_space<hbm>>)
        tpu.yield
      }) : () -> ()
    } else {
    }
    return
  }
}

#map = affine_map<(d0, d1) -> (0, 0)>
#map1 = affine_map<(d0, d1) -> (0)>
module attributes {stable_mosaic.version = 14 : i64} {
  func.func @k(%arg0: i32, %arg1: i32, %arg2: memref<20000x128xf32, #tpu.memory_space<hbm>>, %arg3: memref<640000xi32, #tpu.memory_space<hbm>>, %arg4: memref<320000xi32, #tpu.memory_space<hbm>>, %arg5: memref<320000xf32, #tpu.memory_space<hbm>>, %arg6: memref<20000x128xf32, #tpu.memory_space<hbm>>, %arg7: memref<200xi32, #tpu.memory_space<vmem>>, %arg8: memref<200xi32, #tpu.memory_space<vmem>>, %arg9: memref<200xf32, #tpu.memory_space<vmem>>, %arg10: memref<200x128xf32, #tpu.memory_space<vmem>>, %arg11: memref<10000x128xf32, #tpu.memory_space<vmem_shared>>, %arg12: memref<!tpu.dma_semaphore, #tpu.memory_space<semaphore_mem>>) attributes {dimension_semantics = [#tpu.dimension_semantics<core_parallel>, #tpu.dimension_semantics<subcore_parallel>], iteration_bounds = array<i64: 2, 16>, scalar_prefetch = 0 : i64, scratch_operands = 6 : i64, tpu.core_type = #tpu.core_type<sc_vector_subcore>, window_params = [{transform_indices = #map}, {transform_indices = #map1}, {transform_indices = #map1}, {transform_indices = #map1}, {transform_indices = #map}]} {
    %mul3A = arith.constant 624 : i32
    %mul3A_0 = arith.muli %arg1, %mul3A : i32
    %mul3A_1 = arith.constant 10000 : i32
    %mul3A_2 = arith.muli %arg0, %mul3A_1 : i32
    %add3A = arith.addi %mul3A_2, %mul3A_0 : i32
    "tpu.region"() ({
      %run_scoped3A = tpu.sem_alloc : memref<!tpu.dma_semaphore, #tpu.memory_space<semaphore_mem>>
      %dma_start3A = arith.constant 0 : i32
      %dma_start3A_19 = tpu.memref_slice %arg11[%mul3A_0, %dma_start3A] : memref<10000x128xf32, #tpu.memory_space<vmem_shared>> -> memref<624x128xf32, #tpu.memory_space<vmem_shared>>
      %dma_start3A_20 = arith.constant 0 : i32
      %dma_start3A_21 = tpu.memref_slice %arg2[%add3A, %dma_start3A_20] : memref<20000x128xf32, #tpu.memory_space<hbm>> -> memref<624x128xf32, #tpu.memory_space<hbm>>
      tpu.enqueue_dma source(%dma_start3A_21 : memref<624x128xf32, #tpu.memory_space<hbm>>) target(%dma_start3A_19 : memref<624x128xf32, #tpu.memory_space<vmem_shared>>) target_semaphore(%run_scoped3A : memref<!tpu.dma_semaphore, #tpu.memory_space<semaphore_mem>>)
      %dma_wait3A = arith.constant 0 : i32
      %dma_wait3A_22 = tpu.memref_slice %arg11[%mul3A_0, %dma_wait3A] : memref<10000x128xf32, #tpu.memory_space<vmem_shared>> -> memref<624x128xf32, #tpu.memory_space<vmem_shared>>
      %dma_wait3A_23 = arith.constant 0 : i32
      %dma_wait3A_24 = tpu.memref_slice %arg2[%add3A, %dma_wait3A_23] : memref<20000x128xf32, #tpu.memory_space<hbm>> -> memref<624x128xf32, #tpu.memory_space<hbm>>
      tpu.wait_dma2 semaphore(%run_scoped3A : memref<!tpu.dma_semaphore, #tpu.memory_space<semaphore_mem>>) src(%dma_wait3A_24 : memref<624x128xf32, #tpu.memory_space<hbm>>) dst(%dma_wait3A_22 : memref<624x128xf32, #tpu.memory_space<vmem_shared>>)
      tpu.yield
    }) : () -> ()
    %eq3A = arith.constant 0 : i32
    %eq3A_3 = arith.cmpi eq, %arg1, %eq3A : i32
    %convert_element_type3A = arith.extui %eq3A_3 : i1 to i32
    %cond3A = arith.constant 0 : i32
    %cond3A_4 = arith.cmpi ne, %convert_element_type3A, %cond3A : i32
    scf.if %cond3A_4 {
      %mul3A_19 = arith.constant 10000 : i32
      %mul3A_20 = arith.muli %arg0, %mul3A_19 : i32
      %add3A_21 = arith.constant 9984 : i32
      %add3A_22 = arith.addi %mul3A_20, %add3A_21 : i32
      "tpu.region"() ({
        %run_scoped3A = tpu.sem_alloc : memref<!tpu.dma_semaphore, #tpu.memory_space<semaphore_mem>>
        %dma_start3A = arith.constant 9984 : i32
        %dma_start3A_23 = arith.constant 0 : i32
        %dma_start3A_24 = tpu.memref_slice %arg11[%dma_start3A, %dma_start3A_23] : memref<10000x128xf32, #tpu.memory_space<vmem_shared>> -> memref<16x128xf32, #tpu.memory_space<vmem_shared>>
        %dma_start3A_25 = arith.constant 0 : i32
        %dma_start3A_26 = tpu.memref_slice %arg2[%add3A_22, %dma_start3A_25] : memref<20000x128xf32, #tpu.memory_space<hbm>> -> memref<16x128xf32, #tpu.memory_space<hbm>>
        tpu.enqueue_dma source(%dma_start3A_26 : memref<16x128xf32, #tpu.memory_space<hbm>>) target(%dma_start3A_24 : memref<16x128xf32, #tpu.memory_space<vmem_shared>>) target_semaphore(%run_scoped3A : memref<!tpu.dma_semaphore, #tpu.memory_space<semaphore_mem>>)
        %dma_wait3A = arith.constant 9984 : i32
        %dma_wait3A_27 = arith.constant 0 : i32
        %dma_wait3A_28 = tpu.memref_slice %arg11[%dma_wait3A, %dma_wait3A_27] : memref<10000x128xf32, #tpu.memory_space<vmem_shared>> -> memref<16x128xf32, #tpu.memory_space<vmem_shared>>
        %dma_wait3A_29 = arith.constant 0 : i32
        %dma_wait3A_30 = tpu.memref_slice %arg2[%add3A_22, %dma_wait3A_29] : memref<20000x128xf32, #tpu.memory_space<hbm>> -> memref<16x128xf32, #tpu.memory_space<hbm>>
        tpu.wait_dma2 semaphore(%run_scoped3A : memref<!tpu.dma_semaphore, #tpu.memory_space<semaphore_mem>>) src(%dma_wait3A_30 : memref<16x128xf32, #tpu.memory_space<hbm>>) dst(%dma_wait3A_28 : memref<16x128xf32, #tpu.memory_space<vmem_shared>>)
        tpu.yield
      }) : () -> ()
    } else {
    }
    %barrier3A = arith.constant 0 : index
    tpu.barrier barrier_id(%barrier3A)
    %scan3A = arith.constant 0 : i32
    %scan3A_5 = arith.constant 0 : i32
    %scan3A_6 = arith.constant 100 : i32
    %scan3A_7 = arith.addi %scan3A_5, %scan3A_6 : i32
    %scan3A_8 = arith.constant 1 : i32
    scf.for %scan3A_19 = %scan3A_5 to %scan3A_7 step %scan3A_8  : i32 {
      %mul3A_20 = arith.constant 320000 : i32
      %mul3A_21 = arith.muli %arg0, %mul3A_20 : i32
      %mul3A_22 = arith.constant 20000 : i32
      %mul3A_23 = arith.muli %arg1, %mul3A_22 : i32
      %add3A_24 = arith.addi %mul3A_21, %mul3A_23 : i32
      %mul3A_25 = arith.constant 200 : i32
      %mul3A_26 = arith.muli %scan3A_19, %mul3A_25 : i32
      %add3A_27 = arith.addi %add3A_24, %mul3A_26 : i32
      %mul3A_28 = arith.constant 20000 : i32
      %mul3A_29 = arith.muli %arg1, %mul3A_28 : i32
      %mul3A_30 = arith.constant 200 : i32
      %mul3A_31 = arith.muli %scan3A_19, %mul3A_30 : i32
      %add3A_32 = arith.addi %mul3A_29, %mul3A_31 : i32
      "tpu.region"() ({
        %run_scoped3A = tpu.sem_alloc : memref<!tpu.dma_semaphore, #tpu.memory_space<semaphore_mem>>
        %dma_start3A_39 = tpu.memref_slice %arg3[%add3A_27] : memref<640000xi32, #tpu.memory_space<hbm>> -> memref<200xi32, #tpu.memory_space<hbm>>
        %dma_start3A_40 = tpu.memref_slice %arg3[%add3A_27] : memref<640000xi32, #tpu.memory_space<hbm>> -> memref<200xi32, #tpu.memory_space<hbm>>
        tpu.enqueue_dma source(%dma_start3A_40 : memref<200xi32, #tpu.memory_space<hbm>>) target(%arg7 : memref<200xi32, #tpu.memory_space<vmem>>) target_semaphore(%run_scoped3A : memref<!tpu.dma_semaphore, #tpu.memory_space<semaphore_mem>>)
        %dma_wait3A_41 = tpu.memref_slice %arg3[%add3A_27] : memref<640000xi32, #tpu.memory_space<hbm>> -> memref<200xi32, #tpu.memory_space<hbm>>
        %dma_wait3A_42 = tpu.memref_slice %arg3[%add3A_27] : memref<640000xi32, #tpu.memory_space<hbm>> -> memref<200xi32, #tpu.memory_space<hbm>>
        tpu.wait_dma2 semaphore(%run_scoped3A : memref<!tpu.dma_semaphore, #tpu.memory_space<semaphore_mem>>) src(%dma_wait3A_42 : memref<200xi32, #tpu.memory_space<hbm>>) dst(%arg7 : memref<200xi32, #tpu.memory_space<vmem>>)
        tpu.yield
      }) : () -> ()
      "tpu.region"() ({
        %run_scoped3A = tpu.sem_alloc : memref<!tpu.dma_semaphore, #tpu.memory_space<semaphore_mem>>
        %dma_start3A_39 = tpu.memref_slice %arg4[%add3A_32] : memref<320000xi32, #tpu.memory_space<hbm>> -> memref<200xi32, #tpu.memory_space<hbm>>
        %dma_start3A_40 = tpu.memref_slice %arg4[%add3A_32] : memref<320000xi32, #tpu.memory_space<hbm>> -> memref<200xi32, #tpu.memory_space<hbm>>
        tpu.enqueue_dma source(%dma_start3A_40 : memref<200xi32, #tpu.memory_space<hbm>>) target(%arg8 : memref<200xi32, #tpu.memory_space<vmem>>) target_semaphore(%run_scoped3A : memref<!tpu.dma_semaphore, #tpu.memory_space<semaphore_mem>>)
        %dma_wait3A_41 = tpu.memref_slice %arg4[%add3A_32] : memref<320000xi32, #tpu.memory_space<hbm>> -> memref<200xi32, #tpu.memory_space<hbm>>
        %dma_wait3A_42 = tpu.memref_slice %arg4[%add3A_32] : memref<320000xi32, #tpu.memory_space<hbm>> -> memref<200xi32, #tpu.memory_space<hbm>>
        tpu.wait_dma2 semaphore(%run_scoped3A : memref<!tpu.dma_semaphore, #tpu.memory_space<semaphore_mem>>) src(%dma_wait3A_42 : memref<200xi32, #tpu.memory_space<hbm>>) dst(%arg8 : memref<200xi32, #tpu.memory_space<vmem>>)
        tpu.yield
      }) : () -> ()
      "tpu.region"() ({
        %run_scoped3A = tpu.sem_alloc : memref<!tpu.dma_semaphore, #tpu.memory_space<semaphore_mem>>
        %dma_start3A_39 = tpu.memref_slice %arg5[%add3A_32] : memref<320000xf32, #tpu.memory_space<hbm>> -> memref<200xf32, #tpu.memory_space<hbm>>
        %dma_start3A_40 = tpu.memref_slice %arg5[%add3A_32] : memref<320000xf32, #tpu.memory_space<hbm>> -> memref<200xf32, #tpu.memory_space<hbm>>
        tpu.enqueue_dma source(%dma_start3A_40 : memref<200xf32, #tpu.memory_space<hbm>>) target(%arg9 : memref<200xf32, #tpu.memory_space<vmem>>) target_semaphore(%run_scoped3A : memref<!tpu.dma_semaphore, #tpu.memory_space<semaphore_mem>>)
        %dma_wait3A_41 = tpu.memref_slice %arg5[%add3A_32] : memref<320000xf32, #tpu.memory_space<hbm>> -> memref<200xf32, #tpu.memory_space<hbm>>
        %dma_wait3A_42 = tpu.memref_slice %arg5[%add3A_32] : memref<320000xf32, #tpu.memory_space<hbm>> -> memref<200xf32, #tpu.memory_space<hbm>>
        tpu.wait_dma2 semaphore(%run_scoped3A : memref<!tpu.dma_semaphore, #tpu.memory_space<semaphore_mem>>) src(%dma_wait3A_42 : memref<200xf32, #tpu.memory_space<hbm>>) dst(%arg9 : memref<200xf32, #tpu.memory_space<vmem>>)
        tpu.yield
      }) : () -> ()
      %dma_start3A = arith.constant 0 : i32
      %dma_start3A_33 = arith.constant 0 : i32
      %dma_start3A_34 = tpu.memref_slice %arg2[%dma_start3A, %dma_start3A_33] : memref<20000x128xf32, #tpu.memory_space<hbm>> -> memref<20000x128xf32, #tpu.memory_space<hbm>>
      tpu.enqueue_indirect_dma source(%dma_start3A_34 : memref<20000x128xf32, #tpu.memory_space<hbm>>) target(%arg10 : memref<200x128xf32, #tpu.memory_space<vmem>>) offsets(%arg7 : memref<200xi32, #tpu.memory_space<vmem>>) semaphore(%arg12 : memref<!tpu.dma_semaphore, #tpu.memory_space<semaphore_mem>>)
      %dma_wait3A = arith.constant 0 : i32
      %dma_wait3A_35 = arith.constant 0 : i32
      %dma_wait3A_36 = tpu.memref_slice %arg2[%dma_wait3A, %dma_wait3A_35] : memref<20000x128xf32, #tpu.memory_space<hbm>> -> memref<20000x128xf32, #tpu.memory_space<hbm>>
      tpu.wait_indirect_dma semaphore(%arg12 : memref<!tpu.dma_semaphore, #tpu.memory_space<semaphore_mem>>) src(%dma_wait3A_36 : memref<20000x128xf32, #tpu.memory_space<hbm>>) dst(%arg10 : memref<200x128xf32, #tpu.memory_space<vmem>>)
      %parallel_loop3A = arith.constant 0 : i32
      %parallel_loop3A_37 = arith.constant 200 : i32
      %parallel_loop3A_38 = arith.constant 1 : i32
      scf.for %parallel_loop3A_39 = %parallel_loop3A to %parallel_loop3A_37 step %parallel_loop3A_38  : i32 {
        %parallel_loop3A_40 = arith.constant 0 : i32
        %parallel_loop3A_41 = vector.broadcast %parallel_loop3A_40 : i32 to vector<16xi32>
        %parallel_loop3A_42 = vector.broadcast %parallel_loop3A_39 : i32 to vector<16xi32>
        %parallel_loop3A_43 = arith.addi %parallel_loop3A_41, %parallel_loop3A_42 : vector<16xi32>
        %parallel_loop3A_44 = tpu.vector_load_idx %arg9[%parallel_loop3A_43] : memref<200xf32, #tpu.memory_space<vmem>>[vector<16xi32>], vector<16xf32>,
        %parallel_loop3A_45 = arith.index_cast %parallel_loop3A_39 : i32 to index
        %parallel_loop3A_46 = arith.constant 0 : index
        %parallel_loop3A_47 = tpu.vector_load %arg10[%parallel_loop3A_45, %parallel_loop3A_46] {strides = array<i32>} : memref<200x128xf32, #tpu.memory_space<vmem>>, vector<16xf32>,
        %parallel_loop3A_48 = arith.mulf %parallel_loop3A_47, %parallel_loop3A_44 : vector<16xf32>
        %parallel_loop3A_49 = arith.index_cast %parallel_loop3A_39 : i32 to index
        %parallel_loop3A_50 = arith.constant 0 : index
        %parallel_loop3A_51 = tpu.vector_load %arg10[%parallel_loop3A_49, %parallel_loop3A_50] {strides = array<i32>} : memref<200x128xf32, #tpu.memory_space<vmem>>, vector<16xf32>,
        tpu.vector_store %arg10[%parallel_loop3A_49, %parallel_loop3A_50], %parallel_loop3A_48 {strides = array<i32>} : memref<200x128xf32, #tpu.memory_space<vmem>>, vector<16xf32>,
        %parallel_loop3A_52 = arith.index_cast %parallel_loop3A_39 : i32 to index
        %parallel_loop3A_53 = arith.constant 16 : index
        %parallel_loop3A_54 = tpu.vector_load %arg10[%parallel_loop3A_52, %parallel_loop3A_53] {strides = array<i32>} : memref<200x128xf32, #tpu.memory_space<vmem>>, vector<16xf32>,
        %parallel_loop3A_55 = arith.mulf %parallel_loop3A_54, %parallel_loop3A_44 : vector<16xf32>
        %parallel_loop3A_56 = arith.index_cast %parallel_loop3A_39 : i32 to index
        %parallel_loop3A_57 = arith.constant 16 : index
        %parallel_loop3A_58 = tpu.vector_load %arg10[%parallel_loop3A_56, %parallel_loop3A_57] {strides = array<i32>} : memref<200x128xf32, #tpu.memory_space<vmem>>, vector<16xf32>,
        tpu.vector_store %arg10[%parallel_loop3A_56, %parallel_loop3A_57], %parallel_loop3A_55 {strides = array<i32>} : memref<200x128xf32, #tpu.memory_space<vmem>>, vector<16xf32>,
        %parallel_loop3A_59 = arith.index_cast %parallel_loop3A_39 : i32 to index
        %parallel_loop3A_60 = arith.constant 32 : index
        %parallel_loop3A_61 = tpu.vector_load %arg10[%parallel_loop3A_59, %parallel_loop3A_60] {strides = array<i32>} : memref<200x128xf32, #tpu.memory_space<vmem>>, vector<16xf32>,
        %parallel_loop3A_62 = arith.mulf %parallel_loop3A_61, %parallel_loop3A_44 : vector<16xf32>
        %parallel_loop3A_63 = arith.index_cast %parallel_loop3A_39 : i32 to index
        %parallel_loop3A_64 = arith.constant 32 : index
        %parallel_loop3A_65 = tpu.vector_load %arg10[%parallel_loop3A_63, %parallel_loop3A_64] {strides = array<i32>} : memref<200x128xf32, #tpu.memory_space<vmem>>, vector<16xf32>,
        tpu.vector_store %arg10[%parallel_loop3A_63, %parallel_loop3A_64], %parallel_loop3A_62 {strides = array<i32>} : memref<200x128xf32, #tpu.memory_space<vmem>>, vector<16xf32>,
        %parallel_loop3A_66 = arith.index_cast %parallel_loop3A_39 : i32 to index
        %parallel_loop3A_67 = arith.constant 48 : index
        %parallel_loop3A_68 = tpu.vector_load %arg10[%parallel_loop3A_66, %parallel_loop3A_67] {strides = array<i32>} : memref<200x128xf32, #tpu.memory_space<vmem>>, vector<16xf32>,
        %parallel_loop3A_69 = arith.mulf %parallel_loop3A_68, %parallel_loop3A_44 : vector<16xf32>
        %parallel_loop3A_70 = arith.index_cast %parallel_loop3A_39 : i32 to index
        %parallel_loop3A_71 = arith.constant 48 : index
        %parallel_loop3A_72 = tpu.vector_load %arg10[%parallel_loop3A_70, %parallel_loop3A_71] {strides = array<i32>} : memref<200x128xf32, #tpu.memory_space<vmem>>, vector<16xf32>,
        tpu.vector_store %arg10[%parallel_loop3A_70, %parallel_loop3A_71], %parallel_loop3A_69 {strides = array<i32>} : memref<200x128xf32, #tpu.memory_space<vmem>>, vector<16xf32>,
        %parallel_loop3A_73 = arith.index_cast %parallel_loop3A_39 : i32 to index
        %parallel_loop3A_74 = arith.constant 64 : index
        %parallel_loop3A_75 = tpu.vector_load %arg10[%parallel_loop3A_73, %parallel_loop3A_74] {strides = array<i32>} : memref<200x128xf32, #tpu.memory_space<vmem>>, vector<16xf32>,
        %parallel_loop3A_76 = arith.mulf %parallel_loop3A_75, %parallel_loop3A_44 : vector<16xf32>
        %parallel_loop3A_77 = arith.index_cast %parallel_loop3A_39 : i32 to index
        %parallel_loop3A_78 = arith.constant 64 : index
        %parallel_loop3A_79 = tpu.vector_load %arg10[%parallel_loop3A_77, %parallel_loop3A_78] {strides = array<i32>} : memref<200x128xf32, #tpu.memory_space<vmem>>, vector<16xf32>,
        tpu.vector_store %arg10[%parallel_loop3A_77, %parallel_loop3A_78], %parallel_loop3A_76 {strides = array<i32>} : memref<200x128xf32, #tpu.memory_space<vmem>>, vector<16xf32>,
        %parallel_loop3A_80 = arith.index_cast %parallel_loop3A_39 : i32 to index
        %parallel_loop3A_81 = arith.constant 80 : index
        %parallel_loop3A_82 = tpu.vector_load %arg10[%parallel_loop3A_80, %parallel_loop3A_81] {strides = array<i32>} : memref<200x128xf32, #tpu.memory_space<vmem>>, vector<16xf32>,
        %parallel_loop3A_83 = arith.mulf %parallel_loop3A_82, %parallel_loop3A_44 : vector<16xf32>
        %parallel_loop3A_84 = arith.index_cast %parallel_loop3A_39 : i32 to index
        %parallel_loop3A_85 = arith.constant 80 : index
        %parallel_loop3A_86 = tpu.vector_load %arg10[%parallel_loop3A_84, %parallel_loop3A_85] {strides = array<i32>} : memref<200x128xf32, #tpu.memory_space<vmem>>, vector<16xf32>,
        tpu.vector_store %arg10[%parallel_loop3A_84, %parallel_loop3A_85], %parallel_loop3A_83 {strides = array<i32>} : memref<200x128xf32, #tpu.memory_space<vmem>>, vector<16xf32>,
        %parallel_loop3A_87 = arith.index_cast %parallel_loop3A_39 : i32 to index
        %parallel_loop3A_88 = arith.constant 96 : index
        %parallel_loop3A_89 = tpu.vector_load %arg10[%parallel_loop3A_87, %parallel_loop3A_88] {strides = array<i32>} : memref<200x128xf32, #tpu.memory_space<vmem>>, vector<16xf32>,
        %parallel_loop3A_90 = arith.mulf %parallel_loop3A_89, %parallel_loop3A_44 : vector<16xf32>
        %parallel_loop3A_91 = arith.index_cast %parallel_loop3A_39 : i32 to index
        %parallel_loop3A_92 = arith.constant 96 : index
        %parallel_loop3A_93 = tpu.vector_load %arg10[%parallel_loop3A_91, %parallel_loop3A_92] {strides = array<i32>} : memref<200x128xf32, #tpu.memory_space<vmem>>, vector<16xf32>,
        tpu.vector_store %arg10[%parallel_loop3A_91, %parallel_loop3A_92], %parallel_loop3A_90 {strides = array<i32>} : memref<200x128xf32, #tpu.memory_space<vmem>>, vector<16xf32>,
        %parallel_loop3A_94 = arith.index_cast %parallel_loop3A_39 : i32 to index
        %parallel_loop3A_95 = arith.constant 112 : index
        %parallel_loop3A_96 = tpu.vector_load %arg10[%parallel_loop3A_94, %parallel_loop3A_95] {strides = array<i32>} : memref<200x128xf32, #tpu.memory_space<vmem>>, vector<16xf32>,
        %parallel_loop3A_97 = arith.mulf %parallel_loop3A_96, %parallel_loop3A_44 : vector<16xf32>
        %parallel_loop3A_98 = arith.index_cast %parallel_loop3A_39 : i32 to index
        %parallel_loop3A_99 = arith.constant 112 : index
        %parallel_loop3A_100 = tpu.vector_load %arg10[%parallel_loop3A_98, %parallel_loop3A_99] {strides = array<i32>} : memref<200x128xf32, #tpu.memory_space<vmem>>, vector<16xf32>,
        tpu.vector_store %arg10[%parallel_loop3A_98, %parallel_loop3A_99], %parallel_loop3A_97 {strides = array<i32>} : memref<200x128xf32, #tpu.memory_space<vmem>>, vector<16xf32>,
      } {sc.loop_unroll_factor = 8 : i64, sc.parallel_access}
      "tpu.region"() ({
        %run_scoped3A = tpu.sem_alloc : memref<!tpu.dma_semaphore, #tpu.memory_space<semaphore_mem>>
        %dma_start3A_39 = arith.constant 0 : i32
        %dma_start3A_40 = arith.constant 0 : i32
        %dma_start3A_41 = tpu.memref_slice %arg11[%dma_start3A_39, %dma_start3A_40] : memref<10000x128xf32, #tpu.memory_space<vmem_shared>> -> memref<10000x128xf32, #tpu.memory_space<vmem_shared>>
        tpu.enqueue_indirect_dma source(%arg10 : memref<200x128xf32, #tpu.memory_space<vmem>>) target(%dma_start3A_41 : memref<10000x128xf32, #tpu.memory_space<vmem_shared>>) offsets(%arg8 : memref<200xi32, #tpu.memory_space<vmem>>) semaphore(%run_scoped3A : memref<!tpu.dma_semaphore, #tpu.memory_space<semaphore_mem>>) {add = true}
        %dma_wait3A_42 = arith.constant 0 : i32
        %dma_wait3A_43 = arith.constant 0 : i32
        %dma_wait3A_44 = tpu.memref_slice %arg11[%dma_wait3A_42, %dma_wait3A_43] : memref<10000x128xf32, #tpu.memory_space<vmem_shared>> -> memref<10000x128xf32, #tpu.memory_space<vmem_shared>>
        tpu.wait_indirect_dma semaphore(%run_scoped3A : memref<!tpu.dma_semaphore, #tpu.memory_space<semaphore_mem>>) src(%arg10 : memref<200x128xf32, #tpu.memory_space<vmem>>) dst(%dma_wait3A_44 : memref<10000x128xf32, #tpu.memory_space<vmem_shared>>)
        tpu.yield
      }) : () -> ()
    }
    %scan3A_9 = arith.constant 100 : i32
    %barrier3A_10 = arith.constant 0 : index
    tpu.barrier barrier_id(%barrier3A_10)
    %mul3A_11 = arith.constant 10000 : i32
    %mul3A_12 = arith.muli %arg0, %mul3A_11 : i32
    %add3A_13 = arith.addi %mul3A_12, %mul3A_0 : i32
    "tpu.region"() ({
      %run_scoped3A = tpu.sem_alloc : memref<!tpu.dma_semaphore, #tpu.memory_space<semaphore_mem>>
      %dma_start3A = arith.constant 0 : i32
      %dma_start3A_19 = tpu.memref_slice %arg6[%add3A_13, %dma_start3A] : memref<20000x128xf32, #tpu.memory_space<hbm>> -> memref<624x128xf32, #tpu.memory_space<hbm>>
      %dma_start3A_20 = arith.constant 0 : i32
      %dma_start3A_21 = tpu.memref_slice %arg11[%mul3A_0, %dma_start3A_20] : memref<10000x128xf32, #tpu.memory_space<vmem_shared>> -> memref<624x128xf32, #tpu.memory_space<vmem_shared>>
      tpu.enqueue_dma source(%dma_start3A_21 : memref<624x128xf32, #tpu.memory_space<vmem_shared>>) target(%dma_start3A_19 : memref<624x128xf32, #tpu.memory_space<hbm>>) target_semaphore(%run_scoped3A : memref<!tpu.dma_semaphore, #tpu.memory_space<semaphore_mem>>)
      %dma_wait3A = arith.constant 0 : i32
      %dma_wait3A_22 = tpu.memref_slice %arg6[%add3A_13, %dma_wait3A] : memref<20000x128xf32, #tpu.memory_space<hbm>> -> memref<624x128xf32, #tpu.memory_space<hbm>>
      %dma_wait3A_23 = arith.constant 0 : i32
      %dma_wait3A_24 = tpu.memref_slice %arg11[%mul3A_0, %dma_wait3A_23] : memref<10000x128xf32, #tpu.memory_space<vmem_shared>> -> memref<624x128xf32, #tpu.memory_space<vmem_shared>>
      tpu.wait_dma2 semaphore(%run_scoped3A : memref<!tpu.dma_semaphore, #tpu.memory_space<semaphore_mem>>) src(%dma_wait3A_24 : memref<624x128xf32, #tpu.memory_space<vmem_shared>>) dst(%dma_wait3A_22 : memref<624x128xf32, #tpu.memory_space<hbm>>)
      tpu.yield
    }) : () -> ()
    %eq3A_14 = arith.constant 0 : i32
    %eq3A_15 = arith.cmpi eq, %arg1, %eq3A_14 : i32
    %convert_element_type3A_16 = arith.extui %eq3A_15 : i1 to i32
    %cond3A_17 = arith.constant 0 : i32
    %cond3A_18 = arith.cmpi ne, %convert_element_type3A_16, %cond3A_17 : i32
    scf.if %cond3A_18 {
      %mul3A_19 = arith.constant 10000 : i32
      %mul3A_20 = arith.muli %arg0, %mul3A_19 : i32
      %add3A_21 = arith.constant 9984 : i32
      %add3A_22 = arith.addi %mul3A_20, %add3A_21 : i32
      "tpu.region"() ({
        %run_scoped3A = tpu.sem_alloc : memref<!tpu.dma_semaphore, #tpu.memory_space<semaphore_mem>>
        %dma_start3A = arith.constant 0 : i32
        %dma_start3A_23 = tpu.memref_slice %arg6[%add3A_22, %dma_start3A] : memref<20000x128xf32, #tpu.memory_space<hbm>> -> memref<16x128xf32, #tpu.memory_space<hbm>>
        %dma_start3A_24 = arith.constant 9984 : i32
        %dma_start3A_25 = arith.constant 0 : i32
        %dma_start3A_26 = tpu.memref_slice %arg11[%dma_start3A_24, %dma_start3A_25] : memref<10000x128xf32, #tpu.memory_space<vmem_shared>> -> memref<16x128xf32, #tpu.memory_space<vmem_shared>>
        tpu.enqueue_dma source(%dma_start3A_26 : memref<16x128xf32, #tpu.memory_space<vmem_shared>>) target(%dma_start3A_23 : memref<16x128xf32, #tpu.memory_space<hbm>>) target_semaphore(%run_scoped3A : memref<!tpu.dma_semaphore, #tpu.memory_space<semaphore_mem>>)
        %dma_wait3A = arith.constant 0 : i32
        %dma_wait3A_27 = tpu.memref_slice %arg6[%add3A_22, %dma_wait3A] : memref<20000x128xf32, #tpu.memory_space<hbm>> -> memref<16x128xf32, #tpu.memory_space<hbm>>
        %dma_wait3A_28 = arith.constant 9984 : i32
        %dma_wait3A_29 = arith.constant 0 : i32
        %dma_wait3A_30 = tpu.memref_slice %arg11[%dma_wait3A_28, %dma_wait3A_29] : memref<10000x128xf32, #tpu.memory_space<vmem_shared>> -> memref<16x128xf32, #tpu.memory_space<vmem_shared>>
        tpu.wait_dma2 semaphore(%run_scoped3A : memref<!tpu.dma_semaphore, #tpu.memory_space<semaphore_mem>>) src(%dma_wait3A_30 : memref<16x128xf32, #tpu.memory_space<vmem_shared>>) dst(%dma_wait3A_27 : memref<16x128xf32, #tpu.memory_space<hbm>>)
        tpu.yield
      }) : () -> ()
    } else {
    }
    return
  }
}

#map = affine_map<(d0, d1) -> (0, 0)>
#map1 = affine_map<(d0, d1) -> (0)>
module attributes {stable_mosaic.version = 14 : i64} {
  func.func @k(%arg0: i32, %arg1: i32, %arg2: memref<20000x128xf32, #tpu.memory_space<hbm>>, %arg3: memref<640000xi32, #tpu.memory_space<hbm>>, %arg4: memref<320000xi32, #tpu.memory_space<hbm>>, %arg5: memref<320000xf32, #tpu.memory_space<hbm>>, %arg6: memref<20000x128xf32, #tpu.memory_space<hbm>>, %arg7: memref<200xi32, #tpu.memory_space<vmem>>, %arg8: memref<200xi32, #tpu.memory_space<vmem>>, %arg9: memref<200xf32, #tpu.memory_space<vmem>>, %arg10: memref<200x128xf32, #tpu.memory_space<vmem>>, %arg11: memref<10000x128xf32, #tpu.memory_space<vmem_shared>>, %arg12: memref<!tpu.dma_semaphore, #tpu.memory_space<semaphore_mem>>) attributes {dimension_semantics = [#tpu.dimension_semantics<core_parallel>, #tpu.dimension_semantics<subcore_parallel>], iteration_bounds = array<i64: 2, 16>, scalar_prefetch = 0 : i64, scratch_operands = 6 : i64, tpu.core_type = #tpu.core_type<sc_vector_subcore>, window_params = [{transform_indices = #map}, {transform_indices = #map1}, {transform_indices = #map1}, {transform_indices = #map1}, {transform_indices = #map}]} {
    %mul3A = arith.constant 624 : i32
    %mul3A_0 = arith.muli %arg1, %mul3A : i32
    %mul3A_1 = arith.constant 10000 : i32
    %mul3A_2 = arith.muli %arg0, %mul3A_1 : i32
    %add3A = arith.addi %mul3A_2, %mul3A_0 : i32
    "tpu.region"() ({
      %run_scoped3A = tpu.sem_alloc : memref<!tpu.dma_semaphore, #tpu.memory_space<semaphore_mem>>
      %dma_start3A = arith.constant 0 : i32
      %dma_start3A_19 = tpu.memref_slice %arg11[%mul3A_0, %dma_start3A] : memref<10000x128xf32, #tpu.memory_space<vmem_shared>> -> memref<624x128xf32, #tpu.memory_space<vmem_shared>>
      %dma_start3A_20 = arith.constant 0 : i32
      %dma_start3A_21 = tpu.memref_slice %arg2[%add3A, %dma_start3A_20] : memref<20000x128xf32, #tpu.memory_space<hbm>> -> memref<624x128xf32, #tpu.memory_space<hbm>>
      tpu.enqueue_dma source(%dma_start3A_21 : memref<624x128xf32, #tpu.memory_space<hbm>>) target(%dma_start3A_19 : memref<624x128xf32, #tpu.memory_space<vmem_shared>>) target_semaphore(%run_scoped3A : memref<!tpu.dma_semaphore, #tpu.memory_space<semaphore_mem>>)
      %dma_wait3A = arith.constant 0 : i32
      %dma_wait3A_22 = tpu.memref_slice %arg11[%mul3A_0, %dma_wait3A] : memref<10000x128xf32, #tpu.memory_space<vmem_shared>> -> memref<624x128xf32, #tpu.memory_space<vmem_shared>>
      %dma_wait3A_23 = arith.constant 0 : i32
      %dma_wait3A_24 = tpu.memref_slice %arg2[%add3A, %dma_wait3A_23] : memref<20000x128xf32, #tpu.memory_space<hbm>> -> memref<624x128xf32, #tpu.memory_space<hbm>>
      tpu.wait_dma2 semaphore(%run_scoped3A : memref<!tpu.dma_semaphore, #tpu.memory_space<semaphore_mem>>) src(%dma_wait3A_24 : memref<624x128xf32, #tpu.memory_space<hbm>>) dst(%dma_wait3A_22 : memref<624x128xf32, #tpu.memory_space<vmem_shared>>)
      tpu.yield
    }) : () -> ()
    %eq3A = arith.constant 0 : i32
    %eq3A_3 = arith.cmpi eq, %arg1, %eq3A : i32
    %convert_element_type3A = arith.extui %eq3A_3 : i1 to i32
    %cond3A = arith.constant 0 : i32
    %cond3A_4 = arith.cmpi ne, %convert_element_type3A, %cond3A : i32
    scf.if %cond3A_4 {
      %mul3A_19 = arith.constant 10000 : i32
      %mul3A_20 = arith.muli %arg0, %mul3A_19 : i32
      %add3A_21 = arith.constant 9984 : i32
      %add3A_22 = arith.addi %mul3A_20, %add3A_21 : i32
      "tpu.region"() ({
        %run_scoped3A = tpu.sem_alloc : memref<!tpu.dma_semaphore, #tpu.memory_space<semaphore_mem>>
        %dma_start3A = arith.constant 9984 : i32
        %dma_start3A_23 = arith.constant 0 : i32
        %dma_start3A_24 = tpu.memref_slice %arg11[%dma_start3A, %dma_start3A_23] : memref<10000x128xf32, #tpu.memory_space<vmem_shared>> -> memref<16x128xf32, #tpu.memory_space<vmem_shared>>
        %dma_start3A_25 = arith.constant 0 : i32
        %dma_start3A_26 = tpu.memref_slice %arg2[%add3A_22, %dma_start3A_25] : memref<20000x128xf32, #tpu.memory_space<hbm>> -> memref<16x128xf32, #tpu.memory_space<hbm>>
        tpu.enqueue_dma source(%dma_start3A_26 : memref<16x128xf32, #tpu.memory_space<hbm>>) target(%dma_start3A_24 : memref<16x128xf32, #tpu.memory_space<vmem_shared>>) target_semaphore(%run_scoped3A : memref<!tpu.dma_semaphore, #tpu.memory_space<semaphore_mem>>)
        %dma_wait3A = arith.constant 9984 : i32
        %dma_wait3A_27 = arith.constant 0 : i32
        %dma_wait3A_28 = tpu.memref_slice %arg11[%dma_wait3A, %dma_wait3A_27] : memref<10000x128xf32, #tpu.memory_space<vmem_shared>> -> memref<16x128xf32, #tpu.memory_space<vmem_shared>>
        %dma_wait3A_29 = arith.constant 0 : i32
        %dma_wait3A_30 = tpu.memref_slice %arg2[%add3A_22, %dma_wait3A_29] : memref<20000x128xf32, #tpu.memory_space<hbm>> -> memref<16x128xf32, #tpu.memory_space<hbm>>
        tpu.wait_dma2 semaphore(%run_scoped3A : memref<!tpu.dma_semaphore, #tpu.memory_space<semaphore_mem>>) src(%dma_wait3A_30 : memref<16x128xf32, #tpu.memory_space<hbm>>) dst(%dma_wait3A_28 : memref<16x128xf32, #tpu.memory_space<vmem_shared>>)
        tpu.yield
      }) : () -> ()
    } else {
    }
    %barrier3A = arith.constant 0 : index
    tpu.barrier barrier_id(%barrier3A)
    %scan3A = arith.constant 0 : i32
    %scan3A_5 = arith.constant 0 : i32
    %scan3A_6 = arith.constant 100 : i32
    %scan3A_7 = arith.addi %scan3A_5, %scan3A_6 : i32
    %scan3A_8 = arith.constant 1 : i32
    scf.for %scan3A_19 = %scan3A_5 to %scan3A_7 step %scan3A_8  : i32 {
      %mul3A_20 = arith.constant 320000 : i32
      %mul3A_21 = arith.muli %arg0, %mul3A_20 : i32
      %mul3A_22 = arith.constant 20000 : i32
      %mul3A_23 = arith.muli %arg1, %mul3A_22 : i32
      %add3A_24 = arith.addi %mul3A_21, %mul3A_23 : i32
      %mul3A_25 = arith.constant 200 : i32
      %mul3A_26 = arith.muli %scan3A_19, %mul3A_25 : i32
      %add3A_27 = arith.addi %add3A_24, %mul3A_26 : i32
      %mul3A_28 = arith.constant 20000 : i32
      %mul3A_29 = arith.muli %arg1, %mul3A_28 : i32
      %mul3A_30 = arith.constant 200 : i32
      %mul3A_31 = arith.muli %scan3A_19, %mul3A_30 : i32
      %add3A_32 = arith.addi %mul3A_29, %mul3A_31 : i32
      "tpu.region"() ({
        %run_scoped3A = tpu.sem_alloc : memref<!tpu.dma_semaphore, #tpu.memory_space<semaphore_mem>>
        %dma_start3A_39 = tpu.memref_slice %arg3[%add3A_27] : memref<640000xi32, #tpu.memory_space<hbm>> -> memref<200xi32, #tpu.memory_space<hbm>>
        %dma_start3A_40 = tpu.memref_slice %arg3[%add3A_27] : memref<640000xi32, #tpu.memory_space<hbm>> -> memref<200xi32, #tpu.memory_space<hbm>>
        tpu.enqueue_dma source(%dma_start3A_40 : memref<200xi32, #tpu.memory_space<hbm>>) target(%arg7 : memref<200xi32, #tpu.memory_space<vmem>>) target_semaphore(%run_scoped3A : memref<!tpu.dma_semaphore, #tpu.memory_space<semaphore_mem>>)
        %dma_wait3A_41 = tpu.memref_slice %arg3[%add3A_27] : memref<640000xi32, #tpu.memory_space<hbm>> -> memref<200xi32, #tpu.memory_space<hbm>>
        %dma_wait3A_42 = tpu.memref_slice %arg3[%add3A_27] : memref<640000xi32, #tpu.memory_space<hbm>> -> memref<200xi32, #tpu.memory_space<hbm>>
        tpu.wait_dma2 semaphore(%run_scoped3A : memref<!tpu.dma_semaphore, #tpu.memory_space<semaphore_mem>>) src(%dma_wait3A_42 : memref<200xi32, #tpu.memory_space<hbm>>) dst(%arg7 : memref<200xi32, #tpu.memory_space<vmem>>)
        tpu.yield
      }) : () -> ()
      "tpu.region"() ({
        %run_scoped3A = tpu.sem_alloc : memref<!tpu.dma_semaphore, #tpu.memory_space<semaphore_mem>>
        %dma_start3A_39 = tpu.memref_slice %arg4[%add3A_32] : memref<320000xi32, #tpu.memory_space<hbm>> -> memref<200xi32, #tpu.memory_space<hbm>>
        %dma_start3A_40 = tpu.memref_slice %arg4[%add3A_32] : memref<320000xi32, #tpu.memory_space<hbm>> -> memref<200xi32, #tpu.memory_space<hbm>>
        tpu.enqueue_dma source(%dma_start3A_40 : memref<200xi32, #tpu.memory_space<hbm>>) target(%arg8 : memref<200xi32, #tpu.memory_space<vmem>>) target_semaphore(%run_scoped3A : memref<!tpu.dma_semaphore, #tpu.memory_space<semaphore_mem>>)
        %dma_wait3A_41 = tpu.memref_slice %arg4[%add3A_32] : memref<320000xi32, #tpu.memory_space<hbm>> -> memref<200xi32, #tpu.memory_space<hbm>>
        %dma_wait3A_42 = tpu.memref_slice %arg4[%add3A_32] : memref<320000xi32, #tpu.memory_space<hbm>> -> memref<200xi32, #tpu.memory_space<hbm>>
        tpu.wait_dma2 semaphore(%run_scoped3A : memref<!tpu.dma_semaphore, #tpu.memory_space<semaphore_mem>>) src(%dma_wait3A_42 : memref<200xi32, #tpu.memory_space<hbm>>) dst(%arg8 : memref<200xi32, #tpu.memory_space<vmem>>)
        tpu.yield
      }) : () -> ()
      "tpu.region"() ({
        %run_scoped3A = tpu.sem_alloc : memref<!tpu.dma_semaphore, #tpu.memory_space<semaphore_mem>>
        %dma_start3A_39 = tpu.memref_slice %arg5[%add3A_32] : memref<320000xf32, #tpu.memory_space<hbm>> -> memref<200xf32, #tpu.memory_space<hbm>>
        %dma_start3A_40 = tpu.memref_slice %arg5[%add3A_32] : memref<320000xf32, #tpu.memory_space<hbm>> -> memref<200xf32, #tpu.memory_space<hbm>>
        tpu.enqueue_dma source(%dma_start3A_40 : memref<200xf32, #tpu.memory_space<hbm>>) target(%arg9 : memref<200xf32, #tpu.memory_space<vmem>>) target_semaphore(%run_scoped3A : memref<!tpu.dma_semaphore, #tpu.memory_space<semaphore_mem>>)
        %dma_wait3A_41 = tpu.memref_slice %arg5[%add3A_32] : memref<320000xf32, #tpu.memory_space<hbm>> -> memref<200xf32, #tpu.memory_space<hbm>>
        %dma_wait3A_42 = tpu.memref_slice %arg5[%add3A_32] : memref<320000xf32, #tpu.memory_space<hbm>> -> memref<200xf32, #tpu.memory_space<hbm>>
        tpu.wait_dma2 semaphore(%run_scoped3A : memref<!tpu.dma_semaphore, #tpu.memory_space<semaphore_mem>>) src(%dma_wait3A_42 : memref<200xf32, #tpu.memory_space<hbm>>) dst(%arg9 : memref<200xf32, #tpu.memory_space<vmem>>)
        tpu.yield
      }) : () -> ()
      %dma_start3A = arith.constant 0 : i32
      %dma_start3A_33 = arith.constant 0 : i32
      %dma_start3A_34 = tpu.memref_slice %arg2[%dma_start3A, %dma_start3A_33] : memref<20000x128xf32, #tpu.memory_space<hbm>> -> memref<20000x128xf32, #tpu.memory_space<hbm>>
      tpu.enqueue_indirect_dma source(%dma_start3A_34 : memref<20000x128xf32, #tpu.memory_space<hbm>>) target(%arg10 : memref<200x128xf32, #tpu.memory_space<vmem>>) offsets(%arg7 : memref<200xi32, #tpu.memory_space<vmem>>) semaphore(%arg12 : memref<!tpu.dma_semaphore, #tpu.memory_space<semaphore_mem>>)
      %dma_wait3A = arith.constant 0 : i32
      %dma_wait3A_35 = arith.constant 0 : i32
      %dma_wait3A_36 = tpu.memref_slice %arg2[%dma_wait3A, %dma_wait3A_35] : memref<20000x128xf32, #tpu.memory_space<hbm>> -> memref<20000x128xf32, #tpu.memory_space<hbm>>
      tpu.wait_indirect_dma semaphore(%arg12 : memref<!tpu.dma_semaphore, #tpu.memory_space<semaphore_mem>>) src(%dma_wait3A_36 : memref<20000x128xf32, #tpu.memory_space<hbm>>) dst(%arg10 : memref<200x128xf32, #tpu.memory_space<vmem>>)
      %parallel_loop3A = arith.constant 0 : i32
      %parallel_loop3A_37 = arith.constant 200 : i32
      %parallel_loop3A_38 = arith.constant 1 : i32
      scf.for %parallel_loop3A_39 = %parallel_loop3A to %parallel_loop3A_37 step %parallel_loop3A_38  : i32 {
        %parallel_loop3A_40 = arith.constant 0 : i32
        %parallel_loop3A_41 = vector.broadcast %parallel_loop3A_40 : i32 to vector<16xi32>
        %parallel_loop3A_42 = vector.broadcast %parallel_loop3A_39 : i32 to vector<16xi32>
        %parallel_loop3A_43 = arith.addi %parallel_loop3A_41, %parallel_loop3A_42 : vector<16xi32>
        %parallel_loop3A_44 = tpu.vector_load_idx %arg9[%parallel_loop3A_43] : memref<200xf32, #tpu.memory_space<vmem>>[vector<16xi32>], vector<16xf32>,
        %parallel_loop3A_45 = arith.index_cast %parallel_loop3A_39 : i32 to index
        %parallel_loop3A_46 = arith.constant 0 : index
        %parallel_loop3A_47 = tpu.vector_load %arg10[%parallel_loop3A_45, %parallel_loop3A_46] {strides = array<i32>} : memref<200x128xf32, #tpu.memory_space<vmem>>, vector<16xf32>,
        %parallel_loop3A_48 = arith.mulf %parallel_loop3A_47, %parallel_loop3A_44 : vector<16xf32>
        %parallel_loop3A_49 = arith.index_cast %parallel_loop3A_39 : i32 to index
        %parallel_loop3A_50 = arith.constant 0 : index
        %parallel_loop3A_51 = tpu.vector_load %arg10[%parallel_loop3A_49, %parallel_loop3A_50] {strides = array<i32>} : memref<200x128xf32, #tpu.memory_space<vmem>>, vector<16xf32>,
        tpu.vector_store %arg10[%parallel_loop3A_49, %parallel_loop3A_50], %parallel_loop3A_48 {strides = array<i32>} : memref<200x128xf32, #tpu.memory_space<vmem>>, vector<16xf32>,
        %parallel_loop3A_52 = arith.index_cast %parallel_loop3A_39 : i32 to index
        %parallel_loop3A_53 = arith.constant 16 : index
        %parallel_loop3A_54 = tpu.vector_load %arg10[%parallel_loop3A_52, %parallel_loop3A_53] {strides = array<i32>} : memref<200x128xf32, #tpu.memory_space<vmem>>, vector<16xf32>,
        %parallel_loop3A_55 = arith.mulf %parallel_loop3A_54, %parallel_loop3A_44 : vector<16xf32>
        %parallel_loop3A_56 = arith.index_cast %parallel_loop3A_39 : i32 to index
        %parallel_loop3A_57 = arith.constant 16 : index
        %parallel_loop3A_58 = tpu.vector_load %arg10[%parallel_loop3A_56, %parallel_loop3A_57] {strides = array<i32>} : memref<200x128xf32, #tpu.memory_space<vmem>>, vector<16xf32>,
        tpu.vector_store %arg10[%parallel_loop3A_56, %parallel_loop3A_57], %parallel_loop3A_55 {strides = array<i32>} : memref<200x128xf32, #tpu.memory_space<vmem>>, vector<16xf32>,
        %parallel_loop3A_59 = arith.index_cast %parallel_loop3A_39 : i32 to index
        %parallel_loop3A_60 = arith.constant 32 : index
        %parallel_loop3A_61 = tpu.vector_load %arg10[%parallel_loop3A_59, %parallel_loop3A_60] {strides = array<i32>} : memref<200x128xf32, #tpu.memory_space<vmem>>, vector<16xf32>,
        %parallel_loop3A_62 = arith.mulf %parallel_loop3A_61, %parallel_loop3A_44 : vector<16xf32>
        %parallel_loop3A_63 = arith.index_cast %parallel_loop3A_39 : i32 to index
        %parallel_loop3A_64 = arith.constant 32 : index
        %parallel_loop3A_65 = tpu.vector_load %arg10[%parallel_loop3A_63, %parallel_loop3A_64] {strides = array<i32>} : memref<200x128xf32, #tpu.memory_space<vmem>>, vector<16xf32>,
        tpu.vector_store %arg10[%parallel_loop3A_63, %parallel_loop3A_64], %parallel_loop3A_62 {strides = array<i32>} : memref<200x128xf32, #tpu.memory_space<vmem>>, vector<16xf32>,
        %parallel_loop3A_66 = arith.index_cast %parallel_loop3A_39 : i32 to index
        %parallel_loop3A_67 = arith.constant 48 : index
        %parallel_loop3A_68 = tpu.vector_load %arg10[%parallel_loop3A_66, %parallel_loop3A_67] {strides = array<i32>} : memref<200x128xf32, #tpu.memory_space<vmem>>, vector<16xf32>,
        %parallel_loop3A_69 = arith.mulf %parallel_loop3A_68, %parallel_loop3A_44 : vector<16xf32>
        %parallel_loop3A_70 = arith.index_cast %parallel_loop3A_39 : i32 to index
        %parallel_loop3A_71 = arith.constant 48 : index
        %parallel_loop3A_72 = tpu.vector_load %arg10[%parallel_loop3A_70, %parallel_loop3A_71] {strides = array<i32>} : memref<200x128xf32, #tpu.memory_space<vmem>>, vector<16xf32>,
        tpu.vector_store %arg10[%parallel_loop3A_70, %parallel_loop3A_71], %parallel_loop3A_69 {strides = array<i32>} : memref<200x128xf32, #tpu.memory_space<vmem>>, vector<16xf32>,
        %parallel_loop3A_73 = arith.index_cast %parallel_loop3A_39 : i32 to index
        %parallel_loop3A_74 = arith.constant 64 : index
        %parallel_loop3A_75 = tpu.vector_load %arg10[%parallel_loop3A_73, %parallel_loop3A_74] {strides = array<i32>} : memref<200x128xf32, #tpu.memory_space<vmem>>, vector<16xf32>,
        %parallel_loop3A_76 = arith.mulf %parallel_loop3A_75, %parallel_loop3A_44 : vector<16xf32>
        %parallel_loop3A_77 = arith.index_cast %parallel_loop3A_39 : i32 to index
        %parallel_loop3A_78 = arith.constant 64 : index
        %parallel_loop3A_79 = tpu.vector_load %arg10[%parallel_loop3A_77, %parallel_loop3A_78] {strides = array<i32>} : memref<200x128xf32, #tpu.memory_space<vmem>>, vector<16xf32>,
        tpu.vector_store %arg10[%parallel_loop3A_77, %parallel_loop3A_78], %parallel_loop3A_76 {strides = array<i32>} : memref<200x128xf32, #tpu.memory_space<vmem>>, vector<16xf32>,
        %parallel_loop3A_80 = arith.index_cast %parallel_loop3A_39 : i32 to index
        %parallel_loop3A_81 = arith.constant 80 : index
        %parallel_loop3A_82 = tpu.vector_load %arg10[%parallel_loop3A_80, %parallel_loop3A_81] {strides = array<i32>} : memref<200x128xf32, #tpu.memory_space<vmem>>, vector<16xf32>,
        %parallel_loop3A_83 = arith.mulf %parallel_loop3A_82, %parallel_loop3A_44 : vector<16xf32>
        %parallel_loop3A_84 = arith.index_cast %parallel_loop3A_39 : i32 to index
        %parallel_loop3A_85 = arith.constant 80 : index
        %parallel_loop3A_86 = tpu.vector_load %arg10[%parallel_loop3A_84, %parallel_loop3A_85] {strides = array<i32>} : memref<200x128xf32, #tpu.memory_space<vmem>>, vector<16xf32>,
        tpu.vector_store %arg10[%parallel_loop3A_84, %parallel_loop3A_85], %parallel_loop3A_83 {strides = array<i32>} : memref<200x128xf32, #tpu.memory_space<vmem>>, vector<16xf32>,
        %parallel_loop3A_87 = arith.index_cast %parallel_loop3A_39 : i32 to index
        %parallel_loop3A_88 = arith.constant 96 : index
        %parallel_loop3A_89 = tpu.vector_load %arg10[%parallel_loop3A_87, %parallel_loop3A_88] {strides = array<i32>} : memref<200x128xf32, #tpu.memory_space<vmem>>, vector<16xf32>,
        %parallel_loop3A_90 = arith.mulf %parallel_loop3A_89, %parallel_loop3A_44 : vector<16xf32>
        %parallel_loop3A_91 = arith.index_cast %parallel_loop3A_39 : i32 to index
        %parallel_loop3A_92 = arith.constant 96 : index
        %parallel_loop3A_93 = tpu.vector_load %arg10[%parallel_loop3A_91, %parallel_loop3A_92] {strides = array<i32>} : memref<200x128xf32, #tpu.memory_space<vmem>>, vector<16xf32>,
        tpu.vector_store %arg10[%parallel_loop3A_91, %parallel_loop3A_92], %parallel_loop3A_90 {strides = array<i32>} : memref<200x128xf32, #tpu.memory_space<vmem>>, vector<16xf32>,
        %parallel_loop3A_94 = arith.index_cast %parallel_loop3A_39 : i32 to index
        %parallel_loop3A_95 = arith.constant 112 : index
        %parallel_loop3A_96 = tpu.vector_load %arg10[%parallel_loop3A_94, %parallel_loop3A_95] {strides = array<i32>} : memref<200x128xf32, #tpu.memory_space<vmem>>, vector<16xf32>,
        %parallel_loop3A_97 = arith.mulf %parallel_loop3A_96, %parallel_loop3A_44 : vector<16xf32>
        %parallel_loop3A_98 = arith.index_cast %parallel_loop3A_39 : i32 to index
        %parallel_loop3A_99 = arith.constant 112 : index
        %parallel_loop3A_100 = tpu.vector_load %arg10[%parallel_loop3A_98, %parallel_loop3A_99] {strides = array<i32>} : memref<200x128xf32, #tpu.memory_space<vmem>>, vector<16xf32>,
        tpu.vector_store %arg10[%parallel_loop3A_98, %parallel_loop3A_99], %parallel_loop3A_97 {strides = array<i32>} : memref<200x128xf32, #tpu.memory_space<vmem>>, vector<16xf32>,
      } {sc.loop_unroll_factor = 8 : i64, sc.parallel_access}
      "tpu.region"() ({
        %run_scoped3A = tpu.sem_alloc : memref<!tpu.dma_semaphore, #tpu.memory_space<semaphore_mem>>
        %dma_start3A_39 = arith.constant 0 : i32
        %dma_start3A_40 = arith.constant 0 : i32
        %dma_start3A_41 = tpu.memref_slice %arg11[%dma_start3A_39, %dma_start3A_40] : memref<10000x128xf32, #tpu.memory_space<vmem_shared>> -> memref<10000x128xf32, #tpu.memory_space<vmem_shared>>
        tpu.enqueue_indirect_dma source(%arg10 : memref<200x128xf32, #tpu.memory_space<vmem>>) target(%dma_start3A_41 : memref<10000x128xf32, #tpu.memory_space<vmem_shared>>) offsets(%arg8 : memref<200xi32, #tpu.memory_space<vmem>>) semaphore(%run_scoped3A : memref<!tpu.dma_semaphore, #tpu.memory_space<semaphore_mem>>) {add = true}
        %dma_wait3A_42 = arith.constant 0 : i32
        %dma_wait3A_43 = arith.constant 0 : i32
        %dma_wait3A_44 = tpu.memref_slice %arg11[%dma_wait3A_42, %dma_wait3A_43] : memref<10000x128xf32, #tpu.memory_space<vmem_shared>> -> memref<10000x128xf32, #tpu.memory_space<vmem_shared>>
        tpu.wait_indirect_dma semaphore(%run_scoped3A : memref<!tpu.dma_semaphore, #tpu.memory_space<semaphore_mem>>) src(%arg10 : memref<200x128xf32, #tpu.memory_space<vmem>>) dst(%dma_wait3A_44 : memref<10000x128xf32, #tpu.memory_space<vmem_shared>>)
        tpu.yield
      }) : () -> ()
    }
    %scan3A_9 = arith.constant 100 : i32
    %barrier3A_10 = arith.constant 0 : index
    tpu.barrier barrier_id(%barrier3A_10)
    %mul3A_11 = arith.constant 10000 : i32
    %mul3A_12 = arith.muli %arg0, %mul3A_11 : i32
    %add3A_13 = arith.addi %mul3A_12, %mul3A_0 : i32
    "tpu.region"() ({
      %run_scoped3A = tpu.sem_alloc : memref<!tpu.dma_semaphore, #tpu.memory_space<semaphore_mem>>
      %dma_start3A = arith.constant 0 : i32
      %dma_start3A_19 = tpu.memref_slice %arg6[%add3A_13, %dma_start3A] : memref<20000x128xf32, #tpu.memory_space<hbm>> -> memref<624x128xf32, #tpu.memory_space<hbm>>
      %dma_start3A_20 = arith.constant 0 : i32
      %dma_start3A_21 = tpu.memref_slice %arg11[%mul3A_0, %dma_start3A_20] : memref<10000x128xf32, #tpu.memory_space<vmem_shared>> -> memref<624x128xf32, #tpu.memory_space<vmem_shared>>
      tpu.enqueue_dma source(%dma_start3A_21 : memref<624x128xf32, #tpu.memory_space<vmem_shared>>) target(%dma_start3A_19 : memref<624x128xf32, #tpu.memory_space<hbm>>) target_semaphore(%run_scoped3A : memref<!tpu.dma_semaphore, #tpu.memory_space<semaphore_mem>>)
      %dma_wait3A = arith.constant 0 : i32
      %dma_wait3A_22 = tpu.memref_slice %arg6[%add3A_13, %dma_wait3A] : memref<20000x128xf32, #tpu.memory_space<hbm>> -> memref<624x128xf32, #tpu.memory_space<hbm>>
      %dma_wait3A_23 = arith.constant 0 : i32
      %dma_wait3A_24 = tpu.memref_slice %arg11[%mul3A_0, %dma_wait3A_23] : memref<10000x128xf32, #tpu.memory_space<vmem_shared>> -> memref<624x128xf32, #tpu.memory_space<vmem_shared>>
      tpu.wait_dma2 semaphore(%run_scoped3A : memref<!tpu.dma_semaphore, #tpu.memory_space<semaphore_mem>>) src(%dma_wait3A_24 : memref<624x128xf32, #tpu.memory_space<vmem_shared>>) dst(%dma_wait3A_22 : memref<624x128xf32, #tpu.memory_space<hbm>>)
      tpu.yield
    }) : () -> ()
    %eq3A_14 = arith.constant 0 : i32
    %eq3A_15 = arith.cmpi eq, %arg1, %eq3A_14 : i32
    %convert_element_type3A_16 = arith.extui %eq3A_15 : i1 to i32
    %cond3A_17 = arith.constant 0 : i32
    %cond3A_18 = arith.cmpi ne, %convert_element_type3A_16, %cond3A_17 : i32
    scf.if %cond3A_18 {
      %mul3A_19 = arith.constant 10000 : i32
      %mul3A_20 = arith.muli %arg0, %mul3A_19 : i32
      %add3A_21 = arith.constant 9984 : i32
      %add3A_22 = arith.addi %mul3A_20, %add3A_21 : i32
      "tpu.region"() ({
        %run_scoped3A = tpu.sem_alloc : memref<!tpu.dma_semaphore, #tpu.memory_space<semaphore_mem>>
        %dma_start3A = arith.constant 0 : i32
        %dma_start3A_23 = tpu.memref_slice %arg6[%add3A_22, %dma_start3A] : memref<20000x128xf32, #tpu.memory_space<hbm>> -> memref<16x128xf32, #tpu.memory_space<hbm>>
        %dma_start3A_24 = arith.constant 9984 : i32
        %dma_start3A_25 = arith.constant 0 : i32
        %dma_start3A_26 = tpu.memref_slice %arg11[%dma_start3A_24, %dma_start3A_25] : memref<10000x128xf32, #tpu.memory_space<vmem_shared>> -> memref<16x128xf32, #tpu.memory_space<vmem_shared>>
        tpu.enqueue_dma source(%dma_start3A_26 : memref<16x128xf32, #tpu.memory_space<vmem_shared>>) target(%dma_start3A_23 : memref<16x128xf32, #tpu.memory_space<hbm>>) target_semaphore(%run_scoped3A : memref<!tpu.dma_semaphore, #tpu.memory_space<semaphore_mem>>)
        %dma_wait3A = arith.constant 0 : i32
        %dma_wait3A_27 = tpu.memref_slice %arg6[%add3A_22, %dma_wait3A] : memref<20000x128xf32, #tpu.memory_space<hbm>> -> memref<16x128xf32, #tpu.memory_space<hbm>>
        %dma_wait3A_28 = arith.constant 9984 : i32
        %dma_wait3A_29 = arith.constant 0 : i32
        %dma_wait3A_30 = tpu.memref_slice %arg11[%dma_wait3A_28, %dma_wait3A_29] : memref<10000x128xf32, #tpu.memory_space<vmem_shared>> -> memref<16x128xf32, #tpu.memory_space<vmem_shared>>
        tpu.wait_dma2 semaphore(%run_scoped3A : memref<!tpu.dma_semaphore, #tpu.memory_space<semaphore_mem>>) src(%dma_wait3A_30 : memref<16x128xf32, #tpu.memory_space<vmem_shared>>) dst(%dma_wait3A_27 : memref<16x128xf32, #tpu.memory_space<hbm>>)
        tpu.yield
      }) : () -> ()
    } else {
    }
    return
  }
}

module attributes {stable_mosaic.version = 14 : i64} {
  func.func @body(%arg0: i32, %arg1: memref<1000x128xf32, #tpu.memory_space<vmem>>, %arg2: memref<128x256xf32, #tpu.memory_space<vmem>>, %arg3: memref<1000x2xf32, #tpu.memory_space<vmem>>, %arg4: memref<2x1000x128xf32, #tpu.memory_space<vmem>>, %arg5: memref<1000x1xf32, #tpu.memory_space<vmem>>) attributes {dimension_semantics = [#tpu.dimension_semantics<arbitrary>], iteration_bounds = array<i64: 10>, scalar_prefetch = 0 : i64, scratch_operands = 0 : i64, tpu.core_type = #tpu.core_type<tc>, window_params = [{transform_indices = @transform_0, window_bounds = array<i64: 1000, 128>}, {pipeline_mode = #tpu.pipeline_mode<synchronous>, transform_indices = @transform_1, window_bounds = array<i64: 128, 256>}, {transform_indices = @transform_2, window_bounds = array<i64: 1000, 2>}, {transform_indices = @transform_3, window_bounds = array<i64: 2, 1000, 128>}, {transform_indices = @transform_4, window_bounds = array<i64: 1000, 1>}]} {
    %get3A = arith.constant 0 : index
    %get3A_0 = arith.constant 0 : index
    %get3A_1 = vector.load %arg3[%get3A, %get3A_0] : memref<1000x2xf32, #tpu.memory_space<vmem>>, vector<1000x1xf32>
    %get3A_2 = vector.shape_cast %get3A_1 : vector<1000x1xf32> to vector<1000xf32>
    %get3A_3 = arith.constant 0 : index
    %get3A_4 = arith.constant 1 : index
    %get3A_5 = vector.load %arg3[%get3A_3, %get3A_4] : memref<1000x2xf32, #tpu.memory_space<vmem>>, vector<1000x1xf32>
    %get3A_6 = vector.shape_cast %get3A_5 : vector<1000x1xf32> to vector<1000xf32>
    %add3A = arith.addf %get3A_2, %get3A_6 : vector<1000xf32>
    %add3A_7 = arith.constant 1.000000e+00 : f32
    %add3A_8 = vector.broadcast %add3A_7 : f32 to vector<1000xf32>
    %add3A_9 = arith.addf %add3A, %add3A_8 : vector<1000xf32>
    %gt3A = arith.constant 0.000000e+00 : f32
    %gt3A_10 = vector.broadcast %gt3A : f32 to vector<1000xf32>
    %gt3A_11 = arith.cmpf ogt, %add3A_9, %gt3A_10 : vector<1000xf32>
    %max3A = arith.constant 9.99999996E-13 : f32
    %max3A_12 = vector.broadcast %max3A : f32 to vector<1000xf32>
    %max3A_13 = arith.maximumf %add3A_9, %max3A_12 : vector<1000xf32>
    %rsqrt3A = math.rsqrt %max3A_13 : vector<1000xf32>
    %jit3A = arith.constant 0.000000e+00 : f32
    %broadcast_in_dim3A = vector.broadcast %jit3A : f32 to vector<1000xf32>
    %select_n3A = arith.select %gt3A_11, %rsqrt3A, %broadcast_in_dim3A : vector<1000xi1>, vector<1000xf32>
    %get3A_14 = arith.constant 0 : index
    %get3A_15 = arith.constant 0 : index
    %get3A_16 = vector.load %arg1[%get3A_14, %get3A_15] : memref<1000x128xf32, #tpu.memory_space<vmem>>, vector<1000x128xf32>
    %convert_element_type3A = arith.truncf %get3A_16 : vector<1000x128xf32> to vector<1000x128xbf16>
    %get3A_17 = arith.constant 0 : index
    %get3A_18 = arith.constant 0 : index
    %get3A_19 = vector.load %arg2[%get3A_17, %get3A_18] : memref<128x256xf32, #tpu.memory_space<vmem>>, vector<128x256xf32>
    %convert_element_type3A_20 = arith.truncf %get3A_19 : vector<128x256xf32> to vector<128x256xbf16>
    %dot_general3A = arith.constant dense<0.000000e+00> : vector<1000x256xf32>
    %dot_general3A_21 = tpu.matmul %convert_element_type3A, %convert_element_type3A_20, %dot_general3A {dimension_numbers = #tpu.dot_dimension_numbers<[1], [0], [0], [1], [0, 0, 1, 1], [], []>, transpose_lhs_hint = false} : vector<1000x128xbf16>, vector<128x256xbf16>, vector<1000x256xf32> -> vector<1000x256xf32>
    %broadcast_in_dim3A_22 = vector.shape_cast %select_n3A : vector<1000xf32> to vector<1000x1xf32>
    %mul3A = vector.broadcast %broadcast_in_dim3A_22 : vector<1000x1xf32> to vector<1000x256xf32>
    %mul3A_23 = arith.mulf %dot_general3A_21, %mul3A : vector<1000x256xf32>
    %slice3A = vector.extract_strided_slice %mul3A_23 {offsets = [0, 0], sizes = [1000, 128], strides = [1, 1]} : vector<1000x256xf32> to vector<1000x128xf32>
    %swap3A = arith.constant 0 : index
    %swap3A_24 = arith.constant 0 : index
    %swap3A_25 = arith.constant 0 : index
    %swap3A_26 = vector.load %arg4[%swap3A, %swap3A_24, %swap3A_25] : memref<2x1000x128xf32, #tpu.memory_space<vmem>>, vector<1x1000x128xf32>
    %swap3A_27 = vector.shape_cast %swap3A_26 : vector<1x1000x128xf32> to vector<1000x128xf32>
    %swap3A_28 = vector.shape_cast %slice3A : vector<1000x128xf32> to vector<1x1000x128xf32>
    tpu.vector_store %arg4[%swap3A, %swap3A_24, %swap3A_25], %swap3A_28 {strides = array<i32>} : memref<2x1000x128xf32, #tpu.memory_space<vmem>>, vector<1x1000x128xf32>,
    %slice3A_29 = vector.extract_strided_slice %mul3A_23 {offsets = [0, 128], sizes = [1000, 128], strides = [1, 1]} : vector<1000x256xf32> to vector<1000x128xf32>
    %swap3A_30 = arith.constant 1 : index
    %swap3A_31 = arith.constant 0 : index
    %swap3A_32 = arith.constant 0 : index
    %swap3A_33 = vector.load %arg4[%swap3A_30, %swap3A_31, %swap3A_32] : memref<2x1000x128xf32, #tpu.memory_space<vmem>>, vector<1x1000x128xf32>
    %swap3A_34 = vector.shape_cast %swap3A_33 : vector<1x1000x128xf32> to vector<1000x128xf32>
    %swap3A_35 = vector.shape_cast %slice3A_29 : vector<1000x128xf32> to vector<1x1000x128xf32>
    tpu.vector_store %arg4[%swap3A_30, %swap3A_31, %swap3A_32], %swap3A_35 {strides = array<i32>} : memref<2x1000x128xf32, #tpu.memory_space<vmem>>, vector<1x1000x128xf32>,
    %broadcast_in_dim3A_36 = vector.shape_cast %select_n3A : vector<1000xf32> to vector<1000x1xf32>
    %swap3A_37 = arith.constant 0 : index
    %swap3A_38 = arith.constant 0 : index
    %swap3A_39 = vector.load %arg5[%swap3A_37, %swap3A_38] : memref<1000x1xf32, #tpu.memory_space<vmem>>, vector<1000x1xf32>
    tpu.vector_store %arg5[%swap3A_37, %swap3A_38], %broadcast_in_dim3A_36 {strides = array<i32>} : memref<1000x1xf32, #tpu.memory_space<vmem>>, vector<1000x1xf32>,
    return
  }
  func.func @transform_0(%arg0: i32) -> (i32, i32) {
    %c0_i32 = arith.constant 0 : i32
    %c0_i32_0 = arith.constant 0 : i32
    return %arg0, %c0_i32 : i32, i32
  }
  func.func @transform_1(%arg0: i32) -> (i32, i32) {
    %c0_i32 = arith.constant 0 : i32
    %c0_i32_0 = arith.constant 0 : i32
    %c0_i32_1 = arith.constant 0 : i32
    return %c0_i32, %c0_i32_0 : i32, i32
  }
  func.func @transform_2(%arg0: i32) -> (i32, i32) {
    %c0_i32 = arith.constant 0 : i32
    %c0_i32_0 = arith.constant 0 : i32
    return %arg0, %c0_i32 : i32, i32
  }
  func.func @transform_3(%arg0: i32) -> (i32, i32, i32) {
    %c0_i32 = arith.constant 0 : i32
    %c0_i32_0 = arith.constant 0 : i32
    %c0_i32_1 = arith.constant 0 : i32
    return %c0_i32, %arg0, %c0_i32_0 : i32, i32, i32
  }
  func.func @transform_4(%arg0: i32) -> (i32, i32) {
    %c0_i32 = arith.constant 0 : i32
    %c0_i32_0 = arith.constant 0 : i32
    return %arg0, %c0_i32 : i32, i32
  }
}

module attributes {stable_mosaic.version = 14 : i64} {
  func.func @body(%arg0: i32, %arg1: memref<2x1000x128xf32, #tpu.memory_space<vmem>>, %arg2: memref<1000x1xf32, #tpu.memory_space<vmem>>, %arg3: memref<256xf32, #tpu.memory_space<vmem>>, %arg4: memref<256xf32, #tpu.memory_space<vmem>>, %arg5: memref<256xf32, #tpu.memory_space<vmem>>, %arg6: memref<256x256xf32, #tpu.memory_space<vmem>>, %arg7: memref<2x1000x128xf32, #tpu.memory_space<vmem>>) attributes {dimension_semantics = [#tpu.dimension_semantics<arbitrary>], iteration_bounds = array<i64: 10>, scalar_prefetch = 0 : i64, scratch_operands = 0 : i64, tpu.core_type = #tpu.core_type<tc>, window_params = [{transform_indices = @transform_0, window_bounds = array<i64: 2, 1000, 128>}, {transform_indices = @transform_1, window_bounds = array<i64: 1000, 1>}, {pipeline_mode = #tpu.pipeline_mode<synchronous>, transform_indices = @transform_2, window_bounds = array<i64: 256>}, {pipeline_mode = #tpu.pipeline_mode<synchronous>, transform_indices = @transform_3, window_bounds = array<i64: 256>}, {pipeline_mode = #tpu.pipeline_mode<synchronous>, transform_indices = @transform_4, window_bounds = array<i64: 256>}, {pipeline_mode = #tpu.pipeline_mode<synchronous>, transform_indices = @transform_5, window_bounds = array<i64: 256, 256>}, {transform_indices = @transform_6, window_bounds = array<i64: 2, 1000, 128>}]} {
    %get3A = arith.constant 0 : index
    %get3A_0 = arith.constant 0 : index
    %get3A_1 = arith.constant 0 : index
    %get3A_2 = vector.load %arg1[%get3A, %get3A_0, %get3A_1] : memref<2x1000x128xf32, #tpu.memory_space<vmem>>, vector<1x1000x128xf32>
    %get3A_3 = vector.shape_cast %get3A_2 : vector<1x1000x128xf32> to vector<1000x128xf32>
    %get3A_4 = arith.constant 1 : index
    %get3A_5 = arith.constant 0 : index
    %get3A_6 = arith.constant 0 : index
    %get3A_7 = vector.load %arg1[%get3A_4, %get3A_5, %get3A_6] : memref<2x1000x128xf32, #tpu.memory_space<vmem>>, vector<1x1000x128xf32>
    %get3A_8 = vector.shape_cast %get3A_7 : vector<1x1000x128xf32> to vector<1000x128xf32>
    %concatenate3A = tpu.concatenate %get3A_3, %get3A_8 in 1 : vector<1000x128xf32>, vector<1000x128xf32> -> vector<1000x256xf32>
    %get3A_9 = arith.constant 0 : index
    %get3A_10 = arith.constant 0 : index
    %get3A_11 = vector.load %arg2[%get3A_9, %get3A_10] : memref<1000x1xf32, #tpu.memory_space<vmem>>, vector<1000x1xf32>
    %mul3A = vector.broadcast %get3A_11 : vector<1000x1xf32> to vector<1000x256xf32>
    %mul3A_12 = arith.mulf %concatenate3A, %mul3A : vector<1000x256xf32>
    %get3A_13 = arith.constant 0 : index
    %get3A_14 = vector.load %arg3[%get3A_13] : memref<256xf32, #tpu.memory_space<vmem>>, vector<256xf32>
    %broadcast_in_dim3A = vector.shape_cast %get3A_14 : vector<256xf32> to vector<1x256xf32>
    %add3A = vector.broadcast %broadcast_in_dim3A : vector<1x256xf32> to vector<1000x256xf32>
    %add3A_15 = arith.addf %mul3A_12, %add3A : vector<1000x256xf32>
    %reduce_sum3A = arith.constant dense<0.000000e+00> : vector<1000xf32>
    %reduce_sum3A_16 = vector.multi_reduction <add>, %add3A_15, %reduce_sum3A [1] : vector<1000x256xf32> to vector<1000xf32>
    %broadcast_in_dim3A_17 = vector.shape_cast %reduce_sum3A_16 : vector<1000xf32> to vector<1000x1xf32>
    %div3A = arith.constant 2.560000e+02 : f32
    %div3A_18 = vector.broadcast %div3A : f32 to vector<1000x1xf32>
    %div3A_19 = arith.divf %broadcast_in_dim3A_17, %div3A_18 : vector<1000x1xf32>
    %sub3A = vector.broadcast %div3A_19 : vector<1000x1xf32> to vector<1000x256xf32>
    %sub3A_20 = arith.subf %add3A_15, %sub3A : vector<1000x256xf32>
    %integer_pow3A = arith.mulf %sub3A_20, %sub3A_20 : vector<1000x256xf32>
    %reduce_sum3A_21 = arith.constant dense<0.000000e+00> : vector<1000xf32>
    %reduce_sum3A_22 = vector.multi_reduction <add>, %integer_pow3A, %reduce_sum3A_21 [1] : vector<1000x256xf32> to vector<1000xf32>
    %broadcast_in_dim3A_23 = vector.shape_cast %reduce_sum3A_22 : vector<1000xf32> to vector<1000x1xf32>
    %div3A_24 = arith.constant 2.560000e+02 : f32
    %div3A_25 = vector.broadcast %div3A_24 : f32 to vector<1000x1xf32>
    %div3A_26 = arith.divf %broadcast_in_dim3A_23, %div3A_25 : vector<1000x1xf32>
    %sub3A_27 = vector.broadcast %div3A_19 : vector<1000x1xf32> to vector<1000x256xf32>
    %sub3A_28 = arith.subf %add3A_15, %sub3A_27 : vector<1000x256xf32>
    %add3A_29 = arith.constant 9.99999974E-6 : f32
    %add3A_30 = vector.broadcast %add3A_29 : f32 to vector<1000x1xf32>
    %add3A_31 = arith.addf %div3A_26, %add3A_30 : vector<1000x1xf32>
    %rsqrt3A = math.rsqrt %add3A_31 : vector<1000x1xf32>
    %mul3A_32 = vector.broadcast %rsqrt3A : vector<1000x1xf32> to vector<1000x256xf32>
    %mul3A_33 = arith.mulf %sub3A_28, %mul3A_32 : vector<1000x256xf32>
    %get3A_34 = arith.constant 0 : index
    %get3A_35 = vector.load %arg4[%get3A_34] : memref<256xf32, #tpu.memory_space<vmem>>, vector<256xf32>
    %broadcast_in_dim3A_36 = vector.shape_cast %get3A_35 : vector<256xf32> to vector<1x256xf32>
    %mul3A_37 = vector.broadcast %broadcast_in_dim3A_36 : vector<1x256xf32> to vector<1000x256xf32>
    %mul3A_38 = arith.mulf %mul3A_33, %mul3A_37 : vector<1000x256xf32>
    %get3A_39 = arith.constant 0 : index
    %get3A_40 = vector.load %arg5[%get3A_39] : memref<256xf32, #tpu.memory_space<vmem>>, vector<256xf32>
    %broadcast_in_dim3A_41 = vector.shape_cast %get3A_40 : vector<256xf32> to vector<1x256xf32>
    %add3A_42 = vector.broadcast %broadcast_in_dim3A_41 : vector<1x256xf32> to vector<1000x256xf32>
    %add3A_43 = arith.addf %mul3A_38, %add3A_42 : vector<1000x256xf32>
    %max3A = arith.constant 0.000000e+00 : f32
    %max3A_44 = vector.broadcast %max3A : f32 to vector<1000x256xf32>
    %max3A_45 = arith.maximumf %add3A_43, %max3A_44 : vector<1000x256xf32>
    %convert_element_type3A = arith.truncf %max3A_45 : vector<1000x256xf32> to vector<1000x256xbf16>
    %get3A_46 = arith.constant 0 : index
    %get3A_47 = arith.constant 0 : index
    %get3A_48 = vector.load %arg6[%get3A_46, %get3A_47] : memref<256x256xf32, #tpu.memory_space<vmem>>, vector<256x256xf32>
    %convert_element_type3A_49 = arith.truncf %get3A_48 : vector<256x256xf32> to vector<256x256xbf16>
    %dot_general3A = arith.constant dense<0.000000e+00> : vector<1000x256xf32>
    %dot_general3A_50 = tpu.matmul %convert_element_type3A, %convert_element_type3A_49, %dot_general3A {dimension_numbers = #tpu.dot_dimension_numbers<[1], [0], [0], [1], [0, 0, 1, 1], [], []>, transpose_lhs_hint = false} : vector<1000x256xbf16>, vector<256x256xbf16>, vector<1000x256xf32> -> vector<1000x256xf32>
    %get3A_51 = arith.constant 0 : index
    %get3A_52 = arith.constant 0 : index
    %get3A_53 = vector.load %arg2[%get3A_51, %get3A_52] : memref<1000x1xf32, #tpu.memory_space<vmem>>, vector<1000x1xf32>
    %mul3A_54 = vector.broadcast %get3A_53 : vector<1000x1xf32> to vector<1000x256xf32>
    %mul3A_55 = arith.mulf %dot_general3A_50, %mul3A_54 : vector<1000x256xf32>
    %slice3A = vector.extract_strided_slice %mul3A_55 {offsets = [0, 0], sizes = [1000, 128], strides = [1, 1]} : vector<1000x256xf32> to vector<1000x128xf32>
    %swap3A = arith.constant 0 : index
    %swap3A_56 = arith.constant 0 : index
    %swap3A_57 = arith.constant 0 : index
    %swap3A_58 = vector.load %arg7[%swap3A, %swap3A_56, %swap3A_57] : memref<2x1000x128xf32, #tpu.memory_space<vmem>>, vector<1x1000x128xf32>
    %swap3A_59 = vector.shape_cast %swap3A_58 : vector<1x1000x128xf32> to vector<1000x128xf32>
    %swap3A_60 = vector.shape_cast %slice3A : vector<1000x128xf32> to vector<1x1000x128xf32>
    tpu.vector_store %arg7[%swap3A, %swap3A_56, %swap3A_57], %swap3A_60 {strides = array<i32>} : memref<2x1000x128xf32, #tpu.memory_space<vmem>>, vector<1x1000x128xf32>,
    %slice3A_61 = vector.extract_strided_slice %mul3A_55 {offsets = [0, 128], sizes = [1000, 128], strides = [1, 1]} : vector<1000x256xf32> to vector<1000x128xf32>
    %swap3A_62 = arith.constant 1 : index
    %swap3A_63 = arith.constant 0 : index
    %swap3A_64 = arith.constant 0 : index
    %swap3A_65 = vector.load %arg7[%swap3A_62, %swap3A_63, %swap3A_64] : memref<2x1000x128xf32, #tpu.memory_space<vmem>>, vector<1x1000x128xf32>
    %swap3A_66 = vector.shape_cast %swap3A_65 : vector<1x1000x128xf32> to vector<1000x128xf32>
    %swap3A_67 = vector.shape_cast %slice3A_61 : vector<1000x128xf32> to vector<1x1000x128xf32>
    tpu.vector_store %arg7[%swap3A_62, %swap3A_63, %swap3A_64], %swap3A_67 {strides = array<i32>} : memref<2x1000x128xf32, #tpu.memory_space<vmem>>, vector<1x1000x128xf32>,
    return
  }
  func.func @transform_0(%arg0: i32) -> (i32, i32, i32) {
    %c0_i32 = arith.constant 0 : i32
    %c0_i32_0 = arith.constant 0 : i32
    %c0_i32_1 = arith.constant 0 : i32
    return %c0_i32, %arg0, %c0_i32_0 : i32, i32, i32
  }
  func.func @transform_1(%arg0: i32) -> (i32, i32) {
    %c0_i32 = arith.constant 0 : i32
    %c0_i32_0 = arith.constant 0 : i32
    return %arg0, %c0_i32 : i32, i32
  }
  func.func @transform_2(%arg0: i32) -> i32 {
    %c0_i32 = arith.constant 0 : i32
    %c0_i32_0 = arith.constant 0 : i32
    return %c0_i32 : i32
  }
  func.func @transform_3(%arg0: i32) -> i32 {
    %c0_i32 = arith.constant 0 : i32
    %c0_i32_0 = arith.constant 0 : i32
    return %c0_i32 : i32
  }
  func.func @transform_4(%arg0: i32) -> i32 {
    %c0_i32 = arith.constant 0 : i32
    %c0_i32_0 = arith.constant 0 : i32
    return %c0_i32 : i32
  }
  func.func @transform_5(%arg0: i32) -> (i32, i32) {
    %c0_i32 = arith.constant 0 : i32
    %c0_i32_0 = arith.constant 0 : i32
    %c0_i32_1 = arith.constant 0 : i32
    return %c0_i32, %c0_i32_0 : i32, i32
  }
  func.func @transform_6(%arg0: i32) -> (i32, i32, i32) {
    %c0_i32 = arith.constant 0 : i32
    %c0_i32_0 = arith.constant 0 : i32
    %c0_i32_1 = arith.constant 0 : i32
    return %c0_i32, %arg0, %c0_i32_0 : i32, i32, i32
  }
}

module attributes {stable_mosaic.version = 14 : i64} {
  func.func @body(%arg0: i32, %arg1: memref<2x1000x128xf32, #tpu.memory_space<vmem>>, %arg2: memref<1000x1xf32, #tpu.memory_space<vmem>>, %arg3: memref<256xf32, #tpu.memory_space<vmem>>, %arg4: memref<256xf32, #tpu.memory_space<vmem>>, %arg5: memref<256xf32, #tpu.memory_space<vmem>>, %arg6: memref<256x1xf32, #tpu.memory_space<vmem>>, %arg7: memref<1xf32, #tpu.memory_space<vmem>>, %arg8: memref<1000x1xf32, #tpu.memory_space<vmem>>) attributes {dimension_semantics = [#tpu.dimension_semantics<arbitrary>], iteration_bounds = array<i64: 10>, scalar_prefetch = 0 : i64, scratch_operands = 0 : i64, tpu.core_type = #tpu.core_type<tc>, window_params = [{transform_indices = @transform_0, window_bounds = array<i64: 2, 1000, 128>}, {transform_indices = @transform_1, window_bounds = array<i64: 1000, 1>}, {pipeline_mode = #tpu.pipeline_mode<synchronous>, transform_indices = @transform_2, window_bounds = array<i64: 256>}, {pipeline_mode = #tpu.pipeline_mode<synchronous>, transform_indices = @transform_3, window_bounds = array<i64: 256>}, {pipeline_mode = #tpu.pipeline_mode<synchronous>, transform_indices = @transform_4, window_bounds = array<i64: 256>}, {pipeline_mode = #tpu.pipeline_mode<synchronous>, transform_indices = @transform_5, window_bounds = array<i64: 256, 1>}, {pipeline_mode = #tpu.pipeline_mode<synchronous>, transform_indices = @transform_6, window_bounds = array<i64: 1>}, {transform_indices = @transform_7, window_bounds = array<i64: 1000, 1>}]} {
    %get3A = arith.constant 0 : index
    %get3A_0 = arith.constant 0 : index
    %get3A_1 = arith.constant 0 : index
    %get3A_2 = vector.load %arg1[%get3A, %get3A_0, %get3A_1] : memref<2x1000x128xf32, #tpu.memory_space<vmem>>, vector<1x1000x128xf32>
    %get3A_3 = vector.shape_cast %get3A_2 : vector<1x1000x128xf32> to vector<1000x128xf32>
    %get3A_4 = arith.constant 1 : index
    %get3A_5 = arith.constant 0 : index
    %get3A_6 = arith.constant 0 : index
    %get3A_7 = vector.load %arg1[%get3A_4, %get3A_5, %get3A_6] : memref<2x1000x128xf32, #tpu.memory_space<vmem>>, vector<1x1000x128xf32>
    %get3A_8 = vector.shape_cast %get3A_7 : vector<1x1000x128xf32> to vector<1000x128xf32>
    %concatenate3A = tpu.concatenate %get3A_3, %get3A_8 in 1 : vector<1000x128xf32>, vector<1000x128xf32> -> vector<1000x256xf32>
    %get3A_9 = arith.constant 0 : index
    %get3A_10 = arith.constant 0 : index
    %get3A_11 = vector.load %arg2[%get3A_9, %get3A_10] : memref<1000x1xf32, #tpu.memory_space<vmem>>, vector<1000x1xf32>
    %mul3A = vector.broadcast %get3A_11 : vector<1000x1xf32> to vector<1000x256xf32>
    %mul3A_12 = arith.mulf %concatenate3A, %mul3A : vector<1000x256xf32>
    %get3A_13 = arith.constant 0 : index
    %get3A_14 = vector.load %arg3[%get3A_13] : memref<256xf32, #tpu.memory_space<vmem>>, vector<256xf32>
    %broadcast_in_dim3A = vector.shape_cast %get3A_14 : vector<256xf32> to vector<1x256xf32>
    %add3A = vector.broadcast %broadcast_in_dim3A : vector<1x256xf32> to vector<1000x256xf32>
    %add3A_15 = arith.addf %mul3A_12, %add3A : vector<1000x256xf32>
    %reduce_sum3A = arith.constant dense<0.000000e+00> : vector<1000xf32>
    %reduce_sum3A_16 = vector.multi_reduction <add>, %add3A_15, %reduce_sum3A [1] : vector<1000x256xf32> to vector<1000xf32>
    %broadcast_in_dim3A_17 = vector.shape_cast %reduce_sum3A_16 : vector<1000xf32> to vector<1000x1xf32>
    %div3A = arith.constant 2.560000e+02 : f32
    %div3A_18 = vector.broadcast %div3A : f32 to vector<1000x1xf32>
    %div3A_19 = arith.divf %broadcast_in_dim3A_17, %div3A_18 : vector<1000x1xf32>
    %sub3A = vector.broadcast %div3A_19 : vector<1000x1xf32> to vector<1000x256xf32>
    %sub3A_20 = arith.subf %add3A_15, %sub3A : vector<1000x256xf32>
    %integer_pow3A = arith.mulf %sub3A_20, %sub3A_20 : vector<1000x256xf32>
    %reduce_sum3A_21 = arith.constant dense<0.000000e+00> : vector<1000xf32>
    %reduce_sum3A_22 = vector.multi_reduction <add>, %integer_pow3A, %reduce_sum3A_21 [1] : vector<1000x256xf32> to vector<1000xf32>
    %broadcast_in_dim3A_23 = vector.shape_cast %reduce_sum3A_22 : vector<1000xf32> to vector<1000x1xf32>
    %div3A_24 = arith.constant 2.560000e+02 : f32
    %div3A_25 = vector.broadcast %div3A_24 : f32 to vector<1000x1xf32>
    %div3A_26 = arith.divf %broadcast_in_dim3A_23, %div3A_25 : vector<1000x1xf32>
    %sub3A_27 = vector.broadcast %div3A_19 : vector<1000x1xf32> to vector<1000x256xf32>
    %sub3A_28 = arith.subf %add3A_15, %sub3A_27 : vector<1000x256xf32>
    %add3A_29 = arith.constant 9.99999974E-6 : f32
    %add3A_30 = vector.broadcast %add3A_29 : f32 to vector<1000x1xf32>
    %add3A_31 = arith.addf %div3A_26, %add3A_30 : vector<1000x1xf32>
    %rsqrt3A = math.rsqrt %add3A_31 : vector<1000x1xf32>
    %mul3A_32 = vector.broadcast %rsqrt3A : vector<1000x1xf32> to vector<1000x256xf32>
    %mul3A_33 = arith.mulf %sub3A_28, %mul3A_32 : vector<1000x256xf32>
    %get3A_34 = arith.constant 0 : index
    %get3A_35 = vector.load %arg4[%get3A_34] : memref<256xf32, #tpu.memory_space<vmem>>, vector<256xf32>
    %broadcast_in_dim3A_36 = vector.shape_cast %get3A_35 : vector<256xf32> to vector<1x256xf32>
    %mul3A_37 = vector.broadcast %broadcast_in_dim3A_36 : vector<1x256xf32> to vector<1000x256xf32>
    %mul3A_38 = arith.mulf %mul3A_33, %mul3A_37 : vector<1000x256xf32>
    %get3A_39 = arith.constant 0 : index
    %get3A_40 = vector.load %arg5[%get3A_39] : memref<256xf32, #tpu.memory_space<vmem>>, vector<256xf32>
    %broadcast_in_dim3A_41 = vector.shape_cast %get3A_40 : vector<256xf32> to vector<1x256xf32>
    %add3A_42 = vector.broadcast %broadcast_in_dim3A_41 : vector<1x256xf32> to vector<1000x256xf32>
    %add3A_43 = arith.addf %mul3A_38, %add3A_42 : vector<1000x256xf32>
    %max3A = arith.constant 0.000000e+00 : f32
    %max3A_44 = vector.broadcast %max3A : f32 to vector<1000x256xf32>
    %max3A_45 = arith.maximumf %add3A_43, %max3A_44 : vector<1000x256xf32>
    %convert_element_type3A = arith.truncf %max3A_45 : vector<1000x256xf32> to vector<1000x256xbf16>
    %get3A_46 = arith.constant 0 : index
    %get3A_47 = arith.constant 0 : index
    %get3A_48 = vector.load %arg6[%get3A_46, %get3A_47] : memref<256x1xf32, #tpu.memory_space<vmem>>, vector<256x1xf32>
    %convert_element_type3A_49 = arith.truncf %get3A_48 : vector<256x1xf32> to vector<256x1xbf16>
    %dot_general3A = arith.constant dense<0.000000e+00> : vector<1000x1xf32>
    %dot_general3A_50 = tpu.matmul %convert_element_type3A, %convert_element_type3A_49, %dot_general3A {dimension_numbers = #tpu.dot_dimension_numbers<[1], [0], [0], [1], [0, 0, 1, 1], [], []>, transpose_lhs_hint = false} : vector<1000x256xbf16>, vector<256x1xbf16>, vector<1000x1xf32> -> vector<1000x1xf32>
    %get3A_51 = arith.constant 0 : index
    %get3A_52 = vector.load %arg7[%get3A_51] : memref<1xf32, #tpu.memory_space<vmem>>, vector<1xf32>
    %get3A_53 = vector.extract %get3A_52[0] : f32 from vector<1xf32>
    %add3A_54 = vector.broadcast %get3A_53 : f32 to vector<1000x1xf32>
    %add3A_55 = arith.addf %dot_general3A_50, %add3A_54 : vector<1000x1xf32>
    %swap3A = arith.constant 0 : index
    %swap3A_56 = arith.constant 0 : index
    %swap3A_57 = vector.load %arg8[%swap3A, %swap3A_56] : memref<1000x1xf32, #tpu.memory_space<vmem>>, vector<1000x1xf32>
    tpu.vector_store %arg8[%swap3A, %swap3A_56], %add3A_55 {strides = array<i32>} : memref<1000x1xf32, #tpu.memory_space<vmem>>, vector<1000x1xf32>,
    return
  }
  func.func @transform_0(%arg0: i32) -> (i32, i32, i32) {
    %c0_i32 = arith.constant 0 : i32
    %c0_i32_0 = arith.constant 0 : i32
    %c0_i32_1 = arith.constant 0 : i32
    return %c0_i32, %arg0, %c0_i32_0 : i32, i32, i32
  }
  func.func @transform_1(%arg0: i32) -> (i32, i32) {
    %c0_i32 = arith.constant 0 : i32
    %c0_i32_0 = arith.constant 0 : i32
    return %arg0, %c0_i32 : i32, i32
  }
  func.func @transform_2(%arg0: i32) -> i32 {
    %c0_i32 = arith.constant 0 : i32
    %c0_i32_0 = arith.constant 0 : i32
    return %c0_i32 : i32
  }
  func.func @transform_3(%arg0: i32) -> i32 {
    %c0_i32 = arith.constant 0 : i32
    %c0_i32_0 = arith.constant 0 : i32
    return %c0_i32 : i32
  }
  func.func @transform_4(%arg0: i32) -> i32 {
    %c0_i32 = arith.constant 0 : i32
    %c0_i32_0 = arith.constant 0 : i32
    return %c0_i32 : i32
  }
  func.func @transform_5(%arg0: i32) -> (i32, i32) {
    %c0_i32 = arith.constant 0 : i32
    %c0_i32_0 = arith.constant 0 : i32
    %c0_i32_1 = arith.constant 0 : i32
    return %c0_i32, %c0_i32_0 : i32, i32
  }
  func.func @transform_6(%arg0: i32) -> i32 {
    %c0_i32 = arith.constant 0 : i32
    %c0_i32_0 = arith.constant 0 : i32
    return %c0_i32 : i32
  }
  func.func @transform_7(%arg0: i32) -> (i32, i32) {
    %c0_i32 = arith.constant 0 : i32
    %c0_i32_0 = arith.constant 0 : i32
    return %arg0, %c0_i32 : i32, i32
  }
}

</mosaic_0001>

<sc_bundles>
// kernel: kernel.10.cloned.1.call-start
scs
__scs_entry_jumppad:
0x0: {  	(pc) =	sbr.rel $0x88, $3  }
0x1: {  	(tag) =	ssettag $0x0;
	lr =	simm.s32 $0x1  }
0x2: {  	[smem:$0x3F90] =	sst lr;
	_ =	strace $0xD0000000  }
0x3: {  	_ = 	snop  }
0x4: {  	_ = 	snop  }
0x5: {  	_ = 	snop  }
0x6: {  	_ = 	snop  }
0x7: {  	_ = 	snop  }
__scs_overlays_trampoline_lowered:
0x8: {  	[smem:$0x3F9F] =	sst s0  }
0x9: {  	[smem:$0x3FA0] =	sst s1  }
0xa: {  	[smem:$0x3FA1] =	sst s2  }
0xb: {  	[smem:$0x3FA2] =	sst s3  }
0xc: {  	[smem:$0x3FA3] =	sst s4  }
0xd: {  	[smem:$0x3FA4] =	sst s5  }
0xe: {  	[smem:$0x3FA5] =	sst s6  }
0xf: {  	[smem:$0x3FA6] =	sst s7  }
0x10: {  	[smem:$0x3FA7] =	sst s8  }
0x11: {  	[smem:$0x3FA8] =	sst s9;
	s0 =	simm.s32 @!p0 $0x0  }
0x12: {  	s1 =	sld [smem:$0x3F8E];
	s0 =	simm.s32 @p0 $0x1  }
0x13: {  	[smem:$0x3FA9] =	sst s0;
	s0 =	simm.s32 @!p1 $0x0  }
0x14: {  	s2 =	sld [smem:$0x3F8D];
	s0 =	simm.s32 @p1 $0x1  }
0x15: {  	[smem:$0x3FAA] =	sst s0;
	s0 =	simm.s32 @!p2 $0x0  }
0x16: {  	s3 =	sld [smem:$0x3FDB];
	s0 =	simm.s32 @p2 $0x1  }
0x17: {  	s4 =	simm.s32 $0x1BF5;
	[smem:$0x3FAC] =	sst s0  }
0x18: {  	s0 =	sld [smem:$0x3F8F];
	_ =	swait.ge [sflag:s4], $0x0  }
0x19: {  	s7 =	sld [smem:$0x3F90]  }
0x1a: {  	s8 =	sadd.s32 $0xFFFFE003, lr  }
0x1b: {  	s9 =	sadd.s32 $0xFFFFFEF7, lr;
	s5 =	simm.s32 $0xFFFFFFFF;
	p2 =	slt.u32 s8, $0xFFFFF086  }
0x1c: {  	p1 =	slt.u32 s9, $0xF7A;
	s5 =	simm.s32 @!p2 $0x0  }
0x1d: {  	s5 =	simm.s32 @p1 $0x1;
	p0 =	seq.s32 s7, s2  }
0x1e: {  	s7 =	smul.u32 @!p0 $0xF7A, s2;
	p2 =	seq.s32 @!p0 s5, $0x0  }
0x1f: {  	s9 =	smul.u32 $0xF7A, s1;
	s8 =	simm.s32 @!p0 $0x1BF5;
	p2 =	por !p2, p0  }
0x20: {  	[sflag:s8] =	ssyncset.s32 @!p0 $0xFFFFF086;
	s6 =	sadd.s32 @!p0 s3, s7;
	s7 =	simm.s32 @!p0 $0x108  }
0x21: {  	s3 =	sadd.s32 s3, s9;
	s6 =	sadd.s32 @!p0 $0x88, s6;
	s7 =	simm.s32 @p2 $0x1082  }
0x22: {  	[simem:s7], [sflag:s8] =	dma.local @!p0 [hbm:s6], $0xF7A  }
0x23: {  	s9 =	sor.u32 $0xD0000000, s2;
	s6 =	simm.s32 $0x108;
	_ =	swait.ge @!p0 [sflag:s8], $0x0  }
0x24: {  	s3 =	sadd.s32 $0x88, s3;
	s6 =	simm.s32 @!p1 $0x1082;
	[sflag:s4] =	ssyncset.s32 $0xFFFFF086  }
0x25: {  	[simem:s6], [sflag:s4] =	dma.local [hbm:s3], $0xF7A  }
0x26: {  	[smem:$0x3F90] =	sst s1;
	(tag) =	ssettag s2;
	_ =	strace s9  }
0x27: {  	s1 =	sld [smem:$0x3FA0]  }
0x28: {  	s2 =	sld [smem:$0x3FA1]  }
0x29: {  	s4 =	sld [smem:$0x3FA3]  }
0x2a: {  	p0 =	seq.s32 s5, $0x0;
	s5 =	sld [smem:$0x3FA4]  }
0x2b: {  	s6 =	sld [smem:$0x3FA5]  }
0x2c: {  	s7 =	sld [smem:$0x3FA6]  }
0x2d: {  	s3 =	simm.s32 $0x108;
	s8 =	sld [smem:$0x3FA7]  }
0x2e: {  	s3 =	simm.s32 @!p0 $0x1082;
	s9 =	sld [smem:$0x3FA8]  }
0x2f: {  	lr =	sadd.s32 s0, s3;
	s0 =	sld [smem:$0x3F9F]  }
0x30: {  	s3 =	sld [smem:$0x3FA2]  }
0x31: {  	[smem:$0x3FAB] =	sst s10  }
0x32: {  	s10 =	sld [smem:$0x3FA9];
	_ =	sdelay $0x3  }
0x33: {  	p0 =	seq.s32 s10, $0x1;
	s10 =	sld [smem:$0x3FAB];
	_ =	sdelay $0x3  }
0x34: {  	[smem:$0x3FAB] =	sst s10  }
0x35: {  	s10 =	sld [smem:$0x3FAA];
	_ =	sdelay $0x3  }
0x36: {  	p1 =	seq.s32 s10, $0x1;
	s10 =	sld [smem:$0x3FAB];
	_ =	sdelay $0x3  }
0x37: {  	[smem:$0x3FAB] =	sst s10  }
0x38: {  	s10 =	sld [smem:$0x3FAC]  }
0x39: {  	_ = 	snop;
	(pc) =	sbr.ind lr, $3  }
0x3a: {  	_ = 	snop  }
0x3b: {  	_ = 	snop  }
0x3c: {  	p2 =	seq.s32 s10, $0x1;
	s10 =	sld [smem:$0x3FAB]  }
0x3d: {  	_ =	shalt  }
0x3e: {  	_ =	shalt  }
0x3f: {  	_ =	shalt  }
0x40: {  	_ =	shalt  }
0x41: {  	_ =	shalt  }
0x42: {  	_ =	shalt  }
0x43: {  	_ =	shalt  }
0x44: {  	_ =	shalt  }
0x45: {  	_ =	shalt  }
0x46: {  	_ =	shalt  }
0x47: {  	_ =	shalt  }
0x48: {  	_ =	shalt  }
0x49: {  	_ =	shalt  }
0x4a: {  	_ =	shalt  }
0x4b: {  	_ =	shalt  }
0x4c: {  	_ =	shalt  }
0x4d: {  	_ =	shalt  }
0x4e: {  	_ =	shalt  }
0x4f: {  	_ =	shalt  }
0x50: {  	_ =	shalt  }
0x51: {  	_ =	shalt  }
0x52: {  	_ =	shalt  }
0x53: {  	_ =	shalt  }
0x54: {  	_ =	shalt  }
0x55: {  	_ =	shalt  }
0x56: {  	_ =	shalt  }
0x57: {  	_ =	shalt  }
0x58: {  	_ =	shalt  }
0x59: {  	_ =	shalt  }
0x5a: {  	_ =	shalt  }
0x5b: {  	_ =	shalt  }
0x5c: {  	_ =	shalt  }
0x5d: {  	_ =	shalt  }
0x5e: {  	_ =	shalt  }
0x5f: {  	_ =	shalt  }
0x60: {  	_ =	shalt  }
0x61: {  	_ =	shalt  }
0x62: {  	_ =	shalt  }
0x63: {  	_ =	shalt  }
0x64: {  	_ =	shalt  }
0x65: {  	_ =	shalt  }
0x66: {  	_ =	shalt  }
0x67: {  	_ =	shalt  }
0x68: {  	_ =	shalt  }
0x69: {  	_ =	shalt  }
0x6a: {  	_ =	shalt  }
0x6b: {  	_ =	shalt  }
0x6c: {  	_ =	shalt  }
0x6d: {  	_ =	shalt  }
0x6e: {  	_ =	shalt  }
0x6f: {  	_ =	shalt  }
0x70: {  	_ =	shalt  }
0x71: {  	_ =	shalt  }
0x72: {  	_ =	shalt  }
0x73: {  	_ =	shalt  }
0x74: {  	_ =	shalt  }
0x75: {  	_ =	shalt  }
0x76: {  	_ =	shalt  }
0x77: {  	_ =	shalt  }
0x78: {  	_ =	shalt  }
0x79: {  	_ =	shalt  }
0x7a: {  	_ =	shalt  }
0x7b: {  	_ =	shalt  }
0x7c: {  	_ =	shalt  }
0x7d: {  	_ =	shalt  }
0x7e: {  	_ =	shalt  }
0x7f: {  	_ =	shalt  }
0x80: {  	_ =	shalt  }
0x81: {  	_ =	shalt  }
0x82: {  	_ =	shalt  }
0x83: {  	_ =	shalt  }
0x84: {  	_ =	shalt  }
0x85: {  	_ =	shalt  }
0x86: {  	_ =	shalt  }
0x87: {  	_ =	shalt  }
.Lfunc_end0:
.L_simem_size_0:
called_computation_lowered:
.L_overlay_start_0:
0x88: {  	s2 =	sld [smem:$0x3FD9]  }
0x89: {  	s3 =	sld [smem:$0x3FFE];
	_ =	sdelay $0x1  }
0x8a: {  	s1 =	srdreg.scid  }
0x8b: {  	s0 =	sand.u32 $0x1, s1  }
0x8c: {  	s17 =	sshll.u32 s0, $0xA;
	s2 =	sadd.s32 s3, s2  }
0x8d: {  	s2 =	sadd.s32 s2, s17  }
0x8e: {  	[smem:$0x3FB7] =	sst s2  }
0x8f: {  	_ = 	snop  }
0x90: {  	s2 =	sld [smem:$0x3FC7];
	(tm) =	ssettm $0x1  }
0x91: {  	s18 =	sld [smem:$0x3FFB];
	_ =	sdelay $0x3  }
0x92: {  	_ =	strace s18  }
0x93: {  	s3 =	sld [smem:$0x3FFC];
	_ =	sdelay $0x3  }
0x94: {  	_ =	strace s3  }
0x95: {  	s3 =	sld [smem:$0x3FFD];
	_ =	sdelay $0x3  }
0x96: {  	_ =	strace s3  }
0x97: {  	_ =	strace $0x8FFFFFFF  }
0x98: {  	s19 =	sld [smem:$0x3FDB];
	_ =	sdelay $0x1  }
0x99: {  	s4 =	simm.s32 $_scs_section_size  }
0x9a: {  	s5 =	simm.s32 $_size__tile_overlayer_lowered;
	s6 =	simm.s32 $_tile_overlayer_lowered  }
0x9b: {  	s22 =	simm.s32 $0x1BFF;
	s21 =	sshll.u32 s6, $0x1;
	s3 =	sadd.s32 s4, s19  }
0x9c: {  	s7 =	simm.s32 $0x0;
	s20 =	sshll.u32 s5, $0x1;
	s5 =	sadd.s32 s21, s3  }
0x9d: {  	[timem:s7], [sflag:s22] =	dma.local [hbm:s5], s20  }
0x9e: {  	_ =	swait.ge [sflag:s22], s20  }
0x9f: {  	s4 =	ssub.s32 $0x0, s20;
	[sflag:s22] =	ssyncset.done $0x0  }
0xa0: {  	[sflag:s22] =	ssyncadd.s32 s4;
	_ =	sdelay $0x1  }
0xa1: {  	s23 =	simm.s32 $0x1B8B  }
0xa2: {  	_ =	swait.ge [sflag:s23], $0x1  }
0xa3: {  	[sflag:s23] =	ssyncset.done $0x0  }
0xa4: {  	s25 =	simm.s32 $0x1B8E;
	s24 =	sld [smem:$0x3FFE];
	[sflag:s23] =	ssyncadd.s32 $0xFFFFFFFF  }
0xa5: {  	s26 =	simm.s32 $execute0_lowered;
	[smem:$0x3FD2] =	sst s25  }
0xa6: {  	s5 =	sshll.u32 s26, $0x1;
	_ =	strace $0x80000046;
	[dreg:$0x1] =	wrdreg $0xFFFFFFFF  }
0xa7: {  	s28 =	simm.s32 $_size_execute0_lowered;
	s3 =	sadd.s32 s3, s5;
	[dreg:$0x0] =	wrdreg $0x0  }
0xa8: {  	s5 =	sshll.u32 s28, $0x1;
	[dreg:$0x2] =	wrdreg s3  }
0xa9: {  	[dreg:$0x3] =	wrdreg s5  }
0xaa: {  	[dreg:$0x4] =	wrdreg $0xC0  }
0xab: {  	_ =	task [dreg:s7], $0x5FFFF  }
0xac: {  	[dreg:$0x1] =	wrdreg $0xFFFFFFFF  }
0xad: {  	[dreg:$0x0] =	wrdreg $0x60  }
0xae: {  	[dreg:$0x2] =	wrdreg s24  }
0xaf: {  	[dreg:$0x3] =	wrdreg s2  }
0xb0: {  	[dreg:$0x4] =	wrdreg $0x8CA00  }
0xb1: {  	[dreg:$0x5] =	wrdreg $0x9  }
0xb2: {  	_ =	task.clear_ibuf [dreg:s7], $0x6FFFF;
	_ =	strace $0x90000046  }
0xb3: {  	s29 =	simm.s32 $0x9;
	_ =	strace $0x80000048  }
0xb4: {  	_ =	swait.ge [sflag:s29], $0x1  }
0xb5: {  	[sflag:s29] =	ssyncadd.s32 $0xFFFFFFFF  }
0xb6: {  	_ =	strace $0x90000048  }
0xb7: {  	_ =	sfence  }
0xb8: {  	s30 =	sld [smem:$0x0];
	_ =	sdelay $0x2  }
0xb9: {  	s31 =	sshll.u32 s1, $0xD;
	s1 =	sshrl.u32 s1, $0x2  }
0xba: {  	s3 =	sand.u32 $0x4000, s31;
	s1 =	sadd.s32 s1, s30  }
0xbb: {  	s0 =	sor.u32 s3, s0;
	s1 =	sshll.u32 s1, $0x11  }
0xbc: {  	s0 =	sor.u32 s1, s0  }
0xbd: {  	s0 =	sadd.s32 $0x8F2B, s0  }
0xbe: {  	[sflag:s0] =	ssyncadd.remote.s32 $0x1  }
0xbf: {  	_ =	sfence.sel $0xFFFF  }
0xc0: {  	[dreg:$0x0] =	wrdreg $0xFFFFFFFF;
	(pc) =	sbr.abs _section_cstart, $3  }
0xc1: {  	[dreg:$0x1] =	wrdreg $0xFFFFFFFF  }
0xc2: {  	_ =	task.clear_ibuf [dreg:s7], $0x2FFFF;
	_ =	strace $0x9FFFFFFF  }
0xc3: {  	(tm) =	ssettm $0x7FFFFFFF  }
tec
execute0_lowered:
.L_overlay_start_1:
0x0: {  	(tag) =	ssettag $0x1  }
0x1: {  	s7 =	rddreg [dreg:$0x0]  }
0x2: {  	s1 =	rddreg [dreg:$0x1]  }
0x3: {  	s2 =	rddreg [dreg:$0x2]  }
0x4: {  	s0 =	rddreg [dreg:$0x3];
	s12 =	stileid.u32  }
0x5: {  	s3 =	simm.s32 $0x0;
	s4 =	srdreg.scid;
	s21 =	simm.s32 $0x0  }
0x6: {  	s5 =	smul.u32 $0x2700, s12;
	[smem:$0x7FF] =	sst s3;
	s8 =	sand.u32 $0x1, s4  }
0x7: {  	s4 =	sadd.s32 $0x2600, s7;
	s11 =	sadd.s32 $0x11400, s7;
	s29 =	smul.u32 $0x4E0, s12  }
0x8: {  	s30 =	sshll.u32 s12, $0x6;
	s16 =	sadd.s32 $0x27000, s2;
	s17 =	sshll.u32 s12, $0x1  }
0x9: {  	p0 =	sne.s32 s12, $0x0;
	_ =	strace $0x80000047;
	s15 =	smul.u32 $0x4E20, s8  }
0xa: {  	s9 =	ssub.s32 $0x2, s8;
	s31 =	smul.u32 $0x27100, s8;
	s8 =	sor.u32 s8, s17  }
0xb: {  	s17 =	simm.s32 $0x0;
	s6 =	sshrl.u32 s5, $0x3;
	s10 =	sshrl.u32 s9, $0x1  }
0xc: {  	s14 =	sadd.s32 s5, s2;
	s8 =	smul.u32 $0x2710, s8;
	s6 =	sadd.s32 s6, s7  }
0xd: {  	s13 =	ssub.s32 s9, s10;
	s7 =	sadd.s32 $0x11200, s7;
	s9 =	sadd.s32 s29, s15  }
0xe: {  	s10 =	sshrl.u32 s31, $0x3;
	s12 =	sshrl.u32 s14, $0x3;
	s14 =	sshrl.u32 @!p0 s16, $0x3  }
0xf: {  	s15 =	simm.s32 $0x7D0;
	s16 =	simm.s32 $0xFA0;
	s5 =	sadd.s32 $0xC400, s6  }
0x10: {  	s6 =	sor.u32 $0x1C01, s30;
	s9 =	sadd.s32 s11, s9;
	s10 =	sadd.s32 s11, s10  }
0x11: {  	s11 =	smax.u32 s13, $0x1;
	s13 =	simm.s32 $0x1;
	s10 =	sadd.s32 $0x4E00, s10  }
.LBB2_1:
0x12: {  	[spmem:s12], [sflag:s6] =	dma.local [hbm:s5], $0x4E0  }
0x13: {  	_ =	swait.ge [sflag:s13], $0x4E0  }
0x14: {  	[sflag:s13] =	ssyncset.done $0x0  }
0x15: {  	s18 =	simm.s32 @!p0 $0x1;
	[sflag:s13] =	ssyncadd.s32 $0xFFFFFB20  }
0x16: {  	[spmem:s14], [sflag:s6] =	dma.local @!p0 [hbm:s7], $0x20  }
0x17: {  	_ =	swait.ge @!p0 [sflag:s18], $0x20  }
0x18: {  	[sflag:s18] =	ssyncset.done @!p0 $0x0  }
0x19: {  	[sflag:s18] =	ssyncadd.s32 @!p0 $0xFFFFFFE0  }
0x1a: {  	s18 =	simm.s32 $0x0;
	[bflag:$0x0] =	sbarrier.arrive $0xFFFF  }
.LBB2_2:
0x1b: {  	s19 =	smul.u32 $0x7D0, s18;
	_ =	sdelay $0x1  }
0x1c: {  	s19 =	sadd.s32 s8, s19  }
0x1d: {  	s19 =	sshrl.u32 s19, $0x3  }
0x1e: {  	s20 =	sadd.s32 s4, s19  }
0x1f: {  	[tilespmem:s21], [sflag:$0x1] =	stream.linear.gather [hbm4b:s20+s21], $0x7D0, $0x38;
	[tilespmem:$0xB3B0] =	vst v63  }
0x20: {  	_ =	swait.ge [sflag:s13], $0x7D0  }
0x21: {  	[sflag:s13] =	ssyncset.done $0x0  }
0x22: {  	v0 =	vmov s21;
	s19 =	sadd.s32 s1, s19;
	[sflag:s13] =	ssyncadd.s32 $0xFFFFF830  }
0x23: {  	[tilespmem:s15], [sflag:$0x1] =	stream.linear.gather [hbm4b:s19+s21], $0x7D0, $0x38;
	[tilespmem:$0xB3B0] =	vst v63  }
0x24: {  	_ =	swait.ge [sflag:s13], $0x7D0  }
0x25: {  	[sflag:s13] =	ssyncset.done $0x0  }
0x26: {  	[sflag:s13] =	ssyncadd.s32 $0xFFFFF830  }
0x27: {  	s30 =	simm.s32 $0x1;
	v0 =	vld.idx.msk [tilespmem:v0+s15+$0x0], $0xffff  }
0x28: {  	v1 =	vmov s30;
	_ =	sdelay $0x2  }
0x29: {  	s19 =	simm.s32 $0xFA0  }
0x2a: {  	[tilespmem:s19+$0x0] =	vst v0  }
0x2b: {  	s31 =	simm.s32 $0x2;
	v0 =	vld.idx.msk [tilespmem:v1+s15+$0x0], $0xffff  }
0x2c: {  	s20 =	simm.s32 $0x3;
	v1 =	vmov s31  }
.LBB2_3:
0x2d: {  	p1 =	sne.s32 s20, $0x7CF;
	_ =	sdelay $0x1  }
.Ltmp0:
0x2e: {  	s19 =	sadd.s32 $0x10, s19;
	(pc) =	sbr.rel @p1 .LBB2_3-.Ltmp0, $3  }
0x2f: {  	[tilespmem:s19+$0x0] =	vst v0  }
0x30: {  	v0 =	vld.idx.msk [tilespmem:v1+s15+$0x0], $0xffff;
	_ =	sdelay $0x1  }
0x31: {  	v1 =	vmov s20;
	s20 =	sadd.s32 $0x1, s20  }
0x32: {  	_ =	sdelay $0x1  }
0x33: {  	s19 =	sadd.s32 $0x10, s19  }
0x34: {  	[tilespmem:s19+$0x0] =	vst v0  }
0x35: {  	v0 =	vld.idx.msk [tilespmem:v1+s15+$0x0], $0xffff;
	_ =	sdelay $0x2  }
0x36: {  	s18 =	sadd.s32 $0x1, s18  }
0x37: {  	p1 =	sne.s32 s18, $0x5;
	s19 =	sadd.s32 $0x10, s19  }
.Ltmp1:
0x38: {  	[tilespmem:s19+$0x0] =	vst v0;
	(pc) =	sbr.rel @p1 .LBB2_2-.Ltmp1, $4  }
0x39: {  	[spmem:s2] =	stream.indirect.scatter.add.f32 [tilespmem:s16], [sflag:$0x1], $0x10, s3, s15, $0xb8;
	[tilespmem:$0xB3B0] =	vst v63  }
0x3a: {  	_ =	swait.ge [sflag:s13], $0x7D00  }
0x3b: {  	[sflag:s13] =	ssyncset.done $0x0  }
0x3c: {  	[sflag:s13] =	ssyncadd.s32 $0xFFFF8300  }
0x3d: {  	[bflag:$0x0] =	sbarrier.arrive $0xFFFF  }
0x3e: {  	[hbm:s9], [sflag:s6] =	dma.local [spmem:s12], $0x4E0  }
0x3f: {  	s17 =	sadd.s32 $0x1, s17;
	_ =	swait.ge [sflag:s13], $0x4E0  }
0x40: {  	p1 =	sne.s32 s17, s11;
	[sflag:s13] =	ssyncset.done $0x0  }
.Ltmp2:
0x41: {  	s18 =	simm.s32 @!p0 $0x1;
	[sflag:s13] =	ssyncadd.s32 $0xFFFFFB20;
	(pc) =	sbr.rel @p1 .LBB2_1-.Ltmp2, $4  }
0x42: {  	[hbm:s10], [sflag:s6] =	dma.local @!p0 [spmem:s14], $0x20  }
0x43: {  	_ =	swait.ge @!p0 [sflag:s18], $0x20  }
0x44: {  	[sflag:s18] =	ssyncset.done @!p0 $0x0  }
0x45: {  	[sflag:s18] =	ssyncadd.s32 @!p0 $0xFFFFFFE0  }
0x46: {  	_ =	sfence.sel $0x180000  }
0x47: {  	[bflag:$0x0] =	sbarrier.arrive $0xFFFF  }
0x48: {  	_ =	strace $0x90000047  }
0x49: {  	s0 =	sadd.s32 @!p0 $0x100000, s0;
	[bflag:$0x2] =	sbarrier.arrive $0xFFFF  }
0x4a: {  	[sflag:s0] =	ssyncadd.tile.s32 @!p0 $0x1;
	_ =	shalt  }
.Lfunc_end2:
_tile_overlayer_lowered:
.L_overlay_start_2:
0x4b: {  	(tag) =	ssettag $0x2  }
0x4c: {  	s0 =	rddreg [dreg:$0x0];
	s2 =	stileid.u32  }
0x4d: {  	s1 =	rddreg [dreg:$0x1];
	p0 =	sne.s32 s2, $0x0  }
0x4e: {  	s3 =	rddreg [dreg:$0x2];
	[bflag:$0x3] =	sbarrier.arrive $0xFFFF;
	s2 =	simm.s32 @!p0 $0x1C01  }
0x4f: {  	[timem:s3], [sflag:s2] =	dma.local @!p0 [hbm:s0], s1  }
0x50: {  	s0 =	simm.s32 @!p0 $0x1  }
0x51: {  	_ =	swait.ge @!p0 [sflag:s0], s1  }
0x52: {  	s1 =	ssub.s32 @!p0 $0x0, s1;
	[sflag:s0] =	ssyncset.done @!p0 $0x0  }
0x53: {  	[sflag:s0] =	ssyncadd.s32 @!p0 s1  }
0x54: {  	[bflag:$0x3] =	sbarrier.arrive $0xFFFF  }
0x55: {  	_ =	shalt  }

// kernel: kernel.13.cloned.1.call-start
scs
__scs_entry_jumppad:
0x0: {  	(pc) =	sbr.rel $0x88, $3  }
0x1: {  	(tag) =	ssettag $0x0;
	lr =	simm.s32 $0x1  }
0x2: {  	[smem:$0x3F90] =	sst lr;
	_ =	strace $0xD0000000  }
0x3: {  	_ = 	snop  }
0x4: {  	_ = 	snop  }
0x5: {  	_ = 	snop  }
0x6: {  	_ = 	snop  }
0x7: {  	_ = 	snop  }
__scs_overlays_trampoline_lowered:
0x8: {  	[smem:$0x3F9F] =	sst s0  }
0x9: {  	[smem:$0x3FA0] =	sst s1  }
0xa: {  	[smem:$0x3FA1] =	sst s2  }
0xb: {  	[smem:$0x3FA2] =	sst s3  }
0xc: {  	[smem:$0x3FA3] =	sst s4  }
0xd: {  	[smem:$0x3FA4] =	sst s5  }
0xe: {  	[smem:$0x3FA5] =	sst s6  }
0xf: {  	[smem:$0x3FA6] =	sst s7  }
0x10: {  	[smem:$0x3FA7] =	sst s8  }
0x11: {  	[smem:$0x3FA8] =	sst s9;
	s0 =	simm.s32 @!p0 $0x0  }
0x12: {  	s1 =	sld [smem:$0x3F8E];
	s0 =	simm.s32 @p0 $0x1  }
0x13: {  	[smem:$0x3FA9] =	sst s0;
	s0 =	simm.s32 @!p1 $0x0  }
0x14: {  	s2 =	sld [smem:$0x3F8D];
	s0 =	simm.s32 @p1 $0x1  }
0x15: {  	[smem:$0x3FAA] =	sst s0;
	s0 =	simm.s32 @!p2 $0x0  }
0x16: {  	s3 =	sld [smem:$0x3FDB];
	s0 =	simm.s32 @p2 $0x1  }
0x17: {  	s4 =	simm.s32 $0x1BF5;
	[smem:$0x3FAC] =	sst s0  }
0x18: {  	s0 =	sld [smem:$0x3F8F];
	_ =	swait.ge [sflag:s4], $0x0  }
0x19: {  	s7 =	sld [smem:$0x3F90]  }
0x1a: {  	s8 =	sadd.s32 $0xFFFFE003, lr  }
0x1b: {  	s9 =	sadd.s32 $0xFFFFFEF7, lr;
	s5 =	simm.s32 $0xFFFFFFFF;
	p2 =	slt.u32 s8, $0xFFFFF086  }
0x1c: {  	p1 =	slt.u32 s9, $0xF7A;
	s5 =	simm.s32 @!p2 $0x0  }
0x1d: {  	s5 =	simm.s32 @p1 $0x1;
	p0 =	seq.s32 s7, s2  }
0x1e: {  	s7 =	smul.u32 @!p0 $0xF7A, s2;
	p2 =	seq.s32 @!p0 s5, $0x0  }
0x1f: {  	s9 =	smul.u32 $0xF7A, s1;
	s8 =	simm.s32 @!p0 $0x1BF5;
	p2 =	por !p2, p0  }
0x20: {  	[sflag:s8] =	ssyncset.s32 @!p0 $0xFFFFF086;
	s6 =	sadd.s32 @!p0 s3, s7;
	s7 =	simm.s32 @!p0 $0x108  }
0x21: {  	s3 =	sadd.s32 s3, s9;
	s6 =	sadd.s32 @!p0 $0x88, s6;
	s7 =	simm.s32 @p2 $0x1082  }
0x22: {  	[simem:s7], [sflag:s8] =	dma.local @!p0 [hbm:s6], $0xF7A  }
0x23: {  	s9 =	sor.u32 $0xD0000000, s2;
	s6 =	simm.s32 $0x108;
	_ =	swait.ge @!p0 [sflag:s8], $0x0  }
0x24: {  	s3 =	sadd.s32 $0x88, s3;
	s6 =	simm.s32 @!p1 $0x1082;
	[sflag:s4] =	ssyncset.s32 $0xFFFFF086  }
0x25: {  	[simem:s6], [sflag:s4] =	dma.local [hbm:s3], $0xF7A  }
0x26: {  	[smem:$0x3F90] =	sst s1;
	(tag) =	ssettag s2;
	_ =	strace s9  }
0x27: {  	s1 =	sld [smem:$0x3FA0]  }
0x28: {  	s2 =	sld [smem:$0x3FA1]  }
0x29: {  	s4 =	sld [smem:$0x3FA3]  }
0x2a: {  	p0 =	seq.s32 s5, $0x0;
	s5 =	sld [smem:$0x3FA4]  }
0x2b: {  	s6 =	sld [smem:$0x3FA5]  }
0x2c: {  	s7 =	sld [smem:$0x3FA6]  }
0x2d: {  	s3 =	simm.s32 $0x108;
	s8 =	sld [smem:$0x3FA7]  }
0x2e: {  	s3 =	simm.s32 @!p0 $0x1082;
	s9 =	sld [smem:$0x3FA8]  }
0x2f: {  	lr =	sadd.s32 s0, s3;
	s0 =	sld [smem:$0x3F9F]  }
0x30: {  	s3 =	sld [smem:$0x3FA2]  }
0x31: {  	[smem:$0x3FAB] =	sst s10  }
0x32: {  	s10 =	sld [smem:$0x3FA9];
	_ =	sdelay $0x3  }
0x33: {  	p0 =	seq.s32 s10, $0x1;
	s10 =	sld [smem:$0x3FAB];
	_ =	sdelay $0x3  }
0x34: {  	[smem:$0x3FAB] =	sst s10  }
0x35: {  	s10 =	sld [smem:$0x3FAA];
	_ =	sdelay $0x3  }
0x36: {  	p1 =	seq.s32 s10, $0x1;
	s10 =	sld [smem:$0x3FAB];
	_ =	sdelay $0x3  }
0x37: {  	[smem:$0x3FAB] =	sst s10  }
0x38: {  	s10 =	sld [smem:$0x3FAC]  }
0x39: {  	_ = 	snop;
	(pc) =	sbr.ind lr, $3  }
0x3a: {  	_ = 	snop  }
0x3b: {  	_ = 	snop  }
0x3c: {  	p2 =	seq.s32 s10, $0x1;
	s10 =	sld [smem:$0x3FAB]  }
0x3d: {  	_ =	shalt  }
0x3e: {  	_ =	shalt  }
0x3f: {  	_ =	shalt  }
0x40: {  	_ =	shalt  }
0x41: {  	_ =	shalt  }
0x42: {  	_ =	shalt  }
0x43: {  	_ =	shalt  }
0x44: {  	_ =	shalt  }
0x45: {  	_ =	shalt  }
0x46: {  	_ =	shalt  }
0x47: {  	_ =	shalt  }
0x48: {  	_ =	shalt  }
0x49: {  	_ =	shalt  }
0x4a: {  	_ =	shalt  }
0x4b: {  	_ =	shalt  }
0x4c: {  	_ =	shalt  }
0x4d: {  	_ =	shalt  }
0x4e: {  	_ =	shalt  }
0x4f: {  	_ =	shalt  }
0x50: {  	_ =	shalt  }
0x51: {  	_ =	shalt  }
0x52: {  	_ =	shalt  }
0x53: {  	_ =	shalt  }
0x54: {  	_ =	shalt  }
0x55: {  	_ =	shalt  }
0x56: {  	_ =	shalt  }
0x57: {  	_ =	shalt  }
0x58: {  	_ =	shalt  }
0x59: {  	_ =	shalt  }
0x5a: {  	_ =	shalt  }
0x5b: {  	_ =	shalt  }
0x5c: {  	_ =	shalt  }
0x5d: {  	_ =	shalt  }
0x5e: {  	_ =	shalt  }
0x5f: {  	_ =	shalt  }
0x60: {  	_ =	shalt  }
0x61: {  	_ =	shalt  }
0x62: {  	_ =	shalt  }
0x63: {  	_ =	shalt  }
0x64: {  	_ =	shalt  }
0x65: {  	_ =	shalt  }
0x66: {  	_ =	shalt  }
0x67: {  	_ =	shalt  }
0x68: {  	_ =	shalt  }
0x69: {  	_ =	shalt  }
0x6a: {  	_ =	shalt  }
0x6b: {  	_ =	shalt  }
0x6c: {  	_ =	shalt  }
0x6d: {  	_ =	shalt  }
0x6e: {  	_ =	shalt  }
0x6f: {  	_ =	shalt  }
0x70: {  	_ =	shalt  }
0x71: {  	_ =	shalt  }
0x72: {  	_ =	shalt  }
0x73: {  	_ =	shalt  }
0x74: {  	_ =	shalt  }
0x75: {  	_ =	shalt  }
0x76: {  	_ =	shalt  }
0x77: {  	_ =	shalt  }
0x78: {  	_ =	shalt  }
0x79: {  	_ =	shalt  }
0x7a: {  	_ =	shalt  }
0x7b: {  	_ =	shalt  }
0x7c: {  	_ =	shalt  }
0x7d: {  	_ =	shalt  }
0x7e: {  	_ =	shalt  }
0x7f: {  	_ =	shalt  }
0x80: {  	_ =	shalt  }
0x81: {  	_ =	shalt  }
0x82: {  	_ =	shalt  }
0x83: {  	_ =	shalt  }
0x84: {  	_ =	shalt  }
0x85: {  	_ =	shalt  }
0x86: {  	_ =	shalt  }
0x87: {  	_ =	shalt  }
.Lfunc_end0:
.L_simem_size_0:
called_computation.1_lowered:
.L_overlay_start_0:
0x88: {  	s2 =	sld [smem:$0x3FD9]  }
0x89: {  	s3 =	sld [smem:$0x3FFE];
	_ =	sdelay $0x1  }
0x8a: {  	s1 =	srdreg.scid  }
0x8b: {  	s0 =	sand.u32 $0x1, s1  }
0x8c: {  	s17 =	sshll.u32 s0, $0xA;
	s2 =	sadd.s32 s3, s2  }
0x8d: {  	s2 =	sadd.s32 s2, s17  }
0x8e: {  	[smem:$0x3FB7] =	sst s2  }
0x8f: {  	_ = 	snop  }
0x90: {  	s2 =	sld [smem:$0x3FC7];
	(tm) =	ssettm $0x1  }
0x91: {  	s18 =	sld [smem:$0x3FFB];
	_ =	sdelay $0x3  }
0x92: {  	_ =	strace s18  }
0x93: {  	s3 =	sld [smem:$0x3FFC];
	_ =	sdelay $0x3  }
0x94: {  	_ =	strace s3  }
0x95: {  	s3 =	sld [smem:$0x3FFD];
	_ =	sdelay $0x3  }
0x96: {  	_ =	strace s3  }
0x97: {  	_ =	strace $0x8FFFFFFF  }
0x98: {  	s19 =	sld [smem:$0x3FDB];
	_ =	sdelay $0x1  }
0x99: {  	s4 =	simm.s32 $_scs_section_size  }
0x9a: {  	s5 =	simm.s32 $_size__tile_overlayer_lowered;
	s6 =	simm.s32 $_tile_overlayer_lowered  }
0x9b: {  	s22 =	simm.s32 $0x1BFF;
	s21 =	sshll.u32 s6, $0x1;
	s3 =	sadd.s32 s4, s19  }
0x9c: {  	s7 =	simm.s32 $0x0;
	s20 =	sshll.u32 s5, $0x1;
	s5 =	sadd.s32 s21, s3  }
0x9d: {  	[timem:s7], [sflag:s22] =	dma.local [hbm:s5], s20  }
0x9e: {  	_ =	swait.ge [sflag:s22], s20  }
0x9f: {  	s4 =	ssub.s32 $0x0, s20;
	[sflag:s22] =	ssyncset.done $0x0  }
0xa0: {  	[sflag:s22] =	ssyncadd.s32 s4;
	_ =	sdelay $0x1  }
0xa1: {  	s23 =	simm.s32 $0x1B8B  }
0xa2: {  	_ =	swait.ge [sflag:s23], $0x1  }
0xa3: {  	[sflag:s23] =	ssyncset.done $0x0  }
0xa4: {  	s25 =	simm.s32 $0x1B8E;
	s24 =	sld [smem:$0x3FFE];
	[sflag:s23] =	ssyncadd.s32 $0xFFFFFFFF  }
0xa5: {  	s26 =	simm.s32 $execute0_lowered;
	[smem:$0x3FD2] =	sst s25  }
0xa6: {  	s5 =	sshll.u32 s26, $0x1;
	_ =	strace $0x80000049;
	[dreg:$0x1] =	wrdreg $0xFFFFFFFF  }
0xa7: {  	s28 =	simm.s32 $_size_execute0_lowered;
	s3 =	sadd.s32 s3, s5;
	[dreg:$0x0] =	wrdreg $0x0  }
0xa8: {  	s5 =	sshll.u32 s28, $0x1;
	[dreg:$0x2] =	wrdreg s3  }
0xa9: {  	[dreg:$0x3] =	wrdreg s5  }
0xaa: {  	[dreg:$0x4] =	wrdreg $0xC0  }
0xab: {  	_ =	task [dreg:s7], $0x5FFFF  }
0xac: {  	[dreg:$0x1] =	wrdreg $0xFFFFFFFF  }
0xad: {  	[dreg:$0x0] =	wrdreg $0x60  }
0xae: {  	[dreg:$0x2] =	wrdreg s24  }
0xaf: {  	[dreg:$0x3] =	wrdreg s2  }
0xb0: {  	[dreg:$0x4] =	wrdreg $0x67000  }
0xb1: {  	[dreg:$0x5] =	wrdreg $0x9  }
0xb2: {  	_ =	task.clear_ibuf [dreg:s7], $0x6FFFF;
	_ =	strace $0x90000049  }
0xb3: {  	s29 =	simm.s32 $0x9;
	_ =	strace $0x8000004B  }
0xb4: {  	_ =	swait.ge [sflag:s29], $0x1  }
0xb5: {  	[sflag:s29] =	ssyncadd.s32 $0xFFFFFFFF  }
0xb6: {  	_ =	strace $0x9000004B  }
0xb7: {  	_ =	sfence  }
0xb8: {  	s30 =	sld [smem:$0x0];
	_ =	sdelay $0x2  }
0xb9: {  	s31 =	sshll.u32 s1, $0xD;
	s1 =	sshrl.u32 s1, $0x2  }
0xba: {  	s3 =	sand.u32 $0x4000, s31;
	s1 =	sadd.s32 s1, s30  }
0xbb: {  	s0 =	sor.u32 s3, s0;
	s1 =	sshll.u32 s1, $0x11  }
0xbc: {  	s0 =	sor.u32 s1, s0  }
0xbd: {  	s0 =	sadd.s32 $0x8F2B, s0  }
0xbe: {  	[sflag:s0] =	ssyncadd.remote.s32 $0x1  }
0xbf: {  	_ =	sfence.sel $0xFFFF  }
0xc0: {  	[dreg:$0x0] =	wrdreg $0xFFFFFFFF;
	(pc) =	sbr.abs _section_cstart, $3  }
0xc1: {  	[dreg:$0x1] =	wrdreg $0xFFFFFFFF  }
0xc2: {  	_ =	task.clear_ibuf [dreg:s7], $0x2FFFF;
	_ =	strace $0x9FFFFFFF  }
0xc3: {  	(tm) =	ssettm $0x7FFFFFFF  }
tec
execute0_lowered:
.L_overlay_start_1:
0x0: {  	(tag) =	ssettag $0x1  }
0x1: {  	s7 =	rddreg [dreg:$0x0]  }
0x2: {  	s1 =	rddreg [dreg:$0x1]  }
0x3: {  	s2 =	rddreg [dreg:$0x2]  }
0x4: {  	s0 =	rddreg [dreg:$0x3];
	s3 =	simm.s32 $0x0  }
0x5: {  	s4 =	srdreg.scid;
	s15 =	stileid.u32;
	s19 =	simm.s32 $0x200  }
0x6: {  	s20 =	simm.s32 $0xC8;
	s21 =	simm.s32 $0x300;
	s22 =	simm.s32 $0x1  }
0x7: {  	[smem:$0x7FF] =	sst s3;
	s8 =	sand.u32 $0x1, s4;
	s9 =	smul.u32 $0x4E000, s15  }
0x8: {  	s4 =	sadd.s32 $0x2EC00, s7;
	s5 =	sadd.s32 $0x1B200, s7;
	s13 =	smul.u32 $0x270, s15  }
0x9: {  	s6 =	sadd.s32 $0x2600, s7;
	s14 =	sadd.s32 $0x7CE00, s7;
	s7 =	smul.u32 $0x4E20, s15  }
0xa: {  	s29 =	sshll.u32 s15, $0x6;
	s18 =	sadd.s32 $0x138000, s2;
	s11 =	smul.u32 $0x2710, s8  }
0xb: {  	p0 =	sne.s32 s15, $0x0;
	s10 =	ssub.s32 $0x2, s8;
	s26 =	smul.u32 $0x138800, s8  }
0xc: {  	_ =	strace $0x8000004A;
	s30 =	smul.u32 $0x4E200, s8;
	s12 =	sshrl.u32 s10, $0x1  }
0xd: {  	s24 =	sshrl.u32 s9, $0x2;
	s9 =	sor.u32 $0x1C02, s29;
	s16 =	ssub.s32 s10, s12  }
0xe: {  	s25 =	sadd.s32 s13, s11;
	s17 =	sadd.s32 s24, s2;
	s10 =	sshrl.u32 s26, $0x3  }
0xf: {  	s11 =	sadd.s32 s30, s7;
	s28 =	sshll.u32 s25, $0x4;
	s31 =	sadd.s32 $0x27000, s10  }
0x10: {  	s15 =	sshrl.u32 s17, $0x3;
	s17 =	sshrl.u32 @!p0 s18, $0x3;
	s18 =	simm.s32 $0x100  }
0x11: {  	s8 =	sadd.s32 s4, s28;
	s10 =	sadd.s32 s4, s31;
	s12 =	sadd.s32 s14, s28  }
0x12: {  	s13 =	sadd.s32 s14, s31;
	s14 =	smax.u32 s16, $0x1;
	s16 =	simm.s32 $0x2  }
.LBB2_1:
0x13: {  	[spmem:s15], [sflag:s9] =	dma.local [hbm:s8], $0x2700  }
0x14: {  	_ =	swait.ge [sflag:s16], $0x2700  }
0x15: {  	[sflag:s16] =	ssyncset.done $0x0  }
0x16: {  	s23 =	simm.s32 @!p0 $0x2;
	[sflag:s16] =	ssyncadd.s32 $0xFFFFD900  }
0x17: {  	[spmem:s17], [sflag:s9] =	dma.local @!p0 [hbm:s10], $0x100  }
0x18: {  	_ =	swait.ge @!p0 [sflag:s23], $0x100  }
0x19: {  	[sflag:s23] =	ssyncset.done @!p0 $0x0  }
0x1a: {  	[sflag:s23] =	ssyncadd.s32 @!p0 $0xFFFFFF00  }
0x1b: {  	s23 =	simm.s32 $0x0;
	[bflag:$0x0] =	sbarrier.arrive $0xFFFF  }
.LBB2_2:
0x1c: {  	s24 =	smul.u32 $0xC8, s23;
	_ =	sdelay $0x1  }
0x1d: {  	s25 =	sadd.s32 s11, s24  }
0x1e: {  	s25 =	sshrl.u32 s25, $0x3  }
0x1f: {  	s26 =	simm.s32 $0x0;
	s25 =	sadd.s32 s5, s25  }
0x20: {  	[tilespmem:s26], [sflag:$0x2] =	stream.linear.gather [hbm4b:s25+s26], $0xC8, $0x38;
	[tilespmem:$0x19F80] =	vst v63  }
0x21: {  	s24 =	sadd.s32 s7, s24;
	_ =	swait.ge [sflag:s16], $0xC8  }
0x22: {  	s24 =	sshrl.u32 s24, $0x3;
	[sflag:s16] =	ssyncset.done $0x0  }
0x23: {  	s31 =	sadd.s32 s6, s24;
	[sflag:s16] =	ssyncadd.s32 $0xFFFFFF38  }
0x24: {  	[tilespmem:s18], [sflag:$0x2] =	stream.linear.gather [hbm4b:s31+s26], $0xC8, $0x38;
	[tilespmem:$0x19F80] =	vst v63  }
0x25: {  	_ =	swait.ge [sflag:s16], $0xC8  }
0x26: {  	[sflag:s16] =	ssyncset.done $0x0  }
0x27: {  	s24 =	sadd.s32 s1, s24;
	s25 =	simm.s32 $0x6;
	[sflag:s16] =	ssyncadd.s32 $0xFFFFFF38  }
0x28: {  	v0 =	vmov s26;
	[tilespmem:s19], [sflag:$0x2] =	stream.linear.gather [hbm4b:s24+s26], $0xC8, $0x38;
	[tilespmem:$0x19F80] =	vst v63  }
0x29: {  	v0 =	vand.u32 $0xFFFFFFF8, v0;
	v1 =	vmov s25;
	_ =	swait.ge [sflag:s16], $0xC8  }
0x2a: {  	v0 =	vbroadcast v0, $0x0;
	v1 =	vand.u32 $0xFFFFFFFE, v1;
	[sflag:s16] =	ssyncset.done $0x0  }
0x2b: {  	v1 =	vbroadcast v1, $0x0;
	[sflag:s16] =	ssyncadd.s32 $0xFFFFFF38  }
0x2c: {  	[tilespmem:s21], [sflag:$0x1] =	stream.indirect.gather [hbm4b:s4+s20], $0x80, s26, s20, $0xb8;
	[tilespmem:$0x19F80] =	vst v63  }
0x2d: {  	_ =	swait.ge [sflag:s22], $0x6400  }
0x2e: {  	[sflag:s22] =	ssyncset.done $0x0  }
0x2f: {  	[sflag:s22] =	ssyncadd.s32 $0xFFFF9C00  }
0x30: {  	v0 =	vld.idx.msk [tilespmem:v0+s19+$0x0], $0xffff  }
0x31: {  	s28 =	simm.s32 $0x1;
	s24 =	simm.s32 $0x500;
	v1 =	vld.idx.msk [tilespmem:v1+s19+$0x0], $0xffff  }
0x32: {  	v2 =	vmov s28;
	v3 =	vld [tilespmem:s24+$0x170]  }
0x33: {  	v2 =	vand.u32 $0xFFFFFFF9, v2;
	v4 =	vld [tilespmem:s24+$0xFFFFFE00]  }
0x34: {  	v2 =	vbroadcast v2, $0x0;
	v5 =	vld [tilespmem:s24+$0xFFFFFE10]  }
0x35: {  	v6 =	vld [tilespmem:s24+$0xFFFFFE20]  }
0x36: {  	v7 =	vld [tilespmem:s24+$0xFFFFFE30]  }
0x37: {  	v8 =	vld [tilespmem:s24+$0xFFFFFE40]  }
0x38: {  	v9 =	vld [tilespmem:s24+$0xFFFFFE50]  }
0x39: {  	v10 =	vld [tilespmem:s24+$0xFFFFFE60]  }
0x3a: {  	v2 =	vld.idx.msk [tilespmem:v2+s19+$0x0], $0xffff  }
0x3b: {  	v11 =	vld [tilespmem:s24+$0xFFFFFE70]  }
0x3c: {  	v12 =	vld [tilespmem:s24+$0xFFFFFE80];
	v4 =	vmul.f32 v4, v0  }
0x3d: {  	v13 =	vld [tilespmem:s24+$0xFFFFFE90];
	v3 =	vmul.f32 v3, v1  }
0x3e: {  	v14 =	vld [tilespmem:s24+$0xFFFFFEA0];
	v5 =	vmul.f32 v5, v0;
	[tilespmem:s24+$0xFFFFFE00] =	vst v4  }
0x3f: {  	s29 =	simm.s32 $0x2;
	v15 =	vld [tilespmem:s24+$0xFFFFFEB0];
	v7 =	vmul.f32 v7, v0;
	[tilespmem:s24+$0x170] =	vst v3  }
0x40: {  	v8 =	vmul.f32 v8, v0;
	v4 =	vmov s29;
	v3 =	vmul.f32 v6, v0;
	v6 =	vld [tilespmem:s24+$0xFFFFFEC0];
	[tilespmem:s24+$0xFFFFFE10] =	vst v5  }
0x41: {  	v5 =	vmul.f32 v12, v2;
	v12 =	vld [tilespmem:s24+$0xFFFFFED0];
	[tilespmem:s24+$0xFFFFFE30] =	vst v7;
	v4 =	vand.u32 $0xFFFFFFFA, v4  }
0x42: {  	v7 =	vmul.f32 v9, v0;
	v9 =	vld [tilespmem:s24+$0xFFFFFEF0];
	[tilespmem:s24+$0xFFFFFE40] =	vst v8;
	v4 =	vbroadcast v4, $0x0  }
0x43: {  	v8 =	vmul.f32 v10, v0;
	v10 =	vld [tilespmem:s24+$0xFFFFFF00];
	[tilespmem:s24+$0xFFFFFE20] =	vst v3  }
0x44: {  	v0 =	vmul.f32 v11, v0;
	v11 =	vld [tilespmem:s24+$0xFFFFFF20];
	[tilespmem:s24+$0xFFFFFE80] =	vst v5  }
0x45: {  	s30 =	simm.s32 $0x3;
	v3 =	vld [tilespmem:s24+$0xFFFFFEE0];
	[tilespmem:s24+$0xFFFFFE50] =	vst v7  }
0x46: {  	v5 =	vmov s30;
	v7 =	vld [tilespmem:s24+$0xFFFFFF10];
	[tilespmem:s24+$0xFFFFFE60] =	vst v8;
	v8 =	vmul.f32 v13, v2  }
0x47: {  	[tilespmem:s24+$0xFFFFFE70] =	vst v0;
	v0 =	vmul.f32 v14, v2;
	v13 =	vld [tilespmem:s24+$0xFFFFFF30];
	v5 =	vand.u32 $0xFFFFFFFB, v5  }
0x48: {  	v5 =	vbroadcast v5, $0x0;
	[tilespmem:s24+$0xFFFFFE90] =	vst v8;
	v8 =	vmul.f32 v15, v2;
	v4 =	vld.idx.msk [tilespmem:v4+s19+$0x0], $0xffff  }
0x49: {  	v14 =	vld [tilespmem:s24+$0xFFFFFF40];
	[tilespmem:s24+$0xFFFFFEA0] =	vst v0;
	v6 =	vmul.f32 v6, v2  }
0x4a: {  	v12 =	vmul.f32 v12, v2;
	[tilespmem:s24+$0xFFFFFEB0] =	vst v8;
	v8 =	vld [tilespmem:s24+$0xFFFFFF60]  }
0x4b: {  	[tilespmem:s24+$0xFFFFFEC0] =	vst v6;
	v3 =	vmul.f32 v3, v2;
	v6 =	vld [tilespmem:s24+$0xFFFFFF70]  }
0x4c: {  	[tilespmem:s24+$0xFFFFFED0] =	vst v12;
	v2 =	vmul.f32 v9, v2;
	v9 =	vld [tilespmem:s24+$0xFFFFFF80]  }
0x4d: {  	v12 =	vld [tilespmem:s24+$0xFFFFFFB0];
	[tilespmem:s24+$0xFFFFFEE0] =	vst v3;
	v0 =	vmul.f32 v10, v4  }
0x4e: {  	[tilespmem:s24+$0xFFFFFEF0] =	vst v2;
	v5 =	vld.idx.msk [tilespmem:v5+s19+$0x0], $0xffff;
	v3 =	vmul.f32 v7, v4  }
0x4f: {  	s31 =	simm.s32 $0x4;
	v10 =	vld [tilespmem:s24+$0xFFFFFF50];
	v2 =	vmul.f32 v11, v4;
	[tilespmem:s24+$0xFFFFFF00] =	vst v0  }
0x50: {  	v7 =	vld [tilespmem:s24+$0xFFFFFF90];
	v8 =	vmul.f32 v8, v4;
	v0 =	vmov s31;
	[tilespmem:s24+$0xFFFFFF10] =	vst v3  }
0x51: {  	v11 =	vld [tilespmem:s24+$0xFFFFFFA0];
	v3 =	vmul.f32 v13, v4;
	[tilespmem:s24+$0xFFFFFF20] =	vst v2;
	v0 =	vand.u32 $0xFFFFFFFC, v0  }
0x52: {  	v2 =	vmul.f32 v14, v4;
	v13 =	vld [tilespmem:s24+$0xFFFFFFC0];
	[tilespmem:s24+$0xFFFFFF60] =	vst v8;
	v0 =	vbroadcast v0, $0x0  }
0x53: {  	v8 =	vld [tilespmem:s24+$0x0];
	[tilespmem:s24+$0xFFFFFF30] =	vst v3;
	v3 =	vmul.f32 v9, v5  }
0x54: {  	s26 =	simm.s32 $0x5;
	v9 =	vld [tilespmem:s24+$0xFFFFFFD0];
	[tilespmem:s24+$0xFFFFFF40] =	vst v2;
	v10 =	vmul.f32 v10, v4  }
0x55: {  	v2 =	vld [tilespmem:s24+$0xFFFFFFE0];
	v4 =	vmul.f32 v6, v4;
	[tilespmem:s24+$0xFFFFFF80] =	vst v3;
	v3 =	vmov s26  }
0x56: {  	v6 =	vld [tilespmem:s24+$0xFFFFFFF0];
	v7 =	vmul.f32 v7, v5;
	[tilespmem:s24+$0xFFFFFF50] =	vst v10;
	v3 =	vand.u32 $0xFFFFFFFD, v3  }
0x57: {  	[tilespmem:s24+$0xFFFFFF70] =	vst v4;
	v4 =	vmul.f32 v11, v5;
	v10 =	vld [tilespmem:s24+$0x10];
	v3 =	vbroadcast v3, $0x0  }
0x58: {  	[tilespmem:s24+$0xFFFFFF90] =	vst v7;
	v7 =	vmul.f32 v12, v5;
	v0 =	vld.idx.msk [tilespmem:v0+s19+$0x0], $0xffff  }
0x59: {  	v11 =	vld [tilespmem:s24+$0x20];
	[tilespmem:s24+$0xFFFFFFA0] =	vst v4;
	v4 =	vmul.f32 v13, v5  }
0x5a: {  	v12 =	vld [tilespmem:s24+$0x30];
	[tilespmem:s24+$0xFFFFFFB0] =	vst v7;
	v7 =	vmul.f32 v9, v5  }
0x5b: {  	v9 =	vld [tilespmem:s24+$0x40];
	v2 =	vmul.f32 v2, v5;
	[tilespmem:s24+$0xFFFFFFC0] =	vst v4  }
0x5c: {  	v5 =	vmul.f32 v6, v5;
	[tilespmem:s24+$0xFFFFFFD0] =	vst v7;
	v7 =	vld [tilespmem:s24+$0x60]  }
0x5d: {  	[tilespmem:s24+$0xFFFFFFE0] =	vst v2;
	v3 =	vld.idx.msk [tilespmem:v3+s19+$0x0], $0xffff;
	v4 =	vmul.f32 v8, v0  }
0x5e: {  	[tilespmem:s24+$0xFFFFFFF0] =	vst v5;
	v8 =	vld [tilespmem:s24+$0x50];
	v5 =	vmul.f32 v11, v0  }
0x5f: {  	v2 =	vmul.f32 v10, v0;
	v10 =	vld [tilespmem:s24+$0x90];
	[tilespmem:s24+$0x0] =	vst v4  }
0x60: {  	v6 =	vld [tilespmem:s24+$0x80];
	[tilespmem:s24+$0x20] =	vst v5;
	v5 =	vmul.f32 v9, v0  }
0x61: {  	v4 =	vld [tilespmem:s24+$0x70];
	[tilespmem:s24+$0x10] =	vst v2;
	v2 =	vmul.f32 v12, v0  }
0x62: {  	v9 =	vld [tilespmem:s24+$0xA0];
	[tilespmem:s24+$0x40] =	vst v5;
	v5 =	vmul.f32 v7, v0  }
0x63: {  	[tilespmem:s24+$0x30] =	vst v2;
	v7 =	vld [tilespmem:s24+$0xC0];
	v2 =	vmul.f32 v8, v0  }
0x64: {  	v8 =	vld [tilespmem:s24+$0xB0];
	v10 =	vmul.f32 v10, v3;
	[tilespmem:s24+$0x60] =	vst v5  }
0x65: {  	s28 =	simm.s32 $0x7;
	v5 =	vld [tilespmem:s24+$0xE0];
	[tilespmem:s24+$0x50] =	vst v2;
	v2 =	vmul.f32 v6, v3  }
0x66: {  	v11 =	vmov s28;
	v6 =	vld [tilespmem:s24+$0xD0];
	v4 =	vmul.f32 v4, v0;
	[tilespmem:s24+$0x90] =	vst v10  }
0x67: {  	v10 =	vld [tilespmem:s24+$0x150];
	[tilespmem:s24+$0x80] =	vst v2  }
0x68: {  	[tilespmem:s24+$0x70] =	vst v4;
	v2 =	vmul.f32 v9, v3;
	v4 =	vld [tilespmem:s24+$0xF0]  }
0x69: {  	v9 =	vld [tilespmem:s24+$0x100];
	v8 =	vmul.f32 v8, v3  }
0x6a: {  	[tilespmem:s24+$0xA0] =	vst v2;
	v2 =	vmul.f32 v7, v3;
	v7 =	vld [tilespmem:s24+$0x110]  }
0x6b: {  	v0 =	vld.idx.msk [tilespmem:v11+s19+$0x0], $0xffff;
	[tilespmem:s24+$0xB0] =	vst v8;
	v6 =	vmul.f32 v6, v3  }
0x6c: {  	v8 =	vld [tilespmem:s24+$0x120];
	v10 =	vmul.f32 v10, v1;
	[tilespmem:s24+$0xC0] =	vst v2  }
0x6d: {  	s31 =	simm.s32 $0x9;
	v2 =	vmul.f32 v5, v3;
	v5 =	vld [tilespmem:s24+$0x130];
	[tilespmem:s24+$0xD0] =	vst v6;
	v3 =	vmul.f32 v4, v3  }
0x6e: {  	s29 =	simm.s32 $0x8;
	v11 =	vmov s31;
	v4 =	vld [tilespmem:s24+$0x140];
	[tilespmem:s24+$0x150] =	vst v10  }
0x6f: {  	s28 =	simm.s32 $0xA;
	s31 =	simm.s32 $0xD;
	v6 =	vmov s29;
	v9 =	vmul.f32 v9, v1;
	[tilespmem:s24+$0xF0] =	vst v3;
	v3 =	vmul.f32 v7, v1;
	v7 =	vld [tilespmem:s24+$0x160]  }
0x70: {  	s30 =	simm.s32 $0xF;
	v13 =	vld [tilespmem:s24+$0x180];
	v12 =	vmov s28;
	v17 =	vmov s31;
	s29 =	simm.s32 $0xB;
	[tilespmem:s24+$0xE0] =	vst v2;
	v6 =	vand.u32 $0xFFFFFFF8, v6  }
0x71: {  	v16 =	vld [tilespmem:s24+$0x190];
	v2 =	vmov s30;
	s30 =	simm.s32 $0xC;
	[tilespmem:s24+$0x100] =	vst v9;
	v9 =	vmov s29;
	v8 =	vmul.f32 v8, v1  }
0x72: {  	v14 =	vmov s30;
	[tilespmem:s24+$0x110] =	vst v3;
	v15 =	vmul.f32 v5, v1;
	v3 =	vbroadcast v6, $0x0;
	v5 =	vld [tilespmem:s24+$0x1A0]  }
0x73: {  	v6 =	vld [tilespmem:s24+$0x1B0];
	[tilespmem:s24+$0x120] =	vst v8;
	v8 =	vmul.f32 v4, v1;
	v4 =	vand.u32 $0xFFFFFFF9, v11;
	v11 =	vand.u32 $0xFFFFFFFA, v12  }
0x74: {  	v12 =	vand.u32 $0xFFFFFFFB, v9;
	[tilespmem:s24+$0x130] =	vst v15;
	v4 =	vbroadcast v4, $0x0;
	v15 =	vmul.f32 v7, v1;
	v7 =	vld [tilespmem:s24+$0x1C0]  }
0x75: {  	v9 =	vbroadcast v11, $0x0;
	[tilespmem:s24+$0x140] =	vst v8;
	v1 =	vand.u32 $0xFFFFFFFC, v14;
	v14 =	vmul.f32 v13, v0;
	v8 =	vld [tilespmem:s24+$0x1D0]  }
0x76: {  	s25 =	simm.s32 $0x10;
	s26 =	simm.s32 $0xE;
	v10 =	vld [tilespmem:s24+$0x1E0];
	v11 =	vbroadcast v12, $0x0;
	v12 =	vmul.f32 v16, v0;
	v13 =	vand.u32 $0xFFFFFFFD, v17;
	[tilespmem:s24+$0x160] =	vst v15  }
.LBB2_3:
0x77: {  	p1 =	slt.u32 s25, $0xC0;
	v1 =	vbroadcast v1, $0x0;
	v15 =	vmov s26;
	[tilespmem:s24+$0x180] =	vst v14;
	v5 =	vmul.f32 v5, v0;
	v14 =	vld [tilespmem:s24+$0x1F0]  }
0x78: {  	v13 =	vbroadcast v13, $0x0;
	v15 =	vand.u32 $0xFFFFFFFE, v15;
	v16 =	vld.idx.msk [tilespmem:v2+s19+$0x0], $0xffff;
	[tilespmem:s24+$0x190] =	vst v12;
	v2 =	vmul.f32 v6, v0  }
0x79: {  	v6 =	vld.idx.msk [tilespmem:v3+s19+$0x0], $0xffff;
	v12 =	vbroadcast v15, $0x0;
	[tilespmem:s24+$0x1A0] =	vst v5;
	v3 =	vmul.f32 v7, v0  }
0x7a: {  	v5 =	vld.idx.msk [tilespmem:v4+s19+$0x0], $0xffff;
	[tilespmem:s24+$0x1B0] =	vst v2;
	v2 =	vmul.f32 v8, v0  }
0x7b: {  	v7 =	vld.idx.msk [tilespmem:v9+s19+$0x0], $0xffff;
	[tilespmem:s24+$0x1C0] =	vst v3;
	v8 =	vmul.f32 v10, v0  }
0x7c: {  	v4 =	vld.idx.msk [tilespmem:v11+s19+$0x0], $0xffff;
	[tilespmem:s24+$0x1D0] =	vst v2;
	v9 =	vmul.f32 v14, v0  }
0x7d: {  	v3 =	vld.idx.msk [tilespmem:v1+s19+$0x0], $0xffff;
	[tilespmem:s24+$0x1E0] =	vst v8  }
0x7e: {  	v0 =	vmov v16;
	v2 =	vld.idx.msk [tilespmem:v13+s19+$0x0], $0xffff;
	[tilespmem:s24+$0x1F0] =	vst v9  }
0x7f: {  	s24 =	sadd.s32 $0x400, s24;
	v1 =	vld.idx.msk [tilespmem:v12+s19+$0x0], $0xffff  }
0x80: {  	v8 =	vld [tilespmem:s24+$0x170]  }
0x81: {  	v9 =	vld [tilespmem:s24+$0xFFFFFE00]  }
0x82: {  	v10 =	vld [tilespmem:s24+$0xFFFFFE10]  }
0x83: {  	v11 =	vld [tilespmem:s24+$0xFFFFFE20]  }
0x84: {  	v12 =	vld [tilespmem:s24+$0xFFFFFE30]  }
0x85: {  	v13 =	vld [tilespmem:s24+$0xFFFFFE40];
	v8 =	vmul.f32 v8, v1  }
0x86: {  	v9 =	vmul.f32 v9, v6;
	v14 =	vld [tilespmem:s24+$0xFFFFFE50]  }
0x87: {  	v10 =	vmul.f32 v10, v6;
	v15 =	vld [tilespmem:s24+$0xFFFFFE60];
	[tilespmem:s24+$0x170] =	vst v8  }
0x88: {  	[tilespmem:s24+$0xFFFFFE00] =	vst v9;
	v8 =	vmul.f32 v11, v6;
	v9 =	vld [tilespmem:s24+$0xFFFFFE70]  }
0x89: {  	[tilespmem:s24+$0xFFFFFE10] =	vst v10;
	v10 =	vmul.f32 v12, v6;
	v11 =	vld [tilespmem:s24+$0xFFFFFE80]  }
0x8a: {  	[tilespmem:s24+$0xFFFFFE20] =	vst v8;
	v8 =	vmul.f32 v13, v6;
	v12 =	vld [tilespmem:s24+$0xFFFFFE90]  }
0x8b: {  	[tilespmem:s24+$0xFFFFFE30] =	vst v10;
	v10 =	vmul.f32 v14, v6;
	v13 =	vld [tilespmem:s24+$0xFFFFFEA0]  }
0x8c: {  	[tilespmem:s24+$0xFFFFFE40] =	vst v8;
	v8 =	vmul.f32 v15, v6;
	v14 =	vld [tilespmem:s24+$0xFFFFFEB0]  }
0x8d: {  	[tilespmem:s24+$0xFFFFFE50] =	vst v10;
	v6 =	vmul.f32 v9, v6;
	v9 =	vld [tilespmem:s24+$0xFFFFFEC0]  }
0x8e: {  	[tilespmem:s24+$0xFFFFFE60] =	vst v8;
	v8 =	vmul.f32 v11, v5;
	v10 =	vld [tilespmem:s24+$0xFFFFFED0]  }
0x8f: {  	[tilespmem:s24+$0xFFFFFE70] =	vst v6;
	v6 =	vmul.f32 v12, v5;
	v11 =	vld [tilespmem:s24+$0xFFFFFEE0]  }
0x90: {  	[tilespmem:s24+$0xFFFFFE80] =	vst v8;
	v8 =	vmul.f32 v13, v5;
	v12 =	vld [tilespmem:s24+$0xFFFFFEF0]  }
0x91: {  	[tilespmem:s24+$0xFFFFFE90] =	vst v6;
	v6 =	vmul.f32 v14, v5;
	v13 =	vld [tilespmem:s24+$0xFFFFFF00]  }
0x92: {  	[tilespmem:s24+$0xFFFFFEA0] =	vst v8;
	v8 =	vmul.f32 v9, v5;
	v9 =	vld [tilespmem:s24+$0xFFFFFF10]  }
0x93: {  	[tilespmem:s24+$0xFFFFFEB0] =	vst v6;
	v6 =	vmul.f32 v10, v5;
	v10 =	vld [tilespmem:s24+$0xFFFFFF20]  }
0x94: {  	[tilespmem:s24+$0xFFFFFEC0] =	vst v8;
	v8 =	vmul.f32 v11, v5;
	v11 =	vld [tilespmem:s24+$0xFFFFFF30]  }
0x95: {  	[tilespmem:s24+$0xFFFFFED0] =	vst v6;
	v5 =	vmul.f32 v12, v5;
	v6 =	vld [tilespmem:s24+$0xFFFFFF40]  }
0x96: {  	[tilespmem:s24+$0xFFFFFEE0] =	vst v8;
	v8 =	vmul.f32 v13, v7;
	v12 =	vld [tilespmem:s24+$0xFFFFFF50]  }
0x97: {  	[tilespmem:s24+$0xFFFFFEF0] =	vst v5;
	v5 =	vmul.f32 v9, v7;
	v9 =	vld [tilespmem:s24+$0xFFFFFF60]  }
0x98: {  	[tilespmem:s24+$0xFFFFFF00] =	vst v8;
	v8 =	vmul.f32 v10, v7;
	v10 =	vld [tilespmem:s24+$0xFFFFFF70]  }
0x99: {  	[tilespmem:s24+$0xFFFFFF10] =	vst v5;
	v5 =	vmul.f32 v11, v7;
	v11 =	vld [tilespmem:s24+$0xFFFFFF80]  }
0x9a: {  	[tilespmem:s24+$0xFFFFFF20] =	vst v8;
	v6 =	vmul.f32 v6, v7;
	v8 =	vld [tilespmem:s24+$0xFFFFFF90]  }
0x9b: {  	[tilespmem:s24+$0xFFFFFF30] =	vst v5;
	v5 =	vmul.f32 v12, v7;
	v12 =	vld [tilespmem:s24+$0xFFFFFFA0]  }
0x9c: {  	[tilespmem:s24+$0xFFFFFF40] =	vst v6;
	v6 =	vmul.f32 v9, v7;
	v9 =	vld [tilespmem:s24+$0xFFFFFFB0]  }
0x9d: {  	[tilespmem:s24+$0xFFFFFF50] =	vst v5;
	v5 =	vmul.f32 v10, v7;
	v7 =	vld [tilespmem:s24+$0xFFFFFFC0]  }
0x9e: {  	[tilespmem:s24+$0xFFFFFF60] =	vst v6;
	v6 =	vmul.f32 v11, v4;
	v10 =	vld [tilespmem:s24+$0xFFFFFFD0]  }
0x9f: {  	[tilespmem:s24+$0xFFFFFF70] =	vst v5;
	v5 =	vmul.f32 v8, v4;
	v8 =	vld [tilespmem:s24+$0xFFFFFFE0]  }
0xa0: {  	[tilespmem:s24+$0xFFFFFF80] =	vst v6;
	v6 =	vmul.f32 v12, v4;
	v11 =	vld [tilespmem:s24+$0xFFFFFFF0]  }
0xa1: {  	[tilespmem:s24+$0xFFFFFF90] =	vst v5;
	v5 =	vmul.f32 v9, v4;
	v9 =	vld [tilespmem:s24+$0x0]  }
0xa2: {  	[tilespmem:s24+$0xFFFFFFA0] =	vst v6;
	v6 =	vmul.f32 v7, v4;
	v7 =	vld [tilespmem:s24+$0x10]  }
0xa3: {  	[tilespmem:s24+$0xFFFFFFB0] =	vst v5;
	v5 =	vmul.f32 v10, v4;
	v10 =	vld [tilespmem:s24+$0x20]  }
0xa4: {  	[tilespmem:s24+$0xFFFFFFC0] =	vst v6;
	v6 =	vmul.f32 v8, v4;
	v8 =	vld [tilespmem:s24+$0x30]  }
0xa5: {  	[tilespmem:s24+$0xFFFFFFD0] =	vst v5;
	v4 =	vmul.f32 v11, v4;
	v5 =	vld [tilespmem:s24+$0x40]  }
0xa6: {  	[tilespmem:s24+$0xFFFFFFE0] =	vst v6;
	v6 =	vmul.f32 v9, v3;
	v9 =	vld [tilespmem:s24+$0x50]  }
0xa7: {  	[tilespmem:s24+$0xFFFFFFF0] =	vst v4;
	v4 =	vmul.f32 v7, v3;
	v7 =	vld [tilespmem:s24+$0x60]  }
0xa8: {  	[tilespmem:s24+$0x0] =	vst v6;
	v6 =	vmul.f32 v10, v3;
	v10 =	vld [tilespmem:s24+$0x70]  }
0xa9: {  	[tilespmem:s24+$0x10] =	vst v4;
	v4 =	vmul.f32 v8, v3;
	v8 =	vld [tilespmem:s24+$0x80]  }
0xaa: {  	[tilespmem:s24+$0x20] =	vst v6;
	v5 =	vmul.f32 v5, v3;
	v6 =	vld [tilespmem:s24+$0x90]  }
0xab: {  	[tilespmem:s24+$0x30] =	vst v4;
	v4 =	vmul.f32 v9, v3;
	v9 =	vld [tilespmem:s24+$0xA0]  }
0xac: {  	[tilespmem:s24+$0x40] =	vst v5;
	v5 =	vmul.f32 v7, v3;
	v7 =	vld [tilespmem:s24+$0xB0]  }
0xad: {  	[tilespmem:s24+$0x50] =	vst v4;
	v3 =	vmul.f32 v10, v3;
	v4 =	vld [tilespmem:s24+$0xC0]  }
0xae: {  	[tilespmem:s24+$0x60] =	vst v5;
	v5 =	vmul.f32 v8, v2;
	v8 =	vld [tilespmem:s24+$0xD0]  }
0xaf: {  	[tilespmem:s24+$0x70] =	vst v3;
	v3 =	vmul.f32 v6, v2;
	v6 =	vld [tilespmem:s24+$0xE0]  }
0xb0: {  	[tilespmem:s24+$0x80] =	vst v5;
	v5 =	vmul.f32 v9, v2;
	v9 =	vld [tilespmem:s24+$0xF0]  }
0xb1: {  	[tilespmem:s24+$0x90] =	vst v3;
	v3 =	vmul.f32 v7, v2;
	v7 =	vld [tilespmem:s24+$0x100]  }
0xb2: {  	[tilespmem:s24+$0xA0] =	vst v5;
	v4 =	vmul.f32 v4, v2;
	v5 =	vld [tilespmem:s24+$0x110]  }
0xb3: {  	[tilespmem:s24+$0xB0] =	vst v3;
	v3 =	vmul.f32 v8, v2;
	v8 =	vld [tilespmem:s24+$0x120]  }
0xb4: {  	[tilespmem:s24+$0xC0] =	vst v4;
	v4 =	vmul.f32 v6, v2;
	v6 =	vld [tilespmem:s24+$0x130]  }
0xb5: {  	[tilespmem:s24+$0xD0] =	vst v3;
	v3 =	vmul.f32 v9, v2;
	v9 =	vld [tilespmem:s24+$0x140]  }
0xb6: {  	s26 =	sadd.s32 $0x7, s25;
	v2 =	vmov s25;
	[tilespmem:s24+$0xE0] =	vst v4;
	v4 =	vmul.f32 v7, v1;
	v7 =	vld [tilespmem:s24+$0x150]  }
0xb7: {  	s28 =	sadd.s32 $0x1, s25;
	s29 =	sadd.s32 $0x2, s25;
	v10 =	vand.u32 $0xFFFFFFF8, v2;
	v2 =	vmov s26;
	[tilespmem:s24+$0xF0] =	vst v3;
	v3 =	vmul.f32 v5, v1;
	v11 =	vld [tilespmem:s24+$0x160]  }
0xb8: {  	v13 =	vmov s29;
	v12 =	vmov s28;
	s28 =	sadd.s32 $0x4, s25;
	s26 =	sadd.s32 $0x3, s25;
	[tilespmem:s24+$0x100] =	vst v4;
	v4 =	vmul.f32 v8, v1;
	v8 =	vld [tilespmem:s24+$0x180]  }
0xb9: {  	v15 =	vmov s28;
	v14 =	vmov s26;
	s26 =	sadd.s32 $0x5, s25;
	[tilespmem:s24+$0x110] =	vst v3;
	v6 =	vmul.f32 v6, v1;
	v16 =	vld [tilespmem:s24+$0x190]  }
.Ltmp0:
0xba: {  	v3 =	vbroadcast v10, $0x0;
	v10 =	vmov s26;
	[tilespmem:s24+$0x120] =	vst v4;
	v9 =	vmul.f32 v9, v1;
	v5 =	vld [tilespmem:s24+$0x1A0];
	(pc) =	sbr.rel @p1 .LBB2_3-.Ltmp0, $4  }
0xbb: {  	v4 =	vand.u32 $0xFFFFFFF9, v12;
	v12 =	vand.u32 $0xFFFFFFFA, v13;
	[tilespmem:s24+$0x130] =	vst v6;
	v13 =	vmul.f32 v7, v1;
	v6 =	vld [tilespmem:s24+$0x1B0]  }
0xbc: {  	v17 =	vand.u32 $0xFFFFFFFB, v14;
	v4 =	vbroadcast v4, $0x0;
	[tilespmem:s24+$0x140] =	vst v9;
	v18 =	vmul.f32 v11, v1;
	v7 =	vld [tilespmem:s24+$0x1C0]  }
0xbd: {  	v9 =	vbroadcast v12, $0x0;
	v1 =	vand.u32 $0xFFFFFFFC, v15;
	[tilespmem:s24+$0x150] =	vst v13;
	v14 =	vmul.f32 v8, v0;
	v8 =	vld [tilespmem:s24+$0x1D0]  }
0xbe: {  	s26 =	sadd.s32 $0x6, s25;
	s25 =	sadd.s32 $0x8, s25;
	v11 =	vbroadcast v17, $0x0;
	v13 =	vand.u32 $0xFFFFFFFD, v10;
	[tilespmem:s24+$0x160] =	vst v18;
	v12 =	vmul.f32 v16, v0;
	v10 =	vld [tilespmem:s24+$0x1E0]  }
0xbf: {  	_ =	sdelay $0x2  }
0xc0: {  	v15 =	vld [tilespmem:s24+$0x1F0]  }
0xc1: {  	v34 =	vbroadcast v1, $0x0;
	v1 =	vld.idx.msk [tilespmem:v2+s19+$0x0], $0xffff  }
0xc2: {  	v17 =	vld.idx.msk [tilespmem:v3+s19+$0x0], $0xffff  }
0xc3: {  	v37 =	vld.idx.msk [tilespmem:v4+s19+$0x0], $0xffff  }
0xc4: {  	v9 =	vld.idx.msk [tilespmem:v9+s19+$0x0], $0xffff  }
0xc5: {  	s25 =	sadd.s32 $0x400, s24;
	v11 =	vld.idx.msk [tilespmem:v11+s19+$0x0], $0xffff  }
0xc6: {  	v40 =	vld [tilespmem:s25+$0xFFFFFE00]  }
0xc7: {  	v42 =	vld [tilespmem:s25+$0xFFFFFE10]  }
0xc8: {  	[tilespmem:s24+$0x180] =	vst v14;
	v5 =	vmul.f32 v5, v0;
	v44 =	vld [tilespmem:s25+$0xFFFFFE20]  }
0xc9: {  	[tilespmem:s24+$0x190] =	vst v12;
	v6 =	vmul.f32 v6, v0;
	v46 =	vld [tilespmem:s25+$0xFFFFFE30]  }
0xca: {  	v47 =	vld [tilespmem:s25+$0xFFFFFE40];
	[tilespmem:s24+$0x1A0] =	vst v5;
	v39 =	vmul.f32 v7, v0  }
0xcb: {  	v49 =	vld [tilespmem:s25+$0xFFFFFE50];
	[tilespmem:s24+$0x1B0] =	vst v6;
	v41 =	vmul.f32 v8, v0  }
0xcc: {  	v50 =	vld [tilespmem:s25+$0xFFFFFE60];
	[tilespmem:s24+$0x1C0] =	vst v39;
	v43 =	vmul.f32 v10, v0  }
0xcd: {  	v52 =	vld [tilespmem:s25+$0xFFFFFE70];
	[tilespmem:s24+$0x1D0] =	vst v41;
	v45 =	vmul.f32 v15, v0  }
0xce: {  	v53 =	vld [tilespmem:s25+$0xFFFFFE80];
	[tilespmem:s24+$0x1E0] =	vst v43;
	v48 =	vmul.f32 v40, v17  }
0xcf: {  	v55 =	vld [tilespmem:s25+$0xFFFFFE90];
	v8 =	vmul.f32 v42, v17;
	[tilespmem:s24+$0x1F0] =	vst v45  }
0xd0: {  	v57 =	vld [tilespmem:s25+$0xFFFFFEA0];
	v51 =	vmul.f32 v44, v17;
	[tilespmem:s25+$0xFFFFFE00] =	vst v48  }
0xd1: {  	v59 =	vld [tilespmem:s25+$0xFFFFFEB0];
	v6 =	vmul.f32 v46, v17;
	[tilespmem:s25+$0xFFFFFE10] =	vst v8  }
0xd2: {  	v61 =	vld [tilespmem:s25+$0xFFFFFEC0];
	v54 =	vmul.f32 v47, v17;
	[tilespmem:s25+$0xFFFFFE20] =	vst v51  }
0xd3: {  	v63 =	vld [tilespmem:s25+$0xFFFFFED0];
	v56 =	vmul.f32 v49, v17;
	[tilespmem:s25+$0xFFFFFE30] =	vst v6  }
0xd4: {  	v19 =	vld [tilespmem:s25+$0xFFFFFEF0];
	v58 =	vmul.f32 v50, v17;
	[tilespmem:s25+$0xFFFFFE40] =	vst v54  }
0xd5: {  	v21 =	vld [tilespmem:s25+$0xFFFFFF00];
	v60 =	vmul.f32 v52, v17;
	[tilespmem:s25+$0xFFFFFE50] =	vst v56  }
0xd6: {  	v23 =	vld [tilespmem:s25+$0xFFFFFF10];
	v62 =	vmul.f32 v53, v37;
	[tilespmem:s25+$0xFFFFFE60] =	vst v58  }
0xd7: {  	v25 =	vld [tilespmem:s25+$0xFFFFFF20];
	v5 =	vmul.f32 v55, v37;
	[tilespmem:s25+$0xFFFFFE70] =	vst v60  }
0xd8: {  	v27 =	vld [tilespmem:s25+$0xFFFFFF30];
	v18 =	vmul.f32 v57, v37;
	[tilespmem:s25+$0xFFFFFE80] =	vst v62  }
0xd9: {  	v13 =	vbroadcast v13, $0x0;
	v31 =	vld [tilespmem:s25+$0xFFFFFF50];
	v20 =	vmul.f32 v59, v37;
	[tilespmem:s25+$0xFFFFFE90] =	vst v5  }
0xda: {  	v35 =	vmov s26;
	v33 =	vld [tilespmem:s25+$0xFFFFFF60];
	v22 =	vmul.f32 v61, v37;
	[tilespmem:s25+$0xFFFFFEA0] =	vst v18  }
0xdb: {  	v16 =	vand.u32 $0xFFFFFFFE, v35;
	v35 =	vld [tilespmem:s25+$0xFFFFFF70];
	v24 =	vmul.f32 v63, v37;
	[tilespmem:s25+$0xFFFFFEB0] =	vst v20  }
0xdc: {  	v39 =	vld [tilespmem:s25+$0xFFFFFF90];
	v28 =	vmul.f32 v19, v37;
	[tilespmem:s25+$0xFFFFFEC0] =	vst v22  }
0xdd: {  	v36 =	vbroadcast v16, $0x0;
	v41 =	vld [tilespmem:s25+$0xFFFFFFA0];
	v30 =	vmul.f32 v21, v9;
	[tilespmem:s25+$0xFFFFFED0] =	vst v24  }
0xde: {  	v4 =	vld.idx.msk [tilespmem:v34+s19+$0x0], $0xffff;
	v32 =	vmul.f32 v23, v9;
	[tilespmem:s25+$0xFFFFFEF0] =	vst v28  }
0xdf: {  	v3 =	vld.idx.msk [tilespmem:v13+s19+$0x0], $0xffff;
	v34 =	vmul.f32 v25, v9;
	[tilespmem:s25+$0xFFFFFF00] =	vst v30  }
0xe0: {  	v17 =	vld [tilespmem:s25+$0xFFFFFEE0];
	v40 =	vmul.f32 v31, v9;
	[tilespmem:s25+$0xFFFFFF10] =	vst v32  }
0xe1: {  	v42 =	vmul.f32 v33, v9;
	v43 =	vld [tilespmem:s25+$0xFFFFFFB0];
	[tilespmem:s25+$0xFFFFFF20] =	vst v34  }
0xe2: {  	v44 =	vmul.f32 v35, v9;
	v47 =	vld [tilespmem:s25+$0xFFFFFFD0];
	[tilespmem:s25+$0xFFFFFF50] =	vst v40  }
0xe3: {  	v2 =	vld.idx.msk [tilespmem:v36+s19+$0x0], $0xffff;
	v36 =	vmul.f32 v27, v9;
	[tilespmem:s25+$0xFFFFFF60] =	vst v42  }
0xe4: {  	v49 =	vld [tilespmem:s25+$0xFFFFFFE0];
	[tilespmem:s25+$0xFFFFFF70] =	vst v44;
	v48 =	vmul.f32 v39, v11  }
0xe5: {  	v53 =	vld [tilespmem:s25+$0x0];
	[tilespmem:s25+$0xFFFFFF30] =	vst v36;
	v50 =	vmul.f32 v41, v11  }
0xe6: {  	v57 =	vld [tilespmem:s25+$0x20];
	v26 =	vmul.f32 v17, v37;
	[tilespmem:s25+$0xFFFFFF90] =	vst v48  }
0xe7: {  	v59 =	vld [tilespmem:s25+$0x30];
	v52 =	vmul.f32 v43, v11;
	[tilespmem:s25+$0xFFFFFFA0] =	vst v50  }
0xe8: {  	v61 =	vld [tilespmem:s25+$0x40];
	v56 =	vmul.f32 v47, v11;
	[tilespmem:s25+$0xFFFFFEE0] =	vst v26  }
0xe9: {  	v63 =	vld [tilespmem:s25+$0x50];
	v58 =	vmul.f32 v49, v11;
	[tilespmem:s25+$0xFFFFFFB0] =	vst v52  }
0xea: {  	v13 =	vld [tilespmem:s25+$0x60];
	v62 =	vmul.f32 v53, v4;
	[tilespmem:s25+$0xFFFFFFD0] =	vst v56  }
0xeb: {  	v19 =	vld [tilespmem:s25+$0x90];
	v14 =	vmul.f32 v57, v4;
	[tilespmem:s25+$0xFFFFFFE0] =	vst v58  }
0xec: {  	v23 =	vld [tilespmem:s25+$0xB0];
	v16 =	vmul.f32 v59, v4;
	[tilespmem:s25+$0x0] =	vst v62  }
0xed: {  	v45 =	vld [tilespmem:s25+$0xFFFFFFC0];
	v18 =	vmul.f32 v61, v4;
	[tilespmem:s25+$0x20] =	vst v14  }
0xee: {  	v38 =	vld [tilespmem:s25+$0x170];
	v20 =	vmul.f32 v63, v4;
	[tilespmem:s25+$0x30] =	vst v16  }
0xef: {  	v29 =	vld [tilespmem:s25+$0xFFFFFF40];
	v22 =	vmul.f32 v13, v4;
	[tilespmem:s25+$0x40] =	vst v18  }
0xf0: {  	v51 =	vld [tilespmem:s25+$0xFFFFFFF0];
	v27 =	vmul.f32 v19, v3;
	[tilespmem:s25+$0x50] =	vst v20  }
0xf1: {  	v21 =	vld [tilespmem:s25+$0xA0];
	v31 =	vmul.f32 v23, v3;
	[tilespmem:s25+$0x60] =	vst v22  }
0xf2: {  	v24 =	vld [tilespmem:s25+$0xC0];
	v54 =	vmul.f32 v45, v11;
	[tilespmem:s25+$0x90] =	vst v27  }
0xf3: {  	v32 =	vld [tilespmem:s25+$0x100];
	v12 =	vmul.f32 v38, v2;
	[tilespmem:s25+$0xB0] =	vst v31  }
0xf4: {  	v34 =	vld [tilespmem:s25+$0x110];
	v38 =	vmul.f32 v29, v9;
	[tilespmem:s25+$0xFFFFFFC0] =	vst v54  }
0xf5: {  	v39 =	vld [tilespmem:s25+$0x140];
	v60 =	vmul.f32 v51, v11;
	[tilespmem:s25+$0x170] =	vst v12  }
0xf6: {  	v55 =	vld [tilespmem:s25+$0x10];
	v29 =	vmul.f32 v21, v3;
	[tilespmem:s25+$0xFFFFFF40] =	vst v38  }
0xf7: {  	v15 =	vld [tilespmem:s25+$0x70];
	v33 =	vmul.f32 v24, v3;
	[tilespmem:s25+$0xFFFFFFF0] =	vst v60  }
0xf8: {  	v36 =	vld [tilespmem:s25+$0x120];
	v40 =	vmul.f32 v32, v2;
	[tilespmem:s25+$0xA0] =	vst v29  }
0xf9: {  	v41 =	vld [tilespmem:s25+$0x150];
	v42 =	vmul.f32 v34, v2;
	[tilespmem:s25+$0xC0] =	vst v33  }
0xfa: {  	v37 =	vld [tilespmem:s25+$0xFFFFFF80];
	v48 =	vmul.f32 v39, v2;
	[tilespmem:s25+$0x100] =	vst v40  }
0xfb: {  	v17 =	vld [tilespmem:s25+$0x80];
	v12 =	vmul.f32 v55, v4;
	[tilespmem:s25+$0x110] =	vst v42  }
0xfc: {  	v28 =	vld [tilespmem:s25+$0xE0];
	v4 =	vmul.f32 v15, v4;
	[tilespmem:s25+$0x140] =	vst v48  }
0xfd: {  	v43 =	vld [tilespmem:s25+$0x160];
	v44 =	vmul.f32 v36, v2;
	[tilespmem:s25+$0x10] =	vst v12  }
0xfe: {  	v47 =	vld [tilespmem:s25+$0x190];
	v50 =	vmul.f32 v41, v2;
	[tilespmem:s25+$0x70] =	vst v4  }
0xff: {  	v49 =	vld [tilespmem:s25+$0x1A0];
	v46 =	vmul.f32 v37, v11;
	[tilespmem:s25+$0x120] =	vst v44  }
0x100: {  	v57 =	vld [tilespmem:s25+$0x1E0];
	v25 =	vmul.f32 v17, v3;
	[tilespmem:s25+$0x150] =	vst v50  }
0x101: {  	v59 =	vld [tilespmem:s25+$0x1F0];
	v37 =	vmul.f32 v28, v3;
	[tilespmem:s25+$0xFFFFFF80] =	vst v46  }
0x102: {  	v45 =	vld [tilespmem:s25+$0x180];
	v52 =	vmul.f32 v43, v2;
	[tilespmem:s25+$0x80] =	vst v25  }
0x103: {  	v26 =	vld [tilespmem:s25+$0xD0];
	v56 =	vmul.f32 v47, v1;
	[tilespmem:s25+$0xE0] =	vst v37  }
0x104: {  	v30 =	vld [tilespmem:s25+$0xF0];
	v58 =	vmul.f32 v49, v1;
	[tilespmem:s25+$0x160] =	vst v52  }
0x105: {  	v51 =	vld [tilespmem:s25+$0x1B0];
	v62 =	vmul.f32 v57, v1;
	[tilespmem:s25+$0x190] =	vst v56  }
0x106: {  	v38 =	vld [tilespmem:s25+$0x130];
	v63 =	vmul.f32 v59, v1;
	[tilespmem:s25+$0x1A0] =	vst v58  }
0x107: {  	v53 =	vld [tilespmem:s25+$0x1C0];
	v54 =	vmul.f32 v45, v1;
	[tilespmem:s25+$0x1E0] =	vst v62  }
0x108: {  	v55 =	vld [tilespmem:s25+$0x1D0];
	v35 =	vmul.f32 v26, v3;
	[tilespmem:s25+$0x1F0] =	vst v63  }
0x109: {  	v3 =	vmul.f32 v30, v3;
	[tilespmem:s25+$0x180] =	vst v54  }
0x10a: {  	v60 =	vmul.f32 v51, v1;
	[tilespmem:s25+$0xD0] =	vst v35  }
0x10b: {  	[tilespmem:s25+$0xF0] =	vst v3;
	v46 =	vmul.f32 v38, v2  }
0x10c: {  	v2 =	vmul.f32 v53, v1;
	[tilespmem:s25+$0x1B0] =	vst v60  }
0x10d: {  	s23 =	sadd.s32 $0x1, s23;
	v61 =	vmul.f32 v55, v1;
	[tilespmem:s25+$0x130] =	vst v46  }
0x10e: {  	p1 =	sne.s32 s23, $0x64;
	[tilespmem:s25+$0x1C0] =	vst v2  }
.Ltmp1:
0x10f: {  	[tilespmem:s25+$0x1D0] =	vst v61;
	(pc) =	sbr.rel @p1 .LBB2_2-.Ltmp1, $4  }
0x110: {  	[spmem:s2] =	stream.indirect.scatter.add.f32 [tilespmem:s21], [sflag:$0x2], $0x80, s18, s20, $0xb8;
	[tilespmem:$0x19F80] =	vst v63  }
0x111: {  	_ =	swait.ge [sflag:s16], $0x6400  }
0x112: {  	[sflag:s16] =	ssyncset.done $0x0  }
0x113: {  	[sflag:s16] =	ssyncadd.s32 $0xFFFF9C00  }
0x114: {  	[bflag:$0x0] =	sbarrier.arrive $0xFFFF  }
0x115: {  	[hbm:s12], [sflag:s9] =	dma.local [spmem:s15], $0x2700  }
0x116: {  	s3 =	sadd.s32 $0x1, s3;
	_ =	swait.ge [sflag:s16], $0x2700  }
0x117: {  	p1 =	sne.s32 s3, s14;
	[sflag:s16] =	ssyncset.done $0x0  }
.Ltmp2:
0x118: {  	s23 =	simm.s32 @!p0 $0x2;
	[sflag:s16] =	ssyncadd.s32 $0xFFFFD900;
	(pc) =	sbr.rel @p1 .LBB2_1-.Ltmp2, $4  }
0x119: {  	[hbm:s13], [sflag:s9] =	dma.local @!p0 [spmem:s17], $0x100  }
0x11a: {  	_ =	swait.ge @!p0 [sflag:s23], $0x100  }
0x11b: {  	[sflag:s23] =	ssyncset.done @!p0 $0x0  }
0x11c: {  	[sflag:s23] =	ssyncadd.s32 @!p0 $0xFFFFFF00  }
0x11d: {  	_ =	sfence.sel $0x180000  }
0x11e: {  	[bflag:$0x0] =	sbarrier.arrive $0xFFFF  }
0x11f: {  	_ =	strace $0x9000004A  }
0x120: {  	s0 =	sadd.s32 @!p0 $0x100000, s0;
	[bflag:$0x2] =	sbarrier.arrive $0xFFFF  }
0x121: {  	[sflag:s0] =	ssyncadd.tile.s32 @!p0 $0x1;
	_ =	shalt  }
.Lfunc_end2:
_tile_overlayer_lowered:
.L_overlay_start_2:
0x122: {  	(tag) =	ssettag $0x2  }
0x123: {  	s0 =	rddreg [dreg:$0x0];
	s2 =	stileid.u32  }
0x124: {  	s1 =	rddreg [dreg:$0x1];
	p0 =	sne.s32 s2, $0x0  }
0x125: {  	s3 =	rddreg [dreg:$0x2];
	[bflag:$0x3] =	sbarrier.arrive $0xFFFF;
	s2 =	simm.s32 @!p0 $0x1C02  }
0x126: {  	[timem:s3], [sflag:s2] =	dma.local @!p0 [hbm:s0], s1  }
0x127: {  	s0 =	simm.s32 @!p0 $0x2  }
0x128: {  	_ =	swait.ge @!p0 [sflag:s0], s1  }
0x129: {  	s1 =	ssub.s32 @!p0 $0x0, s1;
	[sflag:s0] =	ssyncset.done @!p0 $0x0  }
0x12a: {  	[sflag:s0] =	ssyncadd.s32 @!p0 s1  }
0x12b: {  	[bflag:$0x3] =	sbarrier.arrive $0xFFFF  }
0x12c: {  	_ =	shalt  }

// kernel: kernel.16.cloned.1.call-start
scs
__scs_entry_jumppad:
0x0: {  	(pc) =	sbr.rel $0x88, $3  }
0x1: {  	(tag) =	ssettag $0x0;
	lr =	simm.s32 $0x1  }
0x2: {  	[smem:$0x3F90] =	sst lr;
	_ =	strace $0xD0000000  }
0x3: {  	_ = 	snop  }
0x4: {  	_ = 	snop  }
0x5: {  	_ = 	snop  }
0x6: {  	_ = 	snop  }
0x7: {  	_ = 	snop  }
__scs_overlays_trampoline_lowered:
0x8: {  	[smem:$0x3F9F] =	sst s0  }
0x9: {  	[smem:$0x3FA0] =	sst s1  }
0xa: {  	[smem:$0x3FA1] =	sst s2  }
0xb: {  	[smem:$0x3FA2] =	sst s3  }
0xc: {  	[smem:$0x3FA3] =	sst s4  }
0xd: {  	[smem:$0x3FA4] =	sst s5  }
0xe: {  	[smem:$0x3FA5] =	sst s6  }
0xf: {  	[smem:$0x3FA6] =	sst s7  }
0x10: {  	[smem:$0x3FA7] =	sst s8  }
0x11: {  	[smem:$0x3FA8] =	sst s9;
	s0 =	simm.s32 @!p0 $0x0  }
0x12: {  	s1 =	sld [smem:$0x3F8E];
	s0 =	simm.s32 @p0 $0x1  }
0x13: {  	[smem:$0x3FA9] =	sst s0;
	s0 =	simm.s32 @!p1 $0x0  }
0x14: {  	s2 =	sld [smem:$0x3F8D];
	s0 =	simm.s32 @p1 $0x1  }
0x15: {  	[smem:$0x3FAA] =	sst s0;
	s0 =	simm.s32 @!p2 $0x0  }
0x16: {  	s3 =	sld [smem:$0x3FDB];
	s0 =	simm.s32 @p2 $0x1  }
0x17: {  	s4 =	simm.s32 $0x1BF5;
	[smem:$0x3FAC] =	sst s0  }
0x18: {  	s0 =	sld [smem:$0x3F8F];
	_ =	swait.ge [sflag:s4], $0x0  }
0x19: {  	s7 =	sld [smem:$0x3F90]  }
0x1a: {  	s8 =	sadd.s32 $0xFFFFE003, lr  }
0x1b: {  	s9 =	sadd.s32 $0xFFFFFEF7, lr;
	s5 =	simm.s32 $0xFFFFFFFF;
	p2 =	slt.u32 s8, $0xFFFFF086  }
0x1c: {  	p1 =	slt.u32 s9, $0xF7A;
	s5 =	simm.s32 @!p2 $0x0  }
0x1d: {  	s5 =	simm.s32 @p1 $0x1;
	p0 =	seq.s32 s7, s2  }
0x1e: {  	s7 =	smul.u32 @!p0 $0xF7A, s2;
	p2 =	seq.s32 @!p0 s5, $0x0  }
0x1f: {  	s9 =	smul.u32 $0xF7A, s1;
	s8 =	simm.s32 @!p0 $0x1BF5;
	p2 =	por !p2, p0  }
0x20: {  	[sflag:s8] =	ssyncset.s32 @!p0 $0xFFFFF086;
	s6 =	sadd.s32 @!p0 s3, s7;
	s7 =	simm.s32 @!p0 $0x108  }
0x21: {  	s3 =	sadd.s32 s3, s9;
	s6 =	sadd.s32 @!p0 $0x88, s6;
	s7 =	simm.s32 @p2 $0x1082  }
0x22: {  	[simem:s7], [sflag:s8] =	dma.local @!p0 [hbm:s6], $0xF7A  }
0x23: {  	s9 =	sor.u32 $0xD0000000, s2;
	s6 =	simm.s32 $0x108;
	_ =	swait.ge @!p0 [sflag:s8], $0x0  }
0x24: {  	s3 =	sadd.s32 $0x88, s3;
	s6 =	simm.s32 @!p1 $0x1082;
	[sflag:s4] =	ssyncset.s32 $0xFFFFF086  }
0x25: {  	[simem:s6], [sflag:s4] =	dma.local [hbm:s3], $0xF7A  }
0x26: {  	[smem:$0x3F90] =	sst s1;
	(tag) =	ssettag s2;
	_ =	strace s9  }
0x27: {  	s1 =	sld [smem:$0x3FA0]  }
0x28: {  	s2 =	sld [smem:$0x3FA1]  }
0x29: {  	s4 =	sld [smem:$0x3FA3]  }
0x2a: {  	p0 =	seq.s32 s5, $0x0;
	s5 =	sld [smem:$0x3FA4]  }
0x2b: {  	s6 =	sld [smem:$0x3FA5]  }
0x2c: {  	s7 =	sld [smem:$0x3FA6]  }
0x2d: {  	s3 =	simm.s32 $0x108;
	s8 =	sld [smem:$0x3FA7]  }
0x2e: {  	s3 =	simm.s32 @!p0 $0x1082;
	s9 =	sld [smem:$0x3FA8]  }
0x2f: {  	lr =	sadd.s32 s0, s3;
	s0 =	sld [smem:$0x3F9F]  }
0x30: {  	s3 =	sld [smem:$0x3FA2]  }
0x31: {  	[smem:$0x3FAB] =	sst s10  }
0x32: {  	s10 =	sld [smem:$0x3FA9];
	_ =	sdelay $0x3  }
0x33: {  	p0 =	seq.s32 s10, $0x1;
	s10 =	sld [smem:$0x3FAB];
	_ =	sdelay $0x3  }
0x34: {  	[smem:$0x3FAB] =	sst s10  }
0x35: {  	s10 =	sld [smem:$0x3FAA];
	_ =	sdelay $0x3  }
0x36: {  	p1 =	seq.s32 s10, $0x1;
	s10 =	sld [smem:$0x3FAB];
	_ =	sdelay $0x3  }
0x37: {  	[smem:$0x3FAB] =	sst s10  }
0x38: {  	s10 =	sld [smem:$0x3FAC]  }
0x39: {  	_ = 	snop;
	(pc) =	sbr.ind lr, $3  }
0x3a: {  	_ = 	snop  }
0x3b: {  	_ = 	snop  }
0x3c: {  	p2 =	seq.s32 s10, $0x1;
	s10 =	sld [smem:$0x3FAB]  }
0x3d: {  	_ =	shalt  }
0x3e: {  	_ =	shalt  }
0x3f: {  	_ =	shalt  }
0x40: {  	_ =	shalt  }
0x41: {  	_ =	shalt  }
0x42: {  	_ =	shalt  }
0x43: {  	_ =	shalt  }
0x44: {  	_ =	shalt  }
0x45: {  	_ =	shalt  }
0x46: {  	_ =	shalt  }
0x47: {  	_ =	shalt  }
0x48: {  	_ =	shalt  }
0x49: {  	_ =	shalt  }
0x4a: {  	_ =	shalt  }
0x4b: {  	_ =	shalt  }
0x4c: {  	_ =	shalt  }
0x4d: {  	_ =	shalt  }
0x4e: {  	_ =	shalt  }
0x4f: {  	_ =	shalt  }
0x50: {  	_ =	shalt  }
0x51: {  	_ =	shalt  }
0x52: {  	_ =	shalt  }
0x53: {  	_ =	shalt  }
0x54: {  	_ =	shalt  }
0x55: {  	_ =	shalt  }
0x56: {  	_ =	shalt  }
0x57: {  	_ =	shalt  }
0x58: {  	_ =	shalt  }
0x59: {  	_ =	shalt  }
0x5a: {  	_ =	shalt  }
0x5b: {  	_ =	shalt  }
0x5c: {  	_ =	shalt  }
0x5d: {  	_ =	shalt  }
0x5e: {  	_ =	shalt  }
0x5f: {  	_ =	shalt  }
0x60: {  	_ =	shalt  }
0x61: {  	_ =	shalt  }
0x62: {  	_ =	shalt  }
0x63: {  	_ =	shalt  }
0x64: {  	_ =	shalt  }
0x65: {  	_ =	shalt  }
0x66: {  	_ =	shalt  }
0x67: {  	_ =	shalt  }
0x68: {  	_ =	shalt  }
0x69: {  	_ =	shalt  }
0x6a: {  	_ =	shalt  }
0x6b: {  	_ =	shalt  }
0x6c: {  	_ =	shalt  }
0x6d: {  	_ =	shalt  }
0x6e: {  	_ =	shalt  }
0x6f: {  	_ =	shalt  }
0x70: {  	_ =	shalt  }
0x71: {  	_ =	shalt  }
0x72: {  	_ =	shalt  }
0x73: {  	_ =	shalt  }
0x74: {  	_ =	shalt  }
0x75: {  	_ =	shalt  }
0x76: {  	_ =	shalt  }
0x77: {  	_ =	shalt  }
0x78: {  	_ =	shalt  }
0x79: {  	_ =	shalt  }
0x7a: {  	_ =	shalt  }
0x7b: {  	_ =	shalt  }
0x7c: {  	_ =	shalt  }
0x7d: {  	_ =	shalt  }
0x7e: {  	_ =	shalt  }
0x7f: {  	_ =	shalt  }
0x80: {  	_ =	shalt  }
0x81: {  	_ =	shalt  }
0x82: {  	_ =	shalt  }
0x83: {  	_ =	shalt  }
0x84: {  	_ =	shalt  }
0x85: {  	_ =	shalt  }
0x86: {  	_ =	shalt  }
0x87: {  	_ =	shalt  }
.Lfunc_end0:
.L_simem_size_0:
called_computation.2_lowered:
.L_overlay_start_0:
0x88: {  	s2 =	sld [smem:$0x3FD9]  }
0x89: {  	s3 =	sld [smem:$0x3FFE];
	_ =	sdelay $0x1  }
0x8a: {  	s1 =	srdreg.scid  }
0x8b: {  	s0 =	sand.u32 $0x1, s1  }
0x8c: {  	s17 =	sshll.u32 s0, $0xA;
	s2 =	sadd.s32 s3, s2  }
0x8d: {  	s2 =	sadd.s32 s2, s17  }
0x8e: {  	[smem:$0x3FB7] =	sst s2  }
0x8f: {  	_ = 	snop  }
0x90: {  	s2 =	sld [smem:$0x3FC7];
	(tm) =	ssettm $0x1  }
0x91: {  	s18 =	sld [smem:$0x3FFB];
	_ =	sdelay $0x3  }
0x92: {  	_ =	strace s18  }
0x93: {  	s3 =	sld [smem:$0x3FFC];
	_ =	sdelay $0x3  }
0x94: {  	_ =	strace s3  }
0x95: {  	s3 =	sld [smem:$0x3FFD];
	_ =	sdelay $0x3  }
0x96: {  	_ =	strace s3  }
0x97: {  	_ =	strace $0x8FFFFFFF  }
0x98: {  	s19 =	sld [smem:$0x3FDB];
	_ =	sdelay $0x1  }
0x99: {  	s4 =	simm.s32 $_scs_section_size  }
0x9a: {  	s5 =	simm.s32 $_size__tile_overlayer_lowered;
	s6 =	simm.s32 $_tile_overlayer_lowered  }
0x9b: {  	s22 =	simm.s32 $0x1BFF;
	s21 =	sshll.u32 s6, $0x1;
	s3 =	sadd.s32 s4, s19  }
0x9c: {  	s7 =	simm.s32 $0x0;
	s20 =	sshll.u32 s5, $0x1;
	s5 =	sadd.s32 s21, s3  }
0x9d: {  	[timem:s7], [sflag:s22] =	dma.local [hbm:s5], s20  }
0x9e: {  	_ =	swait.ge [sflag:s22], s20  }
0x9f: {  	s4 =	ssub.s32 $0x0, s20;
	[sflag:s22] =	ssyncset.done $0x0  }
0xa0: {  	[sflag:s22] =	ssyncadd.s32 s4;
	_ =	sdelay $0x1  }
0xa1: {  	s23 =	simm.s32 $0x1B8B  }
0xa2: {  	_ =	swait.ge [sflag:s23], $0x1  }
0xa3: {  	[sflag:s23] =	ssyncset.done $0x0  }
0xa4: {  	s25 =	simm.s32 $0x1B8E;
	s24 =	sld [smem:$0x3FFE];
	[sflag:s23] =	ssyncadd.s32 $0xFFFFFFFF  }
0xa5: {  	s26 =	simm.s32 $execute0_lowered;
	[smem:$0x3FD2] =	sst s25  }
0xa6: {  	s5 =	sshll.u32 s26, $0x1;
	_ =	strace $0x8000004C;
	[dreg:$0x1] =	wrdreg $0xFFFFFFFF  }
0xa7: {  	s28 =	simm.s32 $_size_execute0_lowered;
	s3 =	sadd.s32 s3, s5;
	[dreg:$0x0] =	wrdreg $0x0  }
0xa8: {  	s5 =	sshll.u32 s28, $0x1;
	[dreg:$0x2] =	wrdreg s3  }
0xa9: {  	[dreg:$0x3] =	wrdreg s5  }
0xaa: {  	[dreg:$0x4] =	wrdreg $0xC0  }
0xab: {  	_ =	task [dreg:s7], $0x5FFFF  }
0xac: {  	[dreg:$0x1] =	wrdreg $0xFFFFFFFF  }
0xad: {  	[dreg:$0x0] =	wrdreg $0x60  }
0xae: {  	[dreg:$0x2] =	wrdreg s24  }
0xaf: {  	[dreg:$0x3] =	wrdreg s2  }
0xb0: {  	[dreg:$0x4] =	wrdreg $0x67000  }
0xb1: {  	[dreg:$0x5] =	wrdreg $0x9  }
0xb2: {  	_ =	task.clear_ibuf [dreg:s7], $0x6FFFF;
	_ =	strace $0x9000004C  }
0xb3: {  	s29 =	simm.s32 $0x9;
	_ =	strace $0x8000004E  }
0xb4: {  	_ =	swait.ge [sflag:s29], $0x1  }
0xb5: {  	[sflag:s29] =	ssyncadd.s32 $0xFFFFFFFF  }
0xb6: {  	_ =	strace $0x9000004E  }
0xb7: {  	_ =	sfence  }
0xb8: {  	s30 =	sld [smem:$0x0];
	_ =	sdelay $0x2  }
0xb9: {  	s31 =	sshll.u32 s1, $0xD;
	s1 =	sshrl.u32 s1, $0x2  }
0xba: {  	s3 =	sand.u32 $0x4000, s31;
	s1 =	sadd.s32 s1, s30  }
0xbb: {  	s0 =	sor.u32 s3, s0;
	s1 =	sshll.u32 s1, $0x11  }
0xbc: {  	s0 =	sor.u32 s1, s0  }
0xbd: {  	s0 =	sadd.s32 $0x8F2B, s0  }
0xbe: {  	[sflag:s0] =	ssyncadd.remote.s32 $0x1  }
0xbf: {  	_ =	sfence.sel $0xFFFF  }
0xc0: {  	[dreg:$0x0] =	wrdreg $0xFFFFFFFF;
	(pc) =	sbr.abs _section_cstart, $3  }
0xc1: {  	[dreg:$0x1] =	wrdreg $0xFFFFFFFF  }
0xc2: {  	_ =	task.clear_ibuf [dreg:s7], $0x2FFFF;
	_ =	strace $0x9FFFFFFF  }
0xc3: {  	(tm) =	ssettm $0x7FFFFFFF  }
tec
execute0_lowered:
.L_overlay_start_1:
0x0: {  	(tag) =	ssettag $0x1  }
0x1: {  	s7 =	rddreg [dreg:$0x0]  }
0x2: {  	s1 =	rddreg [dreg:$0x1]  }
0x3: {  	s2 =	rddreg [dreg:$0x2]  }
0x4: {  	s0 =	rddreg [dreg:$0x3];
	s3 =	simm.s32 $0x0  }
0x5: {  	s4 =	srdreg.scid;
	s15 =	stileid.u32;
	s19 =	simm.s32 $0x200  }
0x6: {  	s20 =	simm.s32 $0xC8;
	s21 =	simm.s32 $0x300;
	s22 =	simm.s32 $0x1  }
0x7: {  	[smem:$0x7FF] =	sst s3;
	s8 =	sand.u32 $0x1, s4;
	s9 =	smul.u32 $0x4E000, s15  }
0x8: {  	s4 =	sadd.s32 $0x2EC00, s7;
	s5 =	sadd.s32 $0x1B200, s7;
	s13 =	smul.u32 $0x270, s15  }
0x9: {  	s6 =	sadd.s32 $0x2600, s7;
	s14 =	sadd.s32 $0x7CE00, s7;
	s7 =	smul.u32 $0x4E20, s15  }
0xa: {  	s29 =	sshll.u32 s15, $0x6;
	s18 =	sadd.s32 $0x138000, s2;
	s11 =	smul.u32 $0x2710, s8  }
0xb: {  	p0 =	sne.s32 s15, $0x0;
	s10 =	ssub.s32 $0x2, s8;
	s26 =	smul.u32 $0x138800, s8  }
0xc: {  	_ =	strace $0x8000004D;
	s30 =	smul.u32 $0x4E200, s8;
	s12 =	sshrl.u32 s10, $0x1  }
0xd: {  	s24 =	sshrl.u32 s9, $0x2;
	s9 =	sor.u32 $0x1C02, s29;
	s16 =	ssub.s32 s10, s12  }
0xe: {  	s25 =	sadd.s32 s13, s11;
	s17 =	sadd.s32 s24, s2;
	s10 =	sshrl.u32 s26, $0x3  }
0xf: {  	s11 =	sadd.s32 s30, s7;
	s28 =	sshll.u32 s25, $0x4;
	s31 =	sadd.s32 $0x27000, s10  }
0x10: {  	s15 =	sshrl.u32 s17, $0x3;
	s17 =	sshrl.u32 @!p0 s18, $0x3;
	s18 =	simm.s32 $0x100  }
0x11: {  	s8 =	sadd.s32 s4, s28;
	s10 =	sadd.s32 s4, s31;
	s12 =	sadd.s32 s14, s28  }
0x12: {  	s13 =	sadd.s32 s14, s31;
	s14 =	smax.u32 s16, $0x1;
	s16 =	simm.s32 $0x2  }
.LBB2_1:
0x13: {  	[spmem:s15], [sflag:s9] =	dma.local [hbm:s8], $0x2700  }
0x14: {  	_ =	swait.ge [sflag:s16], $0x2700  }
0x15: {  	[sflag:s16] =	ssyncset.done $0x0  }
0x16: {  	s23 =	simm.s32 @!p0 $0x2;
	[sflag:s16] =	ssyncadd.s32 $0xFFFFD900  }
0x17: {  	[spmem:s17], [sflag:s9] =	dma.local @!p0 [hbm:s10], $0x100  }
0x18: {  	_ =	swait.ge @!p0 [sflag:s23], $0x100  }
0x19: {  	[sflag:s23] =	ssyncset.done @!p0 $0x0  }
0x1a: {  	[sflag:s23] =	ssyncadd.s32 @!p0 $0xFFFFFF00  }
0x1b: {  	s23 =	simm.s32 $0x0;
	[bflag:$0x0] =	sbarrier.arrive $0xFFFF  }
.LBB2_2:
0x1c: {  	s24 =	smul.u32 $0xC8, s23;
	_ =	sdelay $0x1  }
0x1d: {  	s25 =	sadd.s32 s11, s24  }
0x1e: {  	s25 =	sshrl.u32 s25, $0x3  }
0x1f: {  	s26 =	simm.s32 $0x0;
	s25 =	sadd.s32 s5, s25  }
0x20: {  	[tilespmem:s26], [sflag:$0x2] =	stream.linear.gather [hbm4b:s25+s26], $0xC8, $0x38;
	[tilespmem:$0x19F80] =	vst v63  }
0x21: {  	s24 =	sadd.s32 s7, s24;
	_ =	swait.ge [sflag:s16], $0xC8  }
0x22: {  	s24 =	sshrl.u32 s24, $0x3;
	[sflag:s16] =	ssyncset.done $0x0  }
0x23: {  	s31 =	sadd.s32 s6, s24;
	[sflag:s16] =	ssyncadd.s32 $0xFFFFFF38  }
0x24: {  	[tilespmem:s18], [sflag:$0x2] =	stream.linear.gather [hbm4b:s31+s26], $0xC8, $0x38;
	[tilespmem:$0x19F80] =	vst v63  }
0x25: {  	_ =	swait.ge [sflag:s16], $0xC8  }
0x26: {  	[sflag:s16] =	ssyncset.done $0x0  }
0x27: {  	s24 =	sadd.s32 s1, s24;
	s25 =	simm.s32 $0x6;
	[sflag:s16] =	ssyncadd.s32 $0xFFFFFF38  }
0x28: {  	v0 =	vmov s26;
	[tilespmem:s19], [sflag:$0x2] =	stream.linear.gather [hbm4b:s24+s26], $0xC8, $0x38;
	[tilespmem:$0x19F80] =	vst v63  }
0x29: {  	v0 =	vand.u32 $0xFFFFFFF8, v0;
	v1 =	vmov s25;
	_ =	swait.ge [sflag:s16], $0xC8  }
0x2a: {  	v0 =	vbroadcast v0, $0x0;
	v1 =	vand.u32 $0xFFFFFFFE, v1;
	[sflag:s16] =	ssyncset.done $0x0  }
0x2b: {  	v1 =	vbroadcast v1, $0x0;
	[sflag:s16] =	ssyncadd.s32 $0xFFFFFF38  }
0x2c: {  	[tilespmem:s21], [sflag:$0x1] =	stream.indirect.gather [hbm4b:s4+s20], $0x80, s26, s20, $0xb8;
	[tilespmem:$0x19F80] =	vst v63  }
0x2d: {  	_ =	swait.ge [sflag:s22], $0x6400  }
0x2e: {  	[sflag:s22] =	ssyncset.done $0x0  }
0x2f: {  	[sflag:s22] =	ssyncadd.s32 $0xFFFF9C00  }
0x30: {  	v0 =	vld.idx.msk [tilespmem:v0+s19+$0x0], $0xffff  }
0x31: {  	s28 =	simm.s32 $0x1;
	s24 =	simm.s32 $0x500;
	v1 =	vld.idx.msk [tilespmem:v1+s19+$0x0], $0xffff  }
0x32: {  	v2 =	vmov s28;
	v3 =	vld [tilespmem:s24+$0x170]  }
0x33: {  	v2 =	vand.u32 $0xFFFFFFF9, v2;
	v4 =	vld [tilespmem:s24+$0xFFFFFE00]  }
0x34: {  	v2 =	vbroadcast v2, $0x0;
	v5 =	vld [tilespmem:s24+$0xFFFFFE10]  }
0x35: {  	v6 =	vld [tilespmem:s24+$0xFFFFFE20]  }
0x36: {  	v7 =	vld [tilespmem:s24+$0xFFFFFE30]  }
0x37: {  	v8 =	vld [tilespmem:s24+$0xFFFFFE40]  }
0x38: {  	v9 =	vld [tilespmem:s24+$0xFFFFFE50]  }
0x39: {  	v10 =	vld [tilespmem:s24+$0xFFFFFE60]  }
0x3a: {  	v2 =	vld.idx.msk [tilespmem:v2+s19+$0x0], $0xffff  }
0x3b: {  	v11 =	vld [tilespmem:s24+$0xFFFFFE70]  }
0x3c: {  	v12 =	vld [tilespmem:s24+$0xFFFFFE80];
	v4 =	vmul.f32 v4, v0  }
0x3d: {  	v13 =	vld [tilespmem:s24+$0xFFFFFE90];
	v3 =	vmul.f32 v3, v1  }
0x3e: {  	v14 =	vld [tilespmem:s24+$0xFFFFFEA0];
	v5 =	vmul.f32 v5, v0;
	[tilespmem:s24+$0xFFFFFE00] =	vst v4  }
0x3f: {  	s29 =	simm.s32 $0x2;
	v15 =	vld [tilespmem:s24+$0xFFFFFEB0];
	v7 =	vmul.f32 v7, v0;
	[tilespmem:s24+$0x170] =	vst v3  }
0x40: {  	v8 =	vmul.f32 v8, v0;
	v4 =	vmov s29;
	v3 =	vmul.f32 v6, v0;
	v6 =	vld [tilespmem:s24+$0xFFFFFEC0];
	[tilespmem:s24+$0xFFFFFE10] =	vst v5  }
0x41: {  	v5 =	vmul.f32 v12, v2;
	v12 =	vld [tilespmem:s24+$0xFFFFFED0];
	[tilespmem:s24+$0xFFFFFE30] =	vst v7;
	v4 =	vand.u32 $0xFFFFFFFA, v4  }
0x42: {  	v7 =	vmul.f32 v9, v0;
	v9 =	vld [tilespmem:s24+$0xFFFFFEF0];
	[tilespmem:s24+$0xFFFFFE40] =	vst v8;
	v4 =	vbroadcast v4, $0x0  }
0x43: {  	v8 =	vmul.f32 v10, v0;
	v10 =	vld [tilespmem:s24+$0xFFFFFF00];
	[tilespmem:s24+$0xFFFFFE20] =	vst v3  }
0x44: {  	v0 =	vmul.f32 v11, v0;
	v11 =	vld [tilespmem:s24+$0xFFFFFF20];
	[tilespmem:s24+$0xFFFFFE80] =	vst v5  }
0x45: {  	s30 =	simm.s32 $0x3;
	v3 =	vld [tilespmem:s24+$0xFFFFFEE0];
	[tilespmem:s24+$0xFFFFFE50] =	vst v7  }
0x46: {  	v5 =	vmov s30;
	v7 =	vld [tilespmem:s24+$0xFFFFFF10];
	[tilespmem:s24+$0xFFFFFE60] =	vst v8;
	v8 =	vmul.f32 v13, v2  }
0x47: {  	[tilespmem:s24+$0xFFFFFE70] =	vst v0;
	v0 =	vmul.f32 v14, v2;
	v13 =	vld [tilespmem:s24+$0xFFFFFF30];
	v5 =	vand.u32 $0xFFFFFFFB, v5  }
0x48: {  	v5 =	vbroadcast v5, $0x0;
	[tilespmem:s24+$0xFFFFFE90] =	vst v8;
	v8 =	vmul.f32 v15, v2;
	v4 =	vld.idx.msk [tilespmem:v4+s19+$0x0], $0xffff  }
0x49: {  	v14 =	vld [tilespmem:s24+$0xFFFFFF40];
	[tilespmem:s24+$0xFFFFFEA0] =	vst v0;
	v6 =	vmul.f32 v6, v2  }
0x4a: {  	v12 =	vmul.f32 v12, v2;
	[tilespmem:s24+$0xFFFFFEB0] =	vst v8;
	v8 =	vld [tilespmem:s24+$0xFFFFFF60]  }
0x4b: {  	[tilespmem:s24+$0xFFFFFEC0] =	vst v6;
	v3 =	vmul.f32 v3, v2;
	v6 =	vld [tilespmem:s24+$0xFFFFFF70]  }
0x4c: {  	[tilespmem:s24+$0xFFFFFED0] =	vst v12;
	v2 =	vmul.f32 v9, v2;
	v9 =	vld [tilespmem:s24+$0xFFFFFF80]  }
0x4d: {  	v12 =	vld [tilespmem:s24+$0xFFFFFFB0];
	[tilespmem:s24+$0xFFFFFEE0] =	vst v3;
	v0 =	vmul.f32 v10, v4  }
0x4e: {  	[tilespmem:s24+$0xFFFFFEF0] =	vst v2;
	v5 =	vld.idx.msk [tilespmem:v5+s19+$0x0], $0xffff;
	v3 =	vmul.f32 v7, v4  }
0x4f: {  	s31 =	simm.s32 $0x4;
	v10 =	vld [tilespmem:s24+$0xFFFFFF50];
	v2 =	vmul.f32 v11, v4;
	[tilespmem:s24+$0xFFFFFF00] =	vst v0  }
0x50: {  	v7 =	vld [tilespmem:s24+$0xFFFFFF90];
	v8 =	vmul.f32 v8, v4;
	v0 =	vmov s31;
	[tilespmem:s24+$0xFFFFFF10] =	vst v3  }
0x51: {  	v11 =	vld [tilespmem:s24+$0xFFFFFFA0];
	v3 =	vmul.f32 v13, v4;
	[tilespmem:s24+$0xFFFFFF20] =	vst v2;
	v0 =	vand.u32 $0xFFFFFFFC, v0  }
0x52: {  	v2 =	vmul.f32 v14, v4;
	v13 =	vld [tilespmem:s24+$0xFFFFFFC0];
	[tilespmem:s24+$0xFFFFFF60] =	vst v8;
	v0 =	vbroadcast v0, $0x0  }
0x53: {  	v8 =	vld [tilespmem:s24+$0x0];
	[tilespmem:s24+$0xFFFFFF30] =	vst v3;
	v3 =	vmul.f32 v9, v5  }
0x54: {  	s26 =	simm.s32 $0x5;
	v9 =	vld [tilespmem:s24+$0xFFFFFFD0];
	[tilespmem:s24+$0xFFFFFF40] =	vst v2;
	v10 =	vmul.f32 v10, v4  }
0x55: {  	v2 =	vld [tilespmem:s24+$0xFFFFFFE0];
	v4 =	vmul.f32 v6, v4;
	[tilespmem:s24+$0xFFFFFF80] =	vst v3;
	v3 =	vmov s26  }
0x56: {  	v6 =	vld [tilespmem:s24+$0xFFFFFFF0];
	v7 =	vmul.f32 v7, v5;
	[tilespmem:s24+$0xFFFFFF50] =	vst v10;
	v3 =	vand.u32 $0xFFFFFFFD, v3  }
0x57: {  	[tilespmem:s24+$0xFFFFFF70] =	vst v4;
	v4 =	vmul.f32 v11, v5;
	v10 =	vld [tilespmem:s24+$0x10];
	v3 =	vbroadcast v3, $0x0  }
0x58: {  	[tilespmem:s24+$0xFFFFFF90] =	vst v7;
	v7 =	vmul.f32 v12, v5;
	v0 =	vld.idx.msk [tilespmem:v0+s19+$0x0], $0xffff  }
0x59: {  	v11 =	vld [tilespmem:s24+$0x20];
	[tilespmem:s24+$0xFFFFFFA0] =	vst v4;
	v4 =	vmul.f32 v13, v5  }
0x5a: {  	v12 =	vld [tilespmem:s24+$0x30];
	[tilespmem:s24+$0xFFFFFFB0] =	vst v7;
	v7 =	vmul.f32 v9, v5  }
0x5b: {  	v9 =	vld [tilespmem:s24+$0x40];
	v2 =	vmul.f32 v2, v5;
	[tilespmem:s24+$0xFFFFFFC0] =	vst v4  }
0x5c: {  	v5 =	vmul.f32 v6, v5;
	[tilespmem:s24+$0xFFFFFFD0] =	vst v7;
	v7 =	vld [tilespmem:s24+$0x60]  }
0x5d: {  	[tilespmem:s24+$0xFFFFFFE0] =	vst v2;
	v3 =	vld.idx.msk [tilespmem:v3+s19+$0x0], $0xffff;
	v4 =	vmul.f32 v8, v0  }
0x5e: {  	[tilespmem:s24+$0xFFFFFFF0] =	vst v5;
	v8 =	vld [tilespmem:s24+$0x50];
	v5 =	vmul.f32 v11, v0  }
0x5f: {  	v2 =	vmul.f32 v10, v0;
	v10 =	vld [tilespmem:s24+$0x90];
	[tilespmem:s24+$0x0] =	vst v4  }
0x60: {  	v6 =	vld [tilespmem:s24+$0x80];
	[tilespmem:s24+$0x20] =	vst v5;
	v5 =	vmul.f32 v9, v0  }
0x61: {  	v4 =	vld [tilespmem:s24+$0x70];
	[tilespmem:s24+$0x10] =	vst v2;
	v2 =	vmul.f32 v12, v0  }
0x62: {  	v9 =	vld [tilespmem:s24+$0xA0];
	[tilespmem:s24+$0x40] =	vst v5;
	v5 =	vmul.f32 v7, v0  }
0x63: {  	[tilespmem:s24+$0x30] =	vst v2;
	v7 =	vld [tilespmem:s24+$0xC0];
	v2 =	vmul.f32 v8, v0  }
0x64: {  	v8 =	vld [tilespmem:s24+$0xB0];
	v10 =	vmul.f32 v10, v3;
	[tilespmem:s24+$0x60] =	vst v5  }
0x65: {  	s28 =	simm.s32 $0x7;
	v5 =	vld [tilespmem:s24+$0xE0];
	[tilespmem:s24+$0x50] =	vst v2;
	v2 =	vmul.f32 v6, v3  }
0x66: {  	v11 =	vmov s28;
	v6 =	vld [tilespmem:s24+$0xD0];
	v4 =	vmul.f32 v4, v0;
	[tilespmem:s24+$0x90] =	vst v10  }
0x67: {  	v10 =	vld [tilespmem:s24+$0x150];
	[tilespmem:s24+$0x80] =	vst v2  }
0x68: {  	[tilespmem:s24+$0x70] =	vst v4;
	v2 =	vmul.f32 v9, v3;
	v4 =	vld [tilespmem:s24+$0xF0]  }
0x69: {  	v9 =	vld [tilespmem:s24+$0x100];
	v8 =	vmul.f32 v8, v3  }
0x6a: {  	[tilespmem:s24+$0xA0] =	vst v2;
	v2 =	vmul.f32 v7, v3;
	v7 =	vld [tilespmem:s24+$0x110]  }
0x6b: {  	v0 =	vld.idx.msk [tilespmem:v11+s19+$0x0], $0xffff;
	[tilespmem:s24+$0xB0] =	vst v8;
	v6 =	vmul.f32 v6, v3  }
0x6c: {  	v8 =	vld [tilespmem:s24+$0x120];
	v10 =	vmul.f32 v10, v1;
	[tilespmem:s24+$0xC0] =	vst v2  }
0x6d: {  	s31 =	simm.s32 $0x9;
	v2 =	vmul.f32 v5, v3;
	v5 =	vld [tilespmem:s24+$0x130];
	[tilespmem:s24+$0xD0] =	vst v6;
	v3 =	vmul.f32 v4, v3  }
0x6e: {  	s29 =	simm.s32 $0x8;
	v11 =	vmov s31;
	v4 =	vld [tilespmem:s24+$0x140];
	[tilespmem:s24+$0x150] =	vst v10  }
0x6f: {  	s28 =	simm.s32 $0xA;
	s31 =	simm.s32 $0xD;
	v6 =	vmov s29;
	v9 =	vmul.f32 v9, v1;
	[tilespmem:s24+$0xF0] =	vst v3;
	v3 =	vmul.f32 v7, v1;
	v7 =	vld [tilespmem:s24+$0x160]  }
0x70: {  	s30 =	simm.s32 $0xF;
	v13 =	vld [tilespmem:s24+$0x180];
	v12 =	vmov s28;
	v17 =	vmov s31;
	s29 =	simm.s32 $0xB;
	[tilespmem:s24+$0xE0] =	vst v2;
	v6 =	vand.u32 $0xFFFFFFF8, v6  }
0x71: {  	v16 =	vld [tilespmem:s24+$0x190];
	v2 =	vmov s30;
	s30 =	simm.s32 $0xC;
	[tilespmem:s24+$0x100] =	vst v9;
	v9 =	vmov s29;
	v8 =	vmul.f32 v8, v1  }
0x72: {  	v14 =	vmov s30;
	[tilespmem:s24+$0x110] =	vst v3;
	v15 =	vmul.f32 v5, v1;
	v3 =	vbroadcast v6, $0x0;
	v5 =	vld [tilespmem:s24+$0x1A0]  }
0x73: {  	v6 =	vld [tilespmem:s24+$0x1B0];
	[tilespmem:s24+$0x120] =	vst v8;
	v8 =	vmul.f32 v4, v1;
	v4 =	vand.u32 $0xFFFFFFF9, v11;
	v11 =	vand.u32 $0xFFFFFFFA, v12  }
0x74: {  	v12 =	vand.u32 $0xFFFFFFFB, v9;
	[tilespmem:s24+$0x130] =	vst v15;
	v4 =	vbroadcast v4, $0x0;
	v15 =	vmul.f32 v7, v1;
	v7 =	vld [tilespmem:s24+$0x1C0]  }
0x75: {  	v9 =	vbroadcast v11, $0x0;
	[tilespmem:s24+$0x140] =	vst v8;
	v1 =	vand.u32 $0xFFFFFFFC, v14;
	v14 =	vmul.f32 v13, v0;
	v8 =	vld [tilespmem:s24+$0x1D0]  }
0x76: {  	s25 =	simm.s32 $0x10;
	s26 =	simm.s32 $0xE;
	v10 =	vld [tilespmem:s24+$0x1E0];
	v11 =	vbroadcast v12, $0x0;
	v12 =	vmul.f32 v16, v0;
	v13 =	vand.u32 $0xFFFFFFFD, v17;
	[tilespmem:s24+$0x160] =	vst v15  }
.LBB2_3:
0x77: {  	p1 =	slt.u32 s25, $0xC0;
	v1 =	vbroadcast v1, $0x0;
	v15 =	vmov s26;
	[tilespmem:s24+$0x180] =	vst v14;
	v5 =	vmul.f32 v5, v0;
	v14 =	vld [tilespmem:s24+$0x1F0]  }
0x78: {  	v13 =	vbroadcast v13, $0x0;
	v15 =	vand.u32 $0xFFFFFFFE, v15;
	v16 =	vld.idx.msk [tilespmem:v2+s19+$0x0], $0xffff;
	[tilespmem:s24+$0x190] =	vst v12;
	v2 =	vmul.f32 v6, v0  }
0x79: {  	v6 =	vld.idx.msk [tilespmem:v3+s19+$0x0], $0xffff;
	v12 =	vbroadcast v15, $0x0;
	[tilespmem:s24+$0x1A0] =	vst v5;
	v3 =	vmul.f32 v7, v0  }
0x7a: {  	v5 =	vld.idx.msk [tilespmem:v4+s19+$0x0], $0xffff;
	[tilespmem:s24+$0x1B0] =	vst v2;
	v2 =	vmul.f32 v8, v0  }
0x7b: {  	v7 =	vld.idx.msk [tilespmem:v9+s19+$0x0], $0xffff;
	[tilespmem:s24+$0x1C0] =	vst v3;
	v8 =	vmul.f32 v10, v0  }
0x7c: {  	v4 =	vld.idx.msk [tilespmem:v11+s19+$0x0], $0xffff;
	[tilespmem:s24+$0x1D0] =	vst v2;
	v9 =	vmul.f32 v14, v0  }
0x7d: {  	v3 =	vld.idx.msk [tilespmem:v1+s19+$0x0], $0xffff;
	[tilespmem:s24+$0x1E0] =	vst v8  }
0x7e: {  	v0 =	vmov v16;
	v2 =	vld.idx.msk [tilespmem:v13+s19+$0x0], $0xffff;
	[tilespmem:s24+$0x1F0] =	vst v9  }
0x7f: {  	s24 =	sadd.s32 $0x400, s24;
	v1 =	vld.idx.msk [tilespmem:v12+s19+$0x0], $0xffff  }
0x80: {  	v8 =	vld [tilespmem:s24+$0x170]  }
0x81: {  	v9 =	vld [tilespmem:s24+$0xFFFFFE00]  }
0x82: {  	v10 =	vld [tilespmem:s24+$0xFFFFFE10]  }
0x83: {  	v11 =	vld [tilespmem:s24+$0xFFFFFE20]  }
0x84: {  	v12 =	vld [tilespmem:s24+$0xFFFFFE30]  }
0x85: {  	v13 =	vld [tilespmem:s24+$0xFFFFFE40];
	v8 =	vmul.f32 v8, v1  }
0x86: {  	v9 =	vmul.f32 v9, v6;
	v14 =	vld [tilespmem:s24+$0xFFFFFE50]  }
0x87: {  	v10 =	vmul.f32 v10, v6;
	v15 =	vld [tilespmem:s24+$0xFFFFFE60];
	[tilespmem:s24+$0x170] =	vst v8  }
0x88: {  	[tilespmem:s24+$0xFFFFFE00] =	vst v9;
	v8 =	vmul.f32 v11, v6;
	v9 =	vld [tilespmem:s24+$0xFFFFFE70]  }
0x89: {  	[tilespmem:s24+$0xFFFFFE10] =	vst v10;
	v10 =	vmul.f32 v12, v6;
	v11 =	vld [tilespmem:s24+$0xFFFFFE80]  }
0x8a: {  	[tilespmem:s24+$0xFFFFFE20] =	vst v8;
	v8 =	vmul.f32 v13, v6;
	v12 =	vld [tilespmem:s24+$0xFFFFFE90]  }
0x8b: {  	[tilespmem:s24+$0xFFFFFE30] =	vst v10;
	v10 =	vmul.f32 v14, v6;
	v13 =	vld [tilespmem:s24+$0xFFFFFEA0]  }
0x8c: {  	[tilespmem:s24+$0xFFFFFE40] =	vst v8;
	v8 =	vmul.f32 v15, v6;
	v14 =	vld [tilespmem:s24+$0xFFFFFEB0]  }
0x8d: {  	[tilespmem:s24+$0xFFFFFE50] =	vst v10;
	v6 =	vmul.f32 v9, v6;
	v9 =	vld [tilespmem:s24+$0xFFFFFEC0]  }
0x8e: {  	[tilespmem:s24+$0xFFFFFE60] =	vst v8;
	v8 =	vmul.f32 v11, v5;
	v10 =	vld [tilespmem:s24+$0xFFFFFED0]  }
0x8f: {  	[tilespmem:s24+$0xFFFFFE70] =	vst v6;
	v6 =	vmul.f32 v12, v5;
	v11 =	vld [tilespmem:s24+$0xFFFFFEE0]  }
0x90: {  	[tilespmem:s24+$0xFFFFFE80] =	vst v8;
	v8 =	vmul.f32 v13, v5;
	v12 =	vld [tilespmem:s24+$0xFFFFFEF0]  }
0x91: {  	[tilespmem:s24+$0xFFFFFE90] =	vst v6;
	v6 =	vmul.f32 v14, v5;
	v13 =	vld [tilespmem:s24+$0xFFFFFF00]  }
0x92: {  	[tilespmem:s24+$0xFFFFFEA0] =	vst v8;
	v8 =	vmul.f32 v9, v5;
	v9 =	vld [tilespmem:s24+$0xFFFFFF10]  }
0x93: {  	[tilespmem:s24+$0xFFFFFEB0] =	vst v6;
	v6 =	vmul.f32 v10, v5;
	v10 =	vld [tilespmem:s24+$0xFFFFFF20]  }
0x94: {  	[tilespmem:s24+$0xFFFFFEC0] =	vst v8;
	v8 =	vmul.f32 v11, v5;
	v11 =	vld [tilespmem:s24+$0xFFFFFF30]  }
0x95: {  	[tilespmem:s24+$0xFFFFFED0] =	vst v6;
	v5 =	vmul.f32 v12, v5;
	v6 =	vld [tilespmem:s24+$0xFFFFFF40]  }
0x96: {  	[tilespmem:s24+$0xFFFFFEE0] =	vst v8;
	v8 =	vmul.f32 v13, v7;
	v12 =	vld [tilespmem:s24+$0xFFFFFF50]  }
0x97: {  	[tilespmem:s24+$0xFFFFFEF0] =	vst v5;
	v5 =	vmul.f32 v9, v7;
	v9 =	vld [tilespmem:s24+$0xFFFFFF60]  }
0x98: {  	[tilespmem:s24+$0xFFFFFF00] =	vst v8;
	v8 =	vmul.f32 v10, v7;
	v10 =	vld [tilespmem:s24+$0xFFFFFF70]  }
0x99: {  	[tilespmem:s24+$0xFFFFFF10] =	vst v5;
	v5 =	vmul.f32 v11, v7;
	v11 =	vld [tilespmem:s24+$0xFFFFFF80]  }
0x9a: {  	[tilespmem:s24+$0xFFFFFF20] =	vst v8;
	v6 =	vmul.f32 v6, v7;
	v8 =	vld [tilespmem:s24+$0xFFFFFF90]  }
0x9b: {  	[tilespmem:s24+$0xFFFFFF30] =	vst v5;
	v5 =	vmul.f32 v12, v7;
	v12 =	vld [tilespmem:s24+$0xFFFFFFA0]  }
0x9c: {  	[tilespmem:s24+$0xFFFFFF40] =	vst v6;
	v6 =	vmul.f32 v9, v7;
	v9 =	vld [tilespmem:s24+$0xFFFFFFB0]  }
0x9d: {  	[tilespmem:s24+$0xFFFFFF50] =	vst v5;
	v5 =	vmul.f32 v10, v7;
	v7 =	vld [tilespmem:s24+$0xFFFFFFC0]  }
0x9e: {  	[tilespmem:s24+$0xFFFFFF60] =	vst v6;
	v6 =	vmul.f32 v11, v4;
	v10 =	vld [tilespmem:s24+$0xFFFFFFD0]  }
0x9f: {  	[tilespmem:s24+$0xFFFFFF70] =	vst v5;
	v5 =	vmul.f32 v8, v4;
	v8 =	vld [tilespmem:s24+$0xFFFFFFE0]  }
0xa0: {  	[tilespmem:s24+$0xFFFFFF80] =	vst v6;
	v6 =	vmul.f32 v12, v4;
	v11 =	vld [tilespmem:s24+$0xFFFFFFF0]  }
0xa1: {  	[tilespmem:s24+$0xFFFFFF90] =	vst v5;
	v5 =	vmul.f32 v9, v4;
	v9 =	vld [tilespmem:s24+$0x0]  }
0xa2: {  	[tilespmem:s24+$0xFFFFFFA0] =	vst v6;
	v6 =	vmul.f32 v7, v4;
	v7 =	vld [tilespmem:s24+$0x10]  }
0xa3: {  	[tilespmem:s24+$0xFFFFFFB0] =	vst v5;
	v5 =	vmul.f32 v10, v4;
	v10 =	vld [tilespmem:s24+$0x20]  }
0xa4: {  	[tilespmem:s24+$0xFFFFFFC0] =	vst v6;
	v6 =	vmul.f32 v8, v4;
	v8 =	vld [tilespmem:s24+$0x30]  }
0xa5: {  	[tilespmem:s24+$0xFFFFFFD0] =	vst v5;
	v4 =	vmul.f32 v11, v4;
	v5 =	vld [tilespmem:s24+$0x40]  }
0xa6: {  	[tilespmem:s24+$0xFFFFFFE0] =	vst v6;
	v6 =	vmul.f32 v9, v3;
	v9 =	vld [tilespmem:s24+$0x50]  }
0xa7: {  	[tilespmem:s24+$0xFFFFFFF0] =	vst v4;
	v4 =	vmul.f32 v7, v3;
	v7 =	vld [tilespmem:s24+$0x60]  }
0xa8: {  	[tilespmem:s24+$0x0] =	vst v6;
	v6 =	vmul.f32 v10, v3;
	v10 =	vld [tilespmem:s24+$0x70]  }
0xa9: {  	[tilespmem:s24+$0x10] =	vst v4;
	v4 =	vmul.f32 v8, v3;
	v8 =	vld [tilespmem:s24+$0x80]  }
0xaa: {  	[tilespmem:s24+$0x20] =	vst v6;
	v5 =	vmul.f32 v5, v3;
	v6 =	vld [tilespmem:s24+$0x90]  }
0xab: {  	[tilespmem:s24+$0x30] =	vst v4;
	v4 =	vmul.f32 v9, v3;
	v9 =	vld [tilespmem:s24+$0xA0]  }
0xac: {  	[tilespmem:s24+$0x40] =	vst v5;
	v5 =	vmul.f32 v7, v3;
	v7 =	vld [tilespmem:s24+$0xB0]  }
0xad: {  	[tilespmem:s24+$0x50] =	vst v4;
	v3 =	vmul.f32 v10, v3;
	v4 =	vld [tilespmem:s24+$0xC0]  }
0xae: {  	[tilespmem:s24+$0x60] =	vst v5;
	v5 =	vmul.f32 v8, v2;
	v8 =	vld [tilespmem:s24+$0xD0]  }
0xaf: {  	[tilespmem:s24+$0x70] =	vst v3;
	v3 =	vmul.f32 v6, v2;
	v6 =	vld [tilespmem:s24+$0xE0]  }
0xb0: {  	[tilespmem:s24+$0x80] =	vst v5;
	v5 =	vmul.f32 v9, v2;
	v9 =	vld [tilespmem:s24+$0xF0]  }
0xb1: {  	[tilespmem:s24+$0x90] =	vst v3;
	v3 =	vmul.f32 v7, v2;
	v7 =	vld [tilespmem:s24+$0x100]  }
0xb2: {  	[tilespmem:s24+$0xA0] =	vst v5;
	v4 =	vmul.f32 v4, v2;
	v5 =	vld [tilespmem:s24+$0x110]  }
0xb3: {  	[tilespmem:s24+$0xB0] =	vst v3;
	v3 =	vmul.f32 v8, v2;
	v8 =	vld [tilespmem:s24+$0x120]  }
0xb4: {  	[tilespmem:s24+$0xC0] =	vst v4;
	v4 =	vmul.f32 v6, v2;
	v6 =	vld [tilespmem:s24+$0x130]  }
0xb5: {  	[tilespmem:s24+$0xD0] =	vst v3;
	v3 =	vmul.f32 v9, v2;
	v9 =	vld [tilespmem:s24+$0x140]  }
0xb6: {  	s26 =	sadd.s32 $0x7, s25;
	v2 =	vmov s25;
	[tilespmem:s24+$0xE0] =	vst v4;
	v4 =	vmul.f32 v7, v1;
	v7 =	vld [tilespmem:s24+$0x150]  }
0xb7: {  	s28 =	sadd.s32 $0x1, s25;
	s29 =	sadd.s32 $0x2, s25;
	v10 =	vand.u32 $0xFFFFFFF8, v2;
	v2 =	vmov s26;
	[tilespmem:s24+$0xF0] =	vst v3;
	v3 =	vmul.f32 v5, v1;
	v11 =	vld [tilespmem:s24+$0x160]  }
0xb8: {  	v13 =	vmov s29;
	v12 =	vmov s28;
	s28 =	sadd.s32 $0x4, s25;
	s26 =	sadd.s32 $0x3, s25;
	[tilespmem:s24+$0x100] =	vst v4;
	v4 =	vmul.f32 v8, v1;
	v8 =	vld [tilespmem:s24+$0x180]  }
0xb9: {  	v15 =	vmov s28;
	v14 =	vmov s26;
	s26 =	sadd.s32 $0x5, s25;
	[tilespmem:s24+$0x110] =	vst v3;
	v6 =	vmul.f32 v6, v1;
	v16 =	vld [tilespmem:s24+$0x190]  }
.Ltmp0:
0xba: {  	v3 =	vbroadcast v10, $0x0;
	v10 =	vmov s26;
	[tilespmem:s24+$0x120] =	vst v4;
	v9 =	vmul.f32 v9, v1;
	v5 =	vld [tilespmem:s24+$0x1A0];
	(pc) =	sbr.rel @p1 .LBB2_3-.Ltmp0, $4  }
0xbb: {  	v4 =	vand.u32 $0xFFFFFFF9, v12;
	v12 =	vand.u32 $0xFFFFFFFA, v13;
	[tilespmem:s24+$0x130] =	vst v6;
	v13 =	vmul.f32 v7, v1;
	v6 =	vld [tilespmem:s24+$0x1B0]  }
0xbc: {  	v17 =	vand.u32 $0xFFFFFFFB, v14;
	v4 =	vbroadcast v4, $0x0;
	[tilespmem:s24+$0x140] =	vst v9;
	v18 =	vmul.f32 v11, v1;
	v7 =	vld [tilespmem:s24+$0x1C0]  }
0xbd: {  	v9 =	vbroadcast v12, $0x0;
	v1 =	vand.u32 $0xFFFFFFFC, v15;
	[tilespmem:s24+$0x150] =	vst v13;
	v14 =	vmul.f32 v8, v0;
	v8 =	vld [tilespmem:s24+$0x1D0]  }
0xbe: {  	s26 =	sadd.s32 $0x6, s25;
	s25 =	sadd.s32 $0x8, s25;
	v11 =	vbroadcast v17, $0x0;
	v13 =	vand.u32 $0xFFFFFFFD, v10;
	[tilespmem:s24+$0x160] =	vst v18;
	v12 =	vmul.f32 v16, v0;
	v10 =	vld [tilespmem:s24+$0x1E0]  }
0xbf: {  	_ =	sdelay $0x2  }
0xc0: {  	v15 =	vld [tilespmem:s24+$0x1F0]  }
0xc1: {  	v34 =	vbroadcast v1, $0x0;
	v1 =	vld.idx.msk [tilespmem:v2+s19+$0x0], $0xffff  }
0xc2: {  	v17 =	vld.idx.msk [tilespmem:v3+s19+$0x0], $0xffff  }
0xc3: {  	v37 =	vld.idx.msk [tilespmem:v4+s19+$0x0], $0xffff  }
0xc4: {  	v9 =	vld.idx.msk [tilespmem:v9+s19+$0x0], $0xffff  }
0xc5: {  	s25 =	sadd.s32 $0x400, s24;
	v11 =	vld.idx.msk [tilespmem:v11+s19+$0x0], $0xffff  }
0xc6: {  	v40 =	vld [tilespmem:s25+$0xFFFFFE00]  }
0xc7: {  	v42 =	vld [tilespmem:s25+$0xFFFFFE10]  }
0xc8: {  	[tilespmem:s24+$0x180] =	vst v14;
	v5 =	vmul.f32 v5, v0;
	v44 =	vld [tilespmem:s25+$0xFFFFFE20]  }
0xc9: {  	[tilespmem:s24+$0x190] =	vst v12;
	v6 =	vmul.f32 v6, v0;
	v46 =	vld [tilespmem:s25+$0xFFFFFE30]  }
0xca: {  	v47 =	vld [tilespmem:s25+$0xFFFFFE40];
	[tilespmem:s24+$0x1A0] =	vst v5;
	v39 =	vmul.f32 v7, v0  }
0xcb: {  	v49 =	vld [tilespmem:s25+$0xFFFFFE50];
	[tilespmem:s24+$0x1B0] =	vst v6;
	v41 =	vmul.f32 v8, v0  }
0xcc: {  	v50 =	vld [tilespmem:s25+$0xFFFFFE60];
	[tilespmem:s24+$0x1C0] =	vst v39;
	v43 =	vmul.f32 v10, v0  }
0xcd: {  	v52 =	vld [tilespmem:s25+$0xFFFFFE70];
	[tilespmem:s24+$0x1D0] =	vst v41;
	v45 =	vmul.f32 v15, v0  }
0xce: {  	v53 =	vld [tilespmem:s25+$0xFFFFFE80];
	[tilespmem:s24+$0x1E0] =	vst v43;
	v48 =	vmul.f32 v40, v17  }
0xcf: {  	v55 =	vld [tilespmem:s25+$0xFFFFFE90];
	v8 =	vmul.f32 v42, v17;
	[tilespmem:s24+$0x1F0] =	vst v45  }
0xd0: {  	v57 =	vld [tilespmem:s25+$0xFFFFFEA0];
	v51 =	vmul.f32 v44, v17;
	[tilespmem:s25+$0xFFFFFE00] =	vst v48  }
0xd1: {  	v59 =	vld [tilespmem:s25+$0xFFFFFEB0];
	v6 =	vmul.f32 v46, v17;
	[tilespmem:s25+$0xFFFFFE10] =	vst v8  }
0xd2: {  	v61 =	vld [tilespmem:s25+$0xFFFFFEC0];
	v54 =	vmul.f32 v47, v17;
	[tilespmem:s25+$0xFFFFFE20] =	vst v51  }
0xd3: {  	v63 =	vld [tilespmem:s25+$0xFFFFFED0];
	v56 =	vmul.f32 v49, v17;
	[tilespmem:s25+$0xFFFFFE30] =	vst v6  }
0xd4: {  	v19 =	vld [tilespmem:s25+$0xFFFFFEF0];
	v58 =	vmul.f32 v50, v17;
	[tilespmem:s25+$0xFFFFFE40] =	vst v54  }
0xd5: {  	v21 =	vld [tilespmem:s25+$0xFFFFFF00];
	v60 =	vmul.f32 v52, v17;
	[tilespmem:s25+$0xFFFFFE50] =	vst v56  }
0xd6: {  	v23 =	vld [tilespmem:s25+$0xFFFFFF10];
	v62 =	vmul.f32 v53, v37;
	[tilespmem:s25+$0xFFFFFE60] =	vst v58  }
0xd7: {  	v25 =	vld [tilespmem:s25+$0xFFFFFF20];
	v5 =	vmul.f32 v55, v37;
	[tilespmem:s25+$0xFFFFFE70] =	vst v60  }
0xd8: {  	v27 =	vld [tilespmem:s25+$0xFFFFFF30];
	v18 =	vmul.f32 v57, v37;
	[tilespmem:s25+$0xFFFFFE80] =	vst v62  }
0xd9: {  	v13 =	vbroadcast v13, $0x0;
	v31 =	vld [tilespmem:s25+$0xFFFFFF50];
	v20 =	vmul.f32 v59, v37;
	[tilespmem:s25+$0xFFFFFE90] =	vst v5  }
0xda: {  	v35 =	vmov s26;
	v33 =	vld [tilespmem:s25+$0xFFFFFF60];
	v22 =	vmul.f32 v61, v37;
	[tilespmem:s25+$0xFFFFFEA0] =	vst v18  }
0xdb: {  	v16 =	vand.u32 $0xFFFFFFFE, v35;
	v35 =	vld [tilespmem:s25+$0xFFFFFF70];
	v24 =	vmul.f32 v63, v37;
	[tilespmem:s25+$0xFFFFFEB0] =	vst v20  }
0xdc: {  	v39 =	vld [tilespmem:s25+$0xFFFFFF90];
	v28 =	vmul.f32 v19, v37;
	[tilespmem:s25+$0xFFFFFEC0] =	vst v22  }
0xdd: {  	v36 =	vbroadcast v16, $0x0;
	v41 =	vld [tilespmem:s25+$0xFFFFFFA0];
	v30 =	vmul.f32 v21, v9;
	[tilespmem:s25+$0xFFFFFED0] =	vst v24  }
0xde: {  	v4 =	vld.idx.msk [tilespmem:v34+s19+$0x0], $0xffff;
	v32 =	vmul.f32 v23, v9;
	[tilespmem:s25+$0xFFFFFEF0] =	vst v28  }
0xdf: {  	v3 =	vld.idx.msk [tilespmem:v13+s19+$0x0], $0xffff;
	v34 =	vmul.f32 v25, v9;
	[tilespmem:s25+$0xFFFFFF00] =	vst v30  }
0xe0: {  	v17 =	vld [tilespmem:s25+$0xFFFFFEE0];
	v40 =	vmul.f32 v31, v9;
	[tilespmem:s25+$0xFFFFFF10] =	vst v32  }
0xe1: {  	v42 =	vmul.f32 v33, v9;
	v43 =	vld [tilespmem:s25+$0xFFFFFFB0];
	[tilespmem:s25+$0xFFFFFF20] =	vst v34  }
0xe2: {  	v44 =	vmul.f32 v35, v9;
	v47 =	vld [tilespmem:s25+$0xFFFFFFD0];
	[tilespmem:s25+$0xFFFFFF50] =	vst v40  }
0xe3: {  	v2 =	vld.idx.msk [tilespmem:v36+s19+$0x0], $0xffff;
	v36 =	vmul.f32 v27, v9;
	[tilespmem:s25+$0xFFFFFF60] =	vst v42  }
0xe4: {  	v49 =	vld [tilespmem:s25+$0xFFFFFFE0];
	[tilespmem:s25+$0xFFFFFF70] =	vst v44;
	v48 =	vmul.f32 v39, v11  }
0xe5: {  	v53 =	vld [tilespmem:s25+$0x0];
	[tilespmem:s25+$0xFFFFFF30] =	vst v36;
	v50 =	vmul.f32 v41, v11  }
0xe6: {  	v57 =	vld [tilespmem:s25+$0x20];
	v26 =	vmul.f32 v17, v37;
	[tilespmem:s25+$0xFFFFFF90] =	vst v48  }
0xe7: {  	v59 =	vld [tilespmem:s25+$0x30];
	v52 =	vmul.f32 v43, v11;
	[tilespmem:s25+$0xFFFFFFA0] =	vst v50  }
0xe8: {  	v61 =	vld [tilespmem:s25+$0x40];
	v56 =	vmul.f32 v47, v11;
	[tilespmem:s25+$0xFFFFFEE0] =	vst v26  }
0xe9: {  	v63 =	vld [tilespmem:s25+$0x50];
	v58 =	vmul.f32 v49, v11;
	[tilespmem:s25+$0xFFFFFFB0] =	vst v52  }
0xea: {  	v13 =	vld [tilespmem:s25+$0x60];
	v62 =	vmul.f32 v53, v4;
	[tilespmem:s25+$0xFFFFFFD0] =	vst v56  }
0xeb: {  	v19 =	vld [tilespmem:s25+$0x90];
	v14 =	vmul.f32 v57, v4;
	[tilespmem:s25+$0xFFFFFFE0] =	vst v58  }
0xec: {  	v23 =	vld [tilespmem:s25+$0xB0];
	v16 =	vmul.f32 v59, v4;
	[tilespmem:s25+$0x0] =	vst v62  }
0xed: {  	v45 =	vld [tilespmem:s25+$0xFFFFFFC0];
	v18 =	vmul.f32 v61, v4;
	[tilespmem:s25+$0x20] =	vst v14  }
0xee: {  	v38 =	vld [tilespmem:s25+$0x170];
	v20 =	vmul.f32 v63, v4;
	[tilespmem:s25+$0x30] =	vst v16  }
0xef: {  	v29 =	vld [tilespmem:s25+$0xFFFFFF40];
	v22 =	vmul.f32 v13, v4;
	[tilespmem:s25+$0x40] =	vst v18  }
0xf0: {  	v51 =	vld [tilespmem:s25+$0xFFFFFFF0];
	v27 =	vmul.f32 v19, v3;
	[tilespmem:s25+$0x50] =	vst v20  }
0xf1: {  	v21 =	vld [tilespmem:s25+$0xA0];
	v31 =	vmul.f32 v23, v3;
	[tilespmem:s25+$0x60] =	vst v22  }
0xf2: {  	v24 =	vld [tilespmem:s25+$0xC0];
	v54 =	vmul.f32 v45, v11;
	[tilespmem:s25+$0x90] =	vst v27  }
0xf3: {  	v32 =	vld [tilespmem:s25+$0x100];
	v12 =	vmul.f32 v38, v2;
	[tilespmem:s25+$0xB0] =	vst v31  }
0xf4: {  	v34 =	vld [tilespmem:s25+$0x110];
	v38 =	vmul.f32 v29, v9;
	[tilespmem:s25+$0xFFFFFFC0] =	vst v54  }
0xf5: {  	v39 =	vld [tilespmem:s25+$0x140];
	v60 =	vmul.f32 v51, v11;
	[tilespmem:s25+$0x170] =	vst v12  }
0xf6: {  	v55 =	vld [tilespmem:s25+$0x10];
	v29 =	vmul.f32 v21, v3;
	[tilespmem:s25+$0xFFFFFF40] =	vst v38  }
0xf7: {  	v15 =	vld [tilespmem:s25+$0x70];
	v33 =	vmul.f32 v24, v3;
	[tilespmem:s25+$0xFFFFFFF0] =	vst v60  }
0xf8: {  	v36 =	vld [tilespmem:s25+$0x120];
	v40 =	vmul.f32 v32, v2;
	[tilespmem:s25+$0xA0] =	vst v29  }
0xf9: {  	v41 =	vld [tilespmem:s25+$0x150];
	v42 =	vmul.f32 v34, v2;
	[tilespmem:s25+$0xC0] =	vst v33  }
0xfa: {  	v37 =	vld [tilespmem:s25+$0xFFFFFF80];
	v48 =	vmul.f32 v39, v2;
	[tilespmem:s25+$0x100] =	vst v40  }
0xfb: {  	v17 =	vld [tilespmem:s25+$0x80];
	v12 =	vmul.f32 v55, v4;
	[tilespmem:s25+$0x110] =	vst v42  }
0xfc: {  	v28 =	vld [tilespmem:s25+$0xE0];
	v4 =	vmul.f32 v15, v4;
	[tilespmem:s25+$0x140] =	vst v48  }
0xfd: {  	v43 =	vld [tilespmem:s25+$0x160];
	v44 =	vmul.f32 v36, v2;
	[tilespmem:s25+$0x10] =	vst v12  }
0xfe: {  	v47 =	vld [tilespmem:s25+$0x190];
	v50 =	vmul.f32 v41, v2;
	[tilespmem:s25+$0x70] =	vst v4  }
0xff: {  	v49 =	vld [tilespmem:s25+$0x1A0];
	v46 =	vmul.f32 v37, v11;
	[tilespmem:s25+$0x120] =	vst v44  }
0x100: {  	v57 =	vld [tilespmem:s25+$0x1E0];
	v25 =	vmul.f32 v17, v3;
	[tilespmem:s25+$0x150] =	vst v50  }
0x101: {  	v59 =	vld [tilespmem:s25+$0x1F0];
	v37 =	vmul.f32 v28, v3;
	[tilespmem:s25+$0xFFFFFF80] =	vst v46  }
0x102: {  	v45 =	vld [tilespmem:s25+$0x180];
	v52 =	vmul.f32 v43, v2;
	[tilespmem:s25+$0x80] =	vst v25  }
0x103: {  	v26 =	vld [tilespmem:s25+$0xD0];
	v56 =	vmul.f32 v47, v1;
	[tilespmem:s25+$0xE0] =	vst v37  }
0x104: {  	v30 =	vld [tilespmem:s25+$0xF0];
	v58 =	vmul.f32 v49, v1;
	[tilespmem:s25+$0x160] =	vst v52  }
0x105: {  	v51 =	vld [tilespmem:s25+$0x1B0];
	v62 =	vmul.f32 v57, v1;
	[tilespmem:s25+$0x190] =	vst v56  }
0x106: {  	v38 =	vld [tilespmem:s25+$0x130];
	v63 =	vmul.f32 v59, v1;
	[tilespmem:s25+$0x1A0] =	vst v58  }
0x107: {  	v53 =	vld [tilespmem:s25+$0x1C0];
	v54 =	vmul.f32 v45, v1;
	[tilespmem:s25+$0x1E0] =	vst v62  }
0x108: {  	v55 =	vld [tilespmem:s25+$0x1D0];
	v35 =	vmul.f32 v26, v3;
	[tilespmem:s25+$0x1F0] =	vst v63  }
0x109: {  	v3 =	vmul.f32 v30, v3;
	[tilespmem:s25+$0x180] =	vst v54  }
0x10a: {  	v60 =	vmul.f32 v51, v1;
	[tilespmem:s25+$0xD0] =	vst v35  }
0x10b: {  	[tilespmem:s25+$0xF0] =	vst v3;
	v46 =	vmul.f32 v38, v2  }
0x10c: {  	v2 =	vmul.f32 v53, v1;
	[tilespmem:s25+$0x1B0] =	vst v60  }
0x10d: {  	s23 =	sadd.s32 $0x1, s23;
	v61 =	vmul.f32 v55, v1;
	[tilespmem:s25+$0x130] =	vst v46  }
0x10e: {  	p1 =	sne.s32 s23, $0x64;
	[tilespmem:s25+$0x1C0] =	vst v2  }
.Ltmp1:
0x10f: {  	[tilespmem:s25+$0x1D0] =	vst v61;
	(pc) =	sbr.rel @p1 .LBB2_2-.Ltmp1, $4  }
0x110: {  	[spmem:s2] =	stream.indirect.scatter.add.f32 [tilespmem:s21], [sflag:$0x2], $0x80, s18, s20, $0xb8;
	[tilespmem:$0x19F80] =	vst v63  }
0x111: {  	_ =	swait.ge [sflag:s16], $0x6400  }
0x112: {  	[sflag:s16] =	ssyncset.done $0x0  }
0x113: {  	[sflag:s16] =	ssyncadd.s32 $0xFFFF9C00  }
0x114: {  	[bflag:$0x0] =	sbarrier.arrive $0xFFFF  }
0x115: {  	[hbm:s12], [sflag:s9] =	dma.local [spmem:s15], $0x2700  }
0x116: {  	s3 =	sadd.s32 $0x1, s3;
	_ =	swait.ge [sflag:s16], $0x2700  }
0x117: {  	p1 =	sne.s32 s3, s14;
	[sflag:s16] =	ssyncset.done $0x0  }
.Ltmp2:
0x118: {  	s23 =	simm.s32 @!p0 $0x2;
	[sflag:s16] =	ssyncadd.s32 $0xFFFFD900;
	(pc) =	sbr.rel @p1 .LBB2_1-.Ltmp2, $4  }
0x119: {  	[hbm:s13], [sflag:s9] =	dma.local @!p0 [spmem:s17], $0x100  }
0x11a: {  	_ =	swait.ge @!p0 [sflag:s23], $0x100  }
0x11b: {  	[sflag:s23] =	ssyncset.done @!p0 $0x0  }
0x11c: {  	[sflag:s23] =	ssyncadd.s32 @!p0 $0xFFFFFF00  }
0x11d: {  	_ =	sfence.sel $0x180000  }
0x11e: {  	[bflag:$0x0] =	sbarrier.arrive $0xFFFF  }
0x11f: {  	_ =	strace $0x9000004D  }
0x120: {  	s0 =	sadd.s32 @!p0 $0x100000, s0;
	[bflag:$0x2] =	sbarrier.arrive $0xFFFF  }
0x121: {  	[sflag:s0] =	ssyncadd.tile.s32 @!p0 $0x1;
	_ =	shalt  }
.Lfunc_end2:
_tile_overlayer_lowered:
.L_overlay_start_2:
0x122: {  	(tag) =	ssettag $0x2  }
0x123: {  	s0 =	rddreg [dreg:$0x0];
	s2 =	stileid.u32  }
0x124: {  	s1 =	rddreg [dreg:$0x1];
	p0 =	sne.s32 s2, $0x0  }
0x125: {  	s3 =	rddreg [dreg:$0x2];
	[bflag:$0x3] =	sbarrier.arrive $0xFFFF;
	s2 =	simm.s32 @!p0 $0x1C02  }
0x126: {  	[timem:s3], [sflag:s2] =	dma.local @!p0 [hbm:s0], s1  }
0x127: {  	s0 =	simm.s32 @!p0 $0x2  }
0x128: {  	_ =	swait.ge @!p0 [sflag:s0], s1  }
0x129: {  	s1 =	ssub.s32 @!p0 $0x0, s1;
	[sflag:s0] =	ssyncset.done @!p0 $0x0  }
0x12a: {  	[sflag:s0] =	ssyncadd.s32 @!p0 s1  }
0x12b: {  	[bflag:$0x3] =	sbarrier.arrive $0xFFFF  }
0x12c: {  	_ =	shalt  }

// kernel: kernel.19.cloned.1.call-start
scs
__scs_entry_jumppad:
0x0: {  	(pc) =	sbr.rel $0x88, $3  }
0x1: {  	(tag) =	ssettag $0x0;
	lr =	simm.s32 $0x1  }
0x2: {  	[smem:$0x3F90] =	sst lr;
	_ =	strace $0xD0000000  }
0x3: {  	_ = 	snop  }
0x4: {  	_ = 	snop  }
0x5: {  	_ = 	snop  }
0x6: {  	_ = 	snop  }
0x7: {  	_ = 	snop  }
__scs_overlays_trampoline_lowered:
0x8: {  	[smem:$0x3F9F] =	sst s0  }
0x9: {  	[smem:$0x3FA0] =	sst s1  }
0xa: {  	[smem:$0x3FA1] =	sst s2  }
0xb: {  	[smem:$0x3FA2] =	sst s3  }
0xc: {  	[smem:$0x3FA3] =	sst s4  }
0xd: {  	[smem:$0x3FA4] =	sst s5  }
0xe: {  	[smem:$0x3FA5] =	sst s6  }
0xf: {  	[smem:$0x3FA6] =	sst s7  }
0x10: {  	[smem:$0x3FA7] =	sst s8  }
0x11: {  	[smem:$0x3FA8] =	sst s9;
	s0 =	simm.s32 @!p0 $0x0  }
0x12: {  	s1 =	sld [smem:$0x3F8E];
	s0 =	simm.s32 @p0 $0x1  }
0x13: {  	[smem:$0x3FA9] =	sst s0;
	s0 =	simm.s32 @!p1 $0x0  }
0x14: {  	s2 =	sld [smem:$0x3F8D];
	s0 =	simm.s32 @p1 $0x1  }
0x15: {  	[smem:$0x3FAA] =	sst s0;
	s0 =	simm.s32 @!p2 $0x0  }
0x16: {  	s3 =	sld [smem:$0x3FDB];
	s0 =	simm.s32 @p2 $0x1  }
0x17: {  	s4 =	simm.s32 $0x1BF5;
	[smem:$0x3FAC] =	sst s0  }
0x18: {  	s0 =	sld [smem:$0x3F8F];
	_ =	swait.ge [sflag:s4], $0x0  }
0x19: {  	s7 =	sld [smem:$0x3F90]  }
0x1a: {  	s8 =	sadd.s32 $0xFFFFE003, lr  }
0x1b: {  	s9 =	sadd.s32 $0xFFFFFEF7, lr;
	s5 =	simm.s32 $0xFFFFFFFF;
	p2 =	slt.u32 s8, $0xFFFFF086  }
0x1c: {  	p1 =	slt.u32 s9, $0xF7A;
	s5 =	simm.s32 @!p2 $0x0  }
0x1d: {  	s5 =	simm.s32 @p1 $0x1;
	p0 =	seq.s32 s7, s2  }
0x1e: {  	s7 =	smul.u32 @!p0 $0xF7A, s2;
	p2 =	seq.s32 @!p0 s5, $0x0  }
0x1f: {  	s9 =	smul.u32 $0xF7A, s1;
	s8 =	simm.s32 @!p0 $0x1BF5;
	p2 =	por !p2, p0  }
0x20: {  	[sflag:s8] =	ssyncset.s32 @!p0 $0xFFFFF086;
	s6 =	sadd.s32 @!p0 s3, s7;
	s7 =	simm.s32 @!p0 $0x108  }
0x21: {  	s3 =	sadd.s32 s3, s9;
	s6 =	sadd.s32 @!p0 $0x88, s6;
	s7 =	simm.s32 @p2 $0x1082  }
0x22: {  	[simem:s7], [sflag:s8] =	dma.local @!p0 [hbm:s6], $0xF7A  }
0x23: {  	s9 =	sor.u32 $0xD0000000, s2;
	s6 =	simm.s32 $0x108;
	_ =	swait.ge @!p0 [sflag:s8], $0x0  }
0x24: {  	s3 =	sadd.s32 $0x88, s3;
	s6 =	simm.s32 @!p1 $0x1082;
	[sflag:s4] =	ssyncset.s32 $0xFFFFF086  }
0x25: {  	[simem:s6], [sflag:s4] =	dma.local [hbm:s3], $0xF7A  }
0x26: {  	[smem:$0x3F90] =	sst s1;
	(tag) =	ssettag s2;
	_ =	strace s9  }
0x27: {  	s1 =	sld [smem:$0x3FA0]  }
0x28: {  	s2 =	sld [smem:$0x3FA1]  }
0x29: {  	s4 =	sld [smem:$0x3FA3]  }
0x2a: {  	p0 =	seq.s32 s5, $0x0;
	s5 =	sld [smem:$0x3FA4]  }
0x2b: {  	s6 =	sld [smem:$0x3FA5]  }
0x2c: {  	s7 =	sld [smem:$0x3FA6]  }
0x2d: {  	s3 =	simm.s32 $0x108;
	s8 =	sld [smem:$0x3FA7]  }
0x2e: {  	s3 =	simm.s32 @!p0 $0x1082;
	s9 =	sld [smem:$0x3FA8]  }
0x2f: {  	lr =	sadd.s32 s0, s3;
	s0 =	sld [smem:$0x3F9F]  }
0x30: {  	s3 =	sld [smem:$0x3FA2]  }
0x31: {  	[smem:$0x3FAB] =	sst s10  }
0x32: {  	s10 =	sld [smem:$0x3FA9];
	_ =	sdelay $0x3  }
0x33: {  	p0 =	seq.s32 s10, $0x1;
	s10 =	sld [smem:$0x3FAB];
	_ =	sdelay $0x3  }
0x34: {  	[smem:$0x3FAB] =	sst s10  }
0x35: {  	s10 =	sld [smem:$0x3FAA];
	_ =	sdelay $0x3  }
0x36: {  	p1 =	seq.s32 s10, $0x1;
	s10 =	sld [smem:$0x3FAB];
	_ =	sdelay $0x3  }
0x37: {  	[smem:$0x3FAB] =	sst s10  }
0x38: {  	s10 =	sld [smem:$0x3FAC]  }
0x39: {  	_ = 	snop;
	(pc) =	sbr.ind lr, $3  }
0x3a: {  	_ = 	snop  }
0x3b: {  	_ = 	snop  }
0x3c: {  	p2 =	seq.s32 s10, $0x1;
	s10 =	sld [smem:$0x3FAB]  }
0x3d: {  	_ =	shalt  }
0x3e: {  	_ =	shalt  }
0x3f: {  	_ =	shalt  }
0x40: {  	_ =	shalt  }
0x41: {  	_ =	shalt  }
0x42: {  	_ =	shalt  }
0x43: {  	_ =	shalt  }
0x44: {  	_ =	shalt  }
0x45: {  	_ =	shalt  }
0x46: {  	_ =	shalt  }
0x47: {  	_ =	shalt  }
0x48: {  	_ =	shalt  }
0x49: {  	_ =	shalt  }
0x4a: {  	_ =	shalt  }
0x4b: {  	_ =	shalt  }
0x4c: {  	_ =	shalt  }
0x4d: {  	_ =	shalt  }
0x4e: {  	_ =	shalt  }
0x4f: {  	_ =	shalt  }
0x50: {  	_ =	shalt  }
0x51: {  	_ =	shalt  }
0x52: {  	_ =	shalt  }
0x53: {  	_ =	shalt  }
0x54: {  	_ =	shalt  }
0x55: {  	_ =	shalt  }
0x56: {  	_ =	shalt  }
0x57: {  	_ =	shalt  }
0x58: {  	_ =	shalt  }
0x59: {  	_ =	shalt  }
0x5a: {  	_ =	shalt  }
0x5b: {  	_ =	shalt  }
0x5c: {  	_ =	shalt  }
0x5d: {  	_ =	shalt  }
0x5e: {  	_ =	shalt  }
0x5f: {  	_ =	shalt  }
0x60: {  	_ =	shalt  }
0x61: {  	_ =	shalt  }
0x62: {  	_ =	shalt  }
0x63: {  	_ =	shalt  }
0x64: {  	_ =	shalt  }
0x65: {  	_ =	shalt  }
0x66: {  	_ =	shalt  }
0x67: {  	_ =	shalt  }
0x68: {  	_ =	shalt  }
0x69: {  	_ =	shalt  }
0x6a: {  	_ =	shalt  }
0x6b: {  	_ =	shalt  }
0x6c: {  	_ =	shalt  }
0x6d: {  	_ =	shalt  }
0x6e: {  	_ =	shalt  }
0x6f: {  	_ =	shalt  }
0x70: {  	_ =	shalt  }
0x71: {  	_ =	shalt  }
0x72: {  	_ =	shalt  }
0x73: {  	_ =	shalt  }
0x74: {  	_ =	shalt  }
0x75: {  	_ =	shalt  }
0x76: {  	_ =	shalt  }
0x77: {  	_ =	shalt  }
0x78: {  	_ =	shalt  }
0x79: {  	_ =	shalt  }
0x7a: {  	_ =	shalt  }
0x7b: {  	_ =	shalt  }
0x7c: {  	_ =	shalt  }
0x7d: {  	_ =	shalt  }
0x7e: {  	_ =	shalt  }
0x7f: {  	_ =	shalt  }
0x80: {  	_ =	shalt  }
0x81: {  	_ =	shalt  }
0x82: {  	_ =	shalt  }
0x83: {  	_ =	shalt  }
0x84: {  	_ =	shalt  }
0x85: {  	_ =	shalt  }
0x86: {  	_ =	shalt  }
0x87: {  	_ =	shalt  }
.Lfunc_end0:
.L_simem_size_0:
called_computation.3_lowered:
.L_overlay_start_0:
0x88: {  	s2 =	sld [smem:$0x3FD9]  }
0x89: {  	s3 =	sld [smem:$0x3FFE];
	_ =	sdelay $0x1  }
0x8a: {  	s1 =	srdreg.scid  }
0x8b: {  	s0 =	sand.u32 $0x1, s1  }
0x8c: {  	s17 =	sshll.u32 s0, $0xA;
	s2 =	sadd.s32 s3, s2  }
0x8d: {  	s2 =	sadd.s32 s2, s17  }
0x8e: {  	[smem:$0x3FB7] =	sst s2  }
0x8f: {  	_ = 	snop  }
0x90: {  	s2 =	sld [smem:$0x3FC7];
	(tm) =	ssettm $0x1  }
0x91: {  	s18 =	sld [smem:$0x3FFB];
	_ =	sdelay $0x3  }
0x92: {  	_ =	strace s18  }
0x93: {  	s3 =	sld [smem:$0x3FFC];
	_ =	sdelay $0x3  }
0x94: {  	_ =	strace s3  }
0x95: {  	s3 =	sld [smem:$0x3FFD];
	_ =	sdelay $0x3  }
0x96: {  	_ =	strace s3  }
0x97: {  	_ =	strace $0x8FFFFFFF  }
0x98: {  	s19 =	sld [smem:$0x3FDB];
	_ =	sdelay $0x1  }
0x99: {  	s4 =	simm.s32 $_scs_section_size  }
0x9a: {  	s5 =	simm.s32 $_size__tile_overlayer_lowered;
	s6 =	simm.s32 $_tile_overlayer_lowered  }
0x9b: {  	s22 =	simm.s32 $0x1BFF;
	s21 =	sshll.u32 s6, $0x1;
	s3 =	sadd.s32 s4, s19  }
0x9c: {  	s7 =	simm.s32 $0x0;
	s20 =	sshll.u32 s5, $0x1;
	s5 =	sadd.s32 s21, s3  }
0x9d: {  	[timem:s7], [sflag:s22] =	dma.local [hbm:s5], s20  }
0x9e: {  	_ =	swait.ge [sflag:s22], s20  }
0x9f: {  	s4 =	ssub.s32 $0x0, s20;
	[sflag:s22] =	ssyncset.done $0x0  }
0xa0: {  	[sflag:s22] =	ssyncadd.s32 s4;
	_ =	sdelay $0x1  }
0xa1: {  	s23 =	simm.s32 $0x1B8B  }
0xa2: {  	_ =	swait.ge [sflag:s23], $0x1  }
0xa3: {  	[sflag:s23] =	ssyncset.done $0x0  }
0xa4: {  	s25 =	simm.s32 $0x1B8E;
	s24 =	sld [smem:$0x3FFE];
	[sflag:s23] =	ssyncadd.s32 $0xFFFFFFFF  }
0xa5: {  	s26 =	simm.s32 $execute0_lowered;
	[smem:$0x3FD2] =	sst s25  }
0xa6: {  	s5 =	sshll.u32 s26, $0x1;
	_ =	strace $0x8000004F;
	[dreg:$0x1] =	wrdreg $0xFFFFFFFF  }
0xa7: {  	s28 =	simm.s32 $_size_execute0_lowered;
	s3 =	sadd.s32 s3, s5;
	[dreg:$0x0] =	wrdreg $0x0  }
0xa8: {  	s5 =	sshll.u32 s28, $0x1;
	[dreg:$0x2] =	wrdreg s3  }
0xa9: {  	[dreg:$0x3] =	wrdreg s5  }
0xaa: {  	[dreg:$0x4] =	wrdreg $0xC0  }
0xab: {  	_ =	task [dreg:s7], $0x5FFFF  }
0xac: {  	[dreg:$0x1] =	wrdreg $0xFFFFFFFF  }
0xad: {  	[dreg:$0x0] =	wrdreg $0x60  }
0xae: {  	[dreg:$0x2] =	wrdreg s24  }
0xaf: {  	[dreg:$0x3] =	wrdreg s2  }
0xb0: {  	[dreg:$0x4] =	wrdreg $0x67000  }
0xb1: {  	[dreg:$0x5] =	wrdreg $0x9  }
0xb2: {  	_ =	task.clear_ibuf [dreg:s7], $0x6FFFF;
	_ =	strace $0x9000004F  }
0xb3: {  	s29 =	simm.s32 $0x9;
	_ =	strace $0x80000051  }
0xb4: {  	_ =	swait.ge [sflag:s29], $0x1  }
0xb5: {  	[sflag:s29] =	ssyncadd.s32 $0xFFFFFFFF  }
0xb6: {  	_ =	strace $0x90000051  }
0xb7: {  	_ =	sfence  }
0xb8: {  	s30 =	sld [smem:$0x0];
	_ =	sdelay $0x2  }
0xb9: {  	s31 =	sshll.u32 s1, $0xD;
	s1 =	sshrl.u32 s1, $0x2  }
0xba: {  	s3 =	sand.u32 $0x4000, s31;
	s1 =	sadd.s32 s1, s30  }
0xbb: {  	s0 =	sor.u32 s3, s0;
	s1 =	sshll.u32 s1, $0x11  }
0xbc: {  	s0 =	sor.u32 s1, s0  }
0xbd: {  	s0 =	sadd.s32 $0x8F2B, s0  }
0xbe: {  	[sflag:s0] =	ssyncadd.remote.s32 $0x1  }
0xbf: {  	_ =	sfence.sel $0xFFFF  }
0xc0: {  	[dreg:$0x0] =	wrdreg $0xFFFFFFFF;
	(pc) =	sbr.abs _section_cstart, $3  }
0xc1: {  	[dreg:$0x1] =	wrdreg $0xFFFFFFFF  }
0xc2: {  	_ =	task.clear_ibuf [dreg:s7], $0x2FFFF;
	_ =	strace $0x9FFFFFFF  }
0xc3: {  	(tm) =	ssettm $0x7FFFFFFF  }
tec
execute0_lowered:
.L_overlay_start_1:
0x0: {  	(tag) =	ssettag $0x1  }
0x1: {  	s7 =	rddreg [dreg:$0x0]  }
0x2: {  	s1 =	rddreg [dreg:$0x1]  }
0x3: {  	s2 =	rddreg [dreg:$0x2]  }
0x4: {  	s0 =	rddreg [dreg:$0x3];
	s3 =	simm.s32 $0x0  }
0x5: {  	s4 =	srdreg.scid;
	s15 =	stileid.u32;
	s19 =	simm.s32 $0x200  }
0x6: {  	s20 =	simm.s32 $0xC8;
	s21 =	simm.s32 $0x300;
	s22 =	simm.s32 $0x1  }
0x7: {  	[smem:$0x7FF] =	sst s3;
	s8 =	sand.u32 $0x1, s4;
	s9 =	smul.u32 $0x4E000, s15  }
0x8: {  	s4 =	sadd.s32 $0x2EC00, s7;
	s5 =	sadd.s32 $0x1B200, s7;
	s13 =	smul.u32 $0x270, s15  }
0x9: {  	s6 =	sadd.s32 $0x2600, s7;
	s14 =	sadd.s32 $0x7CE00, s7;
	s7 =	smul.u32 $0x4E20, s15  }
0xa: {  	s29 =	sshll.u32 s15, $0x6;
	s18 =	sadd.s32 $0x138000, s2;
	s11 =	smul.u32 $0x2710, s8  }
0xb: {  	p0 =	sne.s32 s15, $0x0;
	s10 =	ssub.s32 $0x2, s8;
	s26 =	smul.u32 $0x138800, s8  }
0xc: {  	_ =	strace $0x80000050;
	s30 =	smul.u32 $0x4E200, s8;
	s12 =	sshrl.u32 s10, $0x1  }
0xd: {  	s24 =	sshrl.u32 s9, $0x2;
	s9 =	sor.u32 $0x1C02, s29;
	s16 =	ssub.s32 s10, s12  }
0xe: {  	s25 =	sadd.s32 s13, s11;
	s17 =	sadd.s32 s24, s2;
	s10 =	sshrl.u32 s26, $0x3  }
0xf: {  	s11 =	sadd.s32 s30, s7;
	s28 =	sshll.u32 s25, $0x4;
	s31 =	sadd.s32 $0x27000, s10  }
0x10: {  	s15 =	sshrl.u32 s17, $0x3;
	s17 =	sshrl.u32 @!p0 s18, $0x3;
	s18 =	simm.s32 $0x100  }
0x11: {  	s8 =	sadd.s32 s4, s28;
	s10 =	sadd.s32 s4, s31;
	s12 =	sadd.s32 s14, s28  }
0x12: {  	s13 =	sadd.s32 s14, s31;
	s14 =	smax.u32 s16, $0x1;
	s16 =	simm.s32 $0x2  }
.LBB2_1:
0x13: {  	[spmem:s15], [sflag:s9] =	dma.local [hbm:s8], $0x2700  }
0x14: {  	_ =	swait.ge [sflag:s16], $0x2700  }
0x15: {  	[sflag:s16] =	ssyncset.done $0x0  }
0x16: {  	s23 =	simm.s32 @!p0 $0x2;
	[sflag:s16] =	ssyncadd.s32 $0xFFFFD900  }
0x17: {  	[spmem:s17], [sflag:s9] =	dma.local @!p0 [hbm:s10], $0x100  }
0x18: {  	_ =	swait.ge @!p0 [sflag:s23], $0x100  }
0x19: {  	[sflag:s23] =	ssyncset.done @!p0 $0x0  }
0x1a: {  	[sflag:s23] =	ssyncadd.s32 @!p0 $0xFFFFFF00  }
0x1b: {  	s23 =	simm.s32 $0x0;
	[bflag:$0x0] =	sbarrier.arrive $0xFFFF  }
.LBB2_2:
0x1c: {  	s24 =	smul.u32 $0xC8, s23;
	_ =	sdelay $0x1  }
0x1d: {  	s25 =	sadd.s32 s11, s24  }
0x1e: {  	s25 =	sshrl.u32 s25, $0x3  }
0x1f: {  	s26 =	simm.s32 $0x0;
	s25 =	sadd.s32 s5, s25  }
0x20: {  	[tilespmem:s26], [sflag:$0x2] =	stream.linear.gather [hbm4b:s25+s26], $0xC8, $0x38;
	[tilespmem:$0x19F80] =	vst v63  }
0x21: {  	s24 =	sadd.s32 s7, s24;
	_ =	swait.ge [sflag:s16], $0xC8  }
0x22: {  	s24 =	sshrl.u32 s24, $0x3;
	[sflag:s16] =	ssyncset.done $0x0  }
0x23: {  	s31 =	sadd.s32 s6, s24;
	[sflag:s16] =	ssyncadd.s32 $0xFFFFFF38  }
0x24: {  	[tilespmem:s18], [sflag:$0x2] =	stream.linear.gather [hbm4b:s31+s26], $0xC8, $0x38;
	[tilespmem:$0x19F80] =	vst v63  }
0x25: {  	_ =	swait.ge [sflag:s16], $0xC8  }
0x26: {  	[sflag:s16] =	ssyncset.done $0x0  }
0x27: {  	s24 =	sadd.s32 s1, s24;
	s25 =	simm.s32 $0x6;
	[sflag:s16] =	ssyncadd.s32 $0xFFFFFF38  }
0x28: {  	v0 =	vmov s26;
	[tilespmem:s19], [sflag:$0x2] =	stream.linear.gather [hbm4b:s24+s26], $0xC8, $0x38;
	[tilespmem:$0x19F80] =	vst v63  }
0x29: {  	v0 =	vand.u32 $0xFFFFFFF8, v0;
	v1 =	vmov s25;
	_ =	swait.ge [sflag:s16], $0xC8  }
0x2a: {  	v0 =	vbroadcast v0, $0x0;
	v1 =	vand.u32 $0xFFFFFFFE, v1;
	[sflag:s16] =	ssyncset.done $0x0  }
0x2b: {  	v1 =	vbroadcast v1, $0x0;
	[sflag:s16] =	ssyncadd.s32 $0xFFFFFF38  }
0x2c: {  	[tilespmem:s21], [sflag:$0x1] =	stream.indirect.gather [hbm4b:s4+s20], $0x80, s26, s20, $0xb8;
	[tilespmem:$0x19F80] =	vst v63  }
0x2d: {  	_ =	swait.ge [sflag:s22], $0x6400  }
0x2e: {  	[sflag:s22] =	ssyncset.done $0x0  }
0x2f: {  	[sflag:s22] =	ssyncadd.s32 $0xFFFF9C00  }
0x30: {  	v0 =	vld.idx.msk [tilespmem:v0+s19+$0x0], $0xffff  }
0x31: {  	s28 =	simm.s32 $0x1;
	s24 =	simm.s32 $0x500;
	v1 =	vld.idx.msk [tilespmem:v1+s19+$0x0], $0xffff  }
0x32: {  	v2 =	vmov s28;
	v3 =	vld [tilespmem:s24+$0x170]  }
0x33: {  	v2 =	vand.u32 $0xFFFFFFF9, v2;
	v4 =	vld [tilespmem:s24+$0xFFFFFE00]  }
0x34: {  	v2 =	vbroadcast v2, $0x0;
	v5 =	vld [tilespmem:s24+$0xFFFFFE10]  }
0x35: {  	v6 =	vld [tilespmem:s24+$0xFFFFFE20]  }
0x36: {  	v7 =	vld [tilespmem:s24+$0xFFFFFE30]  }
0x37: {  	v8 =	vld [tilespmem:s24+$0xFFFFFE40]  }
0x38: {  	v9 =	vld [tilespmem:s24+$0xFFFFFE50]  }
0x39: {  	v10 =	vld [tilespmem:s24+$0xFFFFFE60]  }
0x3a: {  	v2 =	vld.idx.msk [tilespmem:v2+s19+$0x0], $0xffff  }
0x3b: {  	v11 =	vld [tilespmem:s24+$0xFFFFFE70]  }
0x3c: {  	v12 =	vld [tilespmem:s24+$0xFFFFFE80];
	v4 =	vmul.f32 v4, v0  }
0x3d: {  	v13 =	vld [tilespmem:s24+$0xFFFFFE90];
	v3 =	vmul.f32 v3, v1  }
0x3e: {  	v14 =	vld [tilespmem:s24+$0xFFFFFEA0];
	v5 =	vmul.f32 v5, v0;
	[tilespmem:s24+$0xFFFFFE00] =	vst v4  }
0x3f: {  	s29 =	simm.s32 $0x2;
	v15 =	vld [tilespmem:s24+$0xFFFFFEB0];
	v7 =	vmul.f32 v7, v0;
	[tilespmem:s24+$0x170] =	vst v3  }
0x40: {  	v8 =	vmul.f32 v8, v0;
	v4 =	vmov s29;
	v3 =	vmul.f32 v6, v0;
	v6 =	vld [tilespmem:s24+$0xFFFFFEC0];
	[tilespmem:s24+$0xFFFFFE10] =	vst v5  }
0x41: {  	v5 =	vmul.f32 v12, v2;
	v12 =	vld [tilespmem:s24+$0xFFFFFED0];
	[tilespmem:s24+$0xFFFFFE30] =	vst v7;
	v4 =	vand.u32 $0xFFFFFFFA, v4  }
0x42: {  	v7 =	vmul.f32 v9, v0;
	v9 =	vld [tilespmem:s24+$0xFFFFFEF0];
	[tilespmem:s24+$0xFFFFFE40] =	vst v8;
	v4 =	vbroadcast v4, $0x0  }
0x43: {  	v8 =	vmul.f32 v10, v0;
	v10 =	vld [tilespmem:s24+$0xFFFFFF00];
	[tilespmem:s24+$0xFFFFFE20] =	vst v3  }
0x44: {  	v0 =	vmul.f32 v11, v0;
	v11 =	vld [tilespmem:s24+$0xFFFFFF20];
	[tilespmem:s24+$0xFFFFFE80] =	vst v5  }
0x45: {  	s30 =	simm.s32 $0x3;
	v3 =	vld [tilespmem:s24+$0xFFFFFEE0];
	[tilespmem:s24+$0xFFFFFE50] =	vst v7  }
0x46: {  	v5 =	vmov s30;
	v7 =	vld [tilespmem:s24+$0xFFFFFF10];
	[tilespmem:s24+$0xFFFFFE60] =	vst v8;
	v8 =	vmul.f32 v13, v2  }
0x47: {  	[tilespmem:s24+$0xFFFFFE70] =	vst v0;
	v0 =	vmul.f32 v14, v2;
	v13 =	vld [tilespmem:s24+$0xFFFFFF30];
	v5 =	vand.u32 $0xFFFFFFFB, v5  }
0x48: {  	v5 =	vbroadcast v5, $0x0;
	[tilespmem:s24+$0xFFFFFE90] =	vst v8;
	v8 =	vmul.f32 v15, v2;
	v4 =	vld.idx.msk [tilespmem:v4+s19+$0x0], $0xffff  }
0x49: {  	v14 =	vld [tilespmem:s24+$0xFFFFFF40];
	[tilespmem:s24+$0xFFFFFEA0] =	vst v0;
	v6 =	vmul.f32 v6, v2  }
0x4a: {  	v12 =	vmul.f32 v12, v2;
	[tilespmem:s24+$0xFFFFFEB0] =	vst v8;
	v8 =	vld [tilespmem:s24+$0xFFFFFF60]  }
0x4b: {  	[tilespmem:s24+$0xFFFFFEC0] =	vst v6;
	v3 =	vmul.f32 v3, v2;
	v6 =	vld [tilespmem:s24+$0xFFFFFF70]  }
0x4c: {  	[tilespmem:s24+$0xFFFFFED0] =	vst v12;
	v2 =	vmul.f32 v9, v2;
	v9 =	vld [tilespmem:s24+$0xFFFFFF80]  }
0x4d: {  	v12 =	vld [tilespmem:s24+$0xFFFFFFB0];
	[tilespmem:s24+$0xFFFFFEE0] =	vst v3;
	v0 =	vmul.f32 v10, v4  }
0x4e: {  	[tilespmem:s24+$0xFFFFFEF0] =	vst v2;
	v5 =	vld.idx.msk [tilespmem:v5+s19+$0x0], $0xffff;
	v3 =	vmul.f32 v7, v4  }
0x4f: {  	s31 =	simm.s32 $0x4;
	v10 =	vld [tilespmem:s24+$0xFFFFFF50];
	v2 =	vmul.f32 v11, v4;
	[tilespmem:s24+$0xFFFFFF00] =	vst v0  }
0x50: {  	v7 =	vld [tilespmem:s24+$0xFFFFFF90];
	v8 =	vmul.f32 v8, v4;
	v0 =	vmov s31;
	[tilespmem:s24+$0xFFFFFF10] =	vst v3  }
0x51: {  	v11 =	vld [tilespmem:s24+$0xFFFFFFA0];
	v3 =	vmul.f32 v13, v4;
	[tilespmem:s24+$0xFFFFFF20] =	vst v2;
	v0 =	vand.u32 $0xFFFFFFFC, v0  }
0x52: {  	v2 =	vmul.f32 v14, v4;
	v13 =	vld [tilespmem:s24+$0xFFFFFFC0];
	[tilespmem:s24+$0xFFFFFF60] =	vst v8;
	v0 =	vbroadcast v0, $0x0  }
0x53: {  	v8 =	vld [tilespmem:s24+$0x0];
	[tilespmem:s24+$0xFFFFFF30] =	vst v3;
	v3 =	vmul.f32 v9, v5  }
0x54: {  	s26 =	simm.s32 $0x5;
	v9 =	vld [tilespmem:s24+$0xFFFFFFD0];
	[tilespmem:s24+$0xFFFFFF40] =	vst v2;
	v10 =	vmul.f32 v10, v4  }
0x55: {  	v2 =	vld [tilespmem:s24+$0xFFFFFFE0];
	v4 =	vmul.f32 v6, v4;
	[tilespmem:s24+$0xFFFFFF80] =	vst v3;
	v3 =	vmov s26  }
0x56: {  	v6 =	vld [tilespmem:s24+$0xFFFFFFF0];
	v7 =	vmul.f32 v7, v5;
	[tilespmem:s24+$0xFFFFFF50] =	vst v10;
	v3 =	vand.u32 $0xFFFFFFFD, v3  }
0x57: {  	[tilespmem:s24+$0xFFFFFF70] =	vst v4;
	v4 =	vmul.f32 v11, v5;
	v10 =	vld [tilespmem:s24+$0x10];
	v3 =	vbroadcast v3, $0x0  }
0x58: {  	[tilespmem:s24+$0xFFFFFF90] =	vst v7;
	v7 =	vmul.f32 v12, v5;
	v0 =	vld.idx.msk [tilespmem:v0+s19+$0x0], $0xffff  }
0x59: {  	v11 =	vld [tilespmem:s24+$0x20];
	[tilespmem:s24+$0xFFFFFFA0] =	vst v4;
	v4 =	vmul.f32 v13, v5  }
0x5a: {  	v12 =	vld [tilespmem:s24+$0x30];
	[tilespmem:s24+$0xFFFFFFB0] =	vst v7;
	v7 =	vmul.f32 v9, v5  }
0x5b: {  	v9 =	vld [tilespmem:s24+$0x40];
	v2 =	vmul.f32 v2, v5;
	[tilespmem:s24+$0xFFFFFFC0] =	vst v4  }
0x5c: {  	v5 =	vmul.f32 v6, v5;
	[tilespmem:s24+$0xFFFFFFD0] =	vst v7;
	v7 =	vld [tilespmem:s24+$0x60]  }
0x5d: {  	[tilespmem:s24+$0xFFFFFFE0] =	vst v2;
	v3 =	vld.idx.msk [tilespmem:v3+s19+$0x0], $0xffff;
	v4 =	vmul.f32 v8, v0  }
0x5e: {  	[tilespmem:s24+$0xFFFFFFF0] =	vst v5;
	v8 =	vld [tilespmem:s24+$0x50];
	v5 =	vmul.f32 v11, v0  }
0x5f: {  	v2 =	vmul.f32 v10, v0;
	v10 =	vld [tilespmem:s24+$0x90];
	[tilespmem:s24+$0x0] =	vst v4  }
0x60: {  	v6 =	vld [tilespmem:s24+$0x80];
	[tilespmem:s24+$0x20] =	vst v5;
	v5 =	vmul.f32 v9, v0  }
0x61: {  	v4 =	vld [tilespmem:s24+$0x70];
	[tilespmem:s24+$0x10] =	vst v2;
	v2 =	vmul.f32 v12, v0  }
0x62: {  	v9 =	vld [tilespmem:s24+$0xA0];
	[tilespmem:s24+$0x40] =	vst v5;
	v5 =	vmul.f32 v7, v0  }
0x63: {  	[tilespmem:s24+$0x30] =	vst v2;
	v7 =	vld [tilespmem:s24+$0xC0];
	v2 =	vmul.f32 v8, v0  }
0x64: {  	v8 =	vld [tilespmem:s24+$0xB0];
	v10 =	vmul.f32 v10, v3;
	[tilespmem:s24+$0x60] =	vst v5  }
0x65: {  	s28 =	simm.s32 $0x7;
	v5 =	vld [tilespmem:s24+$0xE0];
	[tilespmem:s24+$0x50] =	vst v2;
	v2 =	vmul.f32 v6, v3  }
0x66: {  	v11 =	vmov s28;
	v6 =	vld [tilespmem:s24+$0xD0];
	v4 =	vmul.f32 v4, v0;
	[tilespmem:s24+$0x90] =	vst v10  }
0x67: {  	v10 =	vld [tilespmem:s24+$0x150];
	[tilespmem:s24+$0x80] =	vst v2  }
0x68: {  	[tilespmem:s24+$0x70] =	vst v4;
	v2 =	vmul.f32 v9, v3;
	v4 =	vld [tilespmem:s24+$0xF0]  }
0x69: {  	v9 =	vld [tilespmem:s24+$0x100];
	v8 =	vmul.f32 v8, v3  }
0x6a: {  	[tilespmem:s24+$0xA0] =	vst v2;
	v2 =	vmul.f32 v7, v3;
	v7 =	vld [tilespmem:s24+$0x110]  }
0x6b: {  	v0 =	vld.idx.msk [tilespmem:v11+s19+$0x0], $0xffff;
	[tilespmem:s24+$0xB0] =	vst v8;
	v6 =	vmul.f32 v6, v3  }
0x6c: {  	v8 =	vld [tilespmem:s24+$0x120];
	v10 =	vmul.f32 v10, v1;
	[tilespmem:s24+$0xC0] =	vst v2  }
0x6d: {  	s31 =	simm.s32 $0x9;
	v2 =	vmul.f32 v5, v3;
	v5 =	vld [tilespmem:s24+$0x130];
	[tilespmem:s24+$0xD0] =	vst v6;
	v3 =	vmul.f32 v4, v3  }
0x6e: {  	s29 =	simm.s32 $0x8;
	v11 =	vmov s31;
	v4 =	vld [tilespmem:s24+$0x140];
	[tilespmem:s24+$0x150] =	vst v10  }
0x6f: {  	s28 =	simm.s32 $0xA;
	s31 =	simm.s32 $0xD;
	v6 =	vmov s29;
	v9 =	vmul.f32 v9, v1;
	[tilespmem:s24+$0xF0] =	vst v3;
	v3 =	vmul.f32 v7, v1;
	v7 =	vld [tilespmem:s24+$0x160]  }
0x70: {  	s30 =	simm.s32 $0xF;
	v13 =	vld [tilespmem:s24+$0x180];
	v12 =	vmov s28;
	v17 =	vmov s31;
	s29 =	simm.s32 $0xB;
	[tilespmem:s24+$0xE0] =	vst v2;
	v6 =	vand.u32 $0xFFFFFFF8, v6  }
0x71: {  	v16 =	vld [tilespmem:s24+$0x190];
	v2 =	vmov s30;
	s30 =	simm.s32 $0xC;
	[tilespmem:s24+$0x100] =	vst v9;
	v9 =	vmov s29;
	v8 =	vmul.f32 v8, v1  }
0x72: {  	v14 =	vmov s30;
	[tilespmem:s24+$0x110] =	vst v3;
	v15 =	vmul.f32 v5, v1;
	v3 =	vbroadcast v6, $0x0;
	v5 =	vld [tilespmem:s24+$0x1A0]  }
0x73: {  	v6 =	vld [tilespmem:s24+$0x1B0];
	[tilespmem:s24+$0x120] =	vst v8;
	v8 =	vmul.f32 v4, v1;
	v4 =	vand.u32 $0xFFFFFFF9, v11;
	v11 =	vand.u32 $0xFFFFFFFA, v12  }
0x74: {  	v12 =	vand.u32 $0xFFFFFFFB, v9;
	[tilespmem:s24+$0x130] =	vst v15;
	v4 =	vbroadcast v4, $0x0;
	v15 =	vmul.f32 v7, v1;
	v7 =	vld [tilespmem:s24+$0x1C0]  }
0x75: {  	v9 =	vbroadcast v11, $0x0;
	[tilespmem:s24+$0x140] =	vst v8;
	v1 =	vand.u32 $0xFFFFFFFC, v14;
	v14 =	vmul.f32 v13, v0;
	v8 =	vld [tilespmem:s24+$0x1D0]  }
0x76: {  	s25 =	simm.s32 $0x10;
	s26 =	simm.s32 $0xE;
	v10 =	vld [tilespmem:s24+$0x1E0];
	v11 =	vbroadcast v12, $0x0;
	v12 =	vmul.f32 v16, v0;
	v13 =	vand.u32 $0xFFFFFFFD, v17;
	[tilespmem:s24+$0x160] =	vst v15  }
.LBB2_3:
0x77: {  	p1 =	slt.u32 s25, $0xC0;
	v1 =	vbroadcast v1, $0x0;
	v15 =	vmov s26;
	[tilespmem:s24+$0x180] =	vst v14;
	v5 =	vmul.f32 v5, v0;
	v14 =	vld [tilespmem:s24+$0x1F0]  }
0x78: {  	v13 =	vbroadcast v13, $0x0;
	v15 =	vand.u32 $0xFFFFFFFE, v15;
	v16 =	vld.idx.msk [tilespmem:v2+s19+$0x0], $0xffff;
	[tilespmem:s24+$0x190] =	vst v12;
	v2 =	vmul.f32 v6, v0  }
0x79: {  	v6 =	vld.idx.msk [tilespmem:v3+s19+$0x0], $0xffff;
	v12 =	vbroadcast v15, $0x0;
	[tilespmem:s24+$0x1A0] =	vst v5;
	v3 =	vmul.f32 v7, v0  }
0x7a: {  	v5 =	vld.idx.msk [tilespmem:v4+s19+$0x0], $0xffff;
	[tilespmem:s24+$0x1B0] =	vst v2;
	v2 =	vmul.f32 v8, v0  }
0x7b: {  	v7 =	vld.idx.msk [tilespmem:v9+s19+$0x0], $0xffff;
	[tilespmem:s24+$0x1C0] =	vst v3;
	v8 =	vmul.f32 v10, v0  }
0x7c: {  	v4 =	vld.idx.msk [tilespmem:v11+s19+$0x0], $0xffff;
	[tilespmem:s24+$0x1D0] =	vst v2;
	v9 =	vmul.f32 v14, v0  }
0x7d: {  	v3 =	vld.idx.msk [tilespmem:v1+s19+$0x0], $0xffff;
	[tilespmem:s24+$0x1E0] =	vst v8  }
0x7e: {  	v0 =	vmov v16;
	v2 =	vld.idx.msk [tilespmem:v13+s19+$0x0], $0xffff;
	[tilespmem:s24+$0x1F0] =	vst v9  }
0x7f: {  	s24 =	sadd.s32 $0x400, s24;
	v1 =	vld.idx.msk [tilespmem:v12+s19+$0x0], $0xffff  }
0x80: {  	v8 =	vld [tilespmem:s24+$0x170]  }
0x81: {  	v9 =	vld [tilespmem:s24+$0xFFFFFE00]  }
0x82: {  	v10 =	vld [tilespmem:s24+$0xFFFFFE10]  }
0x83: {  	v11 =	vld [tilespmem:s24+$0xFFFFFE20]  }
0x84: {  	v12 =	vld [tilespmem:s24+$0xFFFFFE30]  }
0x85: {  	v13 =	vld [tilespmem:s24+$0xFFFFFE40];
	v8 =	vmul.f32 v8, v1  }
0x86: {  	v9 =	vmul.f32 v9, v6;
	v14 =	vld [tilespmem:s24+$0xFFFFFE50]  }
0x87: {  	v10 =	vmul.f32 v10, v6;
	v15 =	vld [tilespmem:s24+$0xFFFFFE60];
	[tilespmem:s24+$0x170] =	vst v8  }
0x88: {  	[tilespmem:s24+$0xFFFFFE00] =	vst v9;
	v8 =	vmul.f32 v11, v6;
	v9 =	vld [tilespmem:s24+$0xFFFFFE70]  }
0x89: {  	[tilespmem:s24+$0xFFFFFE10] =	vst v10;
	v10 =	vmul.f32 v12, v6;
	v11 =	vld [tilespmem:s24+$0xFFFFFE80]  }
0x8a: {  	[tilespmem:s24+$0xFFFFFE20] =	vst v8;
	v8 =	vmul.f32 v13, v6;
	v12 =	vld [tilespmem:s24+$0xFFFFFE90]  }
0x8b: {  	[tilespmem:s24+$0xFFFFFE30] =	vst v10;
	v10 =	vmul.f32 v14, v6;
	v13 =	vld [tilespmem:s24+$0xFFFFFEA0]  }
0x8c: {  	[tilespmem:s24+$0xFFFFFE40] =	vst v8;
	v8 =	vmul.f32 v15, v6;
	v14 =	vld [tilespmem:s24+$0xFFFFFEB0]  }
0x8d: {  	[tilespmem:s24+$0xFFFFFE50] =	vst v10;
	v6 =	vmul.f32 v9, v6;
	v9 =	vld [tilespmem:s24+$0xFFFFFEC0]  }
0x8e: {  	[tilespmem:s24+$0xFFFFFE60] =	vst v8;
	v8 =	vmul.f32 v11, v5;
	v10 =	vld [tilespmem:s24+$0xFFFFFED0]  }
0x8f: {  	[tilespmem:s24+$0xFFFFFE70] =	vst v6;
	v6 =	vmul.f32 v12, v5;
	v11 =	vld [tilespmem:s24+$0xFFFFFEE0]  }
0x90: {  	[tilespmem:s24+$0xFFFFFE80] =	vst v8;
	v8 =	vmul.f32 v13, v5;
	v12 =	vld [tilespmem:s24+$0xFFFFFEF0]  }
0x91: {  	[tilespmem:s24+$0xFFFFFE90] =	vst v6;
	v6 =	vmul.f32 v14, v5;
	v13 =	vld [tilespmem:s24+$0xFFFFFF00]  }
0x92: {  	[tilespmem:s24+$0xFFFFFEA0] =	vst v8;
	v8 =	vmul.f32 v9, v5;
	v9 =	vld [tilespmem:s24+$0xFFFFFF10]  }
0x93: {  	[tilespmem:s24+$0xFFFFFEB0] =	vst v6;
	v6 =	vmul.f32 v10, v5;
	v10 =	vld [tilespmem:s24+$0xFFFFFF20]  }
0x94: {  	[tilespmem:s24+$0xFFFFFEC0] =	vst v8;
	v8 =	vmul.f32 v11, v5;
	v11 =	vld [tilespmem:s24+$0xFFFFFF30]  }
0x95: {  	[tilespmem:s24+$0xFFFFFED0] =	vst v6;
	v5 =	vmul.f32 v12, v5;
	v6 =	vld [tilespmem:s24+$0xFFFFFF40]  }
0x96: {  	[tilespmem:s24+$0xFFFFFEE0] =	vst v8;
	v8 =	vmul.f32 v13, v7;
	v12 =	vld [tilespmem:s24+$0xFFFFFF50]  }
0x97: {  	[tilespmem:s24+$0xFFFFFEF0] =	vst v5;
	v5 =	vmul.f32 v9, v7;
	v9 =	vld [tilespmem:s24+$0xFFFFFF60]  }
0x98: {  	[tilespmem:s24+$0xFFFFFF00] =	vst v8;
	v8 =	vmul.f32 v10, v7;
	v10 =	vld [tilespmem:s24+$0xFFFFFF70]  }
0x99: {  	[tilespmem:s24+$0xFFFFFF10] =	vst v5;
	v5 =	vmul.f32 v11, v7;
	v11 =	vld [tilespmem:s24+$0xFFFFFF80]  }
0x9a: {  	[tilespmem:s24+$0xFFFFFF20] =	vst v8;
	v6 =	vmul.f32 v6, v7;
	v8 =	vld [tilespmem:s24+$0xFFFFFF90]  }
0x9b: {  	[tilespmem:s24+$0xFFFFFF30] =	vst v5;
	v5 =	vmul.f32 v12, v7;
	v12 =	vld [tilespmem:s24+$0xFFFFFFA0]  }
0x9c: {  	[tilespmem:s24+$0xFFFFFF40] =	vst v6;
	v6 =	vmul.f32 v9, v7;
	v9 =	vld [tilespmem:s24+$0xFFFFFFB0]  }
0x9d: {  	[tilespmem:s24+$0xFFFFFF50] =	vst v5;
	v5 =	vmul.f32 v10, v7;
	v7 =	vld [tilespmem:s24+$0xFFFFFFC0]  }
0x9e: {  	[tilespmem:s24+$0xFFFFFF60] =	vst v6;
	v6 =	vmul.f32 v11, v4;
	v10 =	vld [tilespmem:s24+$0xFFFFFFD0]  }
0x9f: {  	[tilespmem:s24+$0xFFFFFF70] =	vst v5;
	v5 =	vmul.f32 v8, v4;
	v8 =	vld [tilespmem:s24+$0xFFFFFFE0]  }
0xa0: {  	[tilespmem:s24+$0xFFFFFF80] =	vst v6;
	v6 =	vmul.f32 v12, v4;
	v11 =	vld [tilespmem:s24+$0xFFFFFFF0]  }
0xa1: {  	[tilespmem:s24+$0xFFFFFF90] =	vst v5;
	v5 =	vmul.f32 v9, v4;
	v9 =	vld [tilespmem:s24+$0x0]  }
0xa2: {  	[tilespmem:s24+$0xFFFFFFA0] =	vst v6;
	v6 =	vmul.f32 v7, v4;
	v7 =	vld [tilespmem:s24+$0x10]  }
0xa3: {  	[tilespmem:s24+$0xFFFFFFB0] =	vst v5;
	v5 =	vmul.f32 v10, v4;
	v10 =	vld [tilespmem:s24+$0x20]  }
0xa4: {  	[tilespmem:s24+$0xFFFFFFC0] =	vst v6;
	v6 =	vmul.f32 v8, v4;
	v8 =	vld [tilespmem:s24+$0x30]  }
0xa5: {  	[tilespmem:s24+$0xFFFFFFD0] =	vst v5;
	v4 =	vmul.f32 v11, v4;
	v5 =	vld [tilespmem:s24+$0x40]  }
0xa6: {  	[tilespmem:s24+$0xFFFFFFE0] =	vst v6;
	v6 =	vmul.f32 v9, v3;
	v9 =	vld [tilespmem:s24+$0x50]  }
0xa7: {  	[tilespmem:s24+$0xFFFFFFF0] =	vst v4;
	v4 =	vmul.f32 v7, v3;
	v7 =	vld [tilespmem:s24+$0x60]  }
0xa8: {  	[tilespmem:s24+$0x0] =	vst v6;
	v6 =	vmul.f32 v10, v3;
	v10 =	vld [tilespmem:s24+$0x70]  }
0xa9: {  	[tilespmem:s24+$0x10] =	vst v4;
	v4 =	vmul.f32 v8, v3;
	v8 =	vld [tilespmem:s24+$0x80]  }
0xaa: {  	[tilespmem:s24+$0x20] =	vst v6;
	v5 =	vmul.f32 v5, v3;
	v6 =	vld [tilespmem:s24+$0x90]  }
0xab: {  	[tilespmem:s24+$0x30] =	vst v4;
	v4 =	vmul.f32 v9, v3;
	v9 =	vld [tilespmem:s24+$0xA0]  }
0xac: {  	[tilespmem:s24+$0x40] =	vst v5;
	v5 =	vmul.f32 v7, v3;
	v7 =	vld [tilespmem:s24+$0xB0]  }
0xad: {  	[tilespmem:s24+$0x50] =	vst v4;
	v3 =	vmul.f32 v10, v3;
	v4 =	vld [tilespmem:s24+$0xC0]  }
0xae: {  	[tilespmem:s24+$0x60] =	vst v5;
	v5 =	vmul.f32 v8, v2;
	v8 =	vld [tilespmem:s24+$0xD0]  }
0xaf: {  	[tilespmem:s24+$0x70] =	vst v3;
	v3 =	vmul.f32 v6, v2;
	v6 =	vld [tilespmem:s24+$0xE0]  }
0xb0: {  	[tilespmem:s24+$0x80] =	vst v5;
	v5 =	vmul.f32 v9, v2;
	v9 =	vld [tilespmem:s24+$0xF0]  }
0xb1: {  	[tilespmem:s24+$0x90] =	vst v3;
	v3 =	vmul.f32 v7, v2;
	v7 =	vld [tilespmem:s24+$0x100]  }
0xb2: {  	[tilespmem:s24+$0xA0] =	vst v5;
	v4 =	vmul.f32 v4, v2;
	v5 =	vld [tilespmem:s24+$0x110]  }
0xb3: {  	[tilespmem:s24+$0xB0] =	vst v3;
	v3 =	vmul.f32 v8, v2;
	v8 =	vld [tilespmem:s24+$0x120]  }
0xb4: {  	[tilespmem:s24+$0xC0] =	vst v4;
	v4 =	vmul.f32 v6, v2;
	v6 =	vld [tilespmem:s24+$0x130]  }
0xb5: {  	[tilespmem:s24+$0xD0] =	vst v3;
	v3 =	vmul.f32 v9, v2;
	v9 =	vld [tilespmem:s24+$0x140]  }
0xb6: {  	s26 =	sadd.s32 $0x7, s25;
	v2 =	vmov s25;
	[tilespmem:s24+$0xE0] =	vst v4;
	v4 =	vmul.f32 v7, v1;
	v7 =	vld [tilespmem:s24+$0x150]  }
0xb7: {  	s28 =	sadd.s32 $0x1, s25;
	s29 =	sadd.s32 $0x2, s25;
	v10 =	vand.u32 $0xFFFFFFF8, v2;
	v2 =	vmov s26;
	[tilespmem:s24+$0xF0] =	vst v3;
	v3 =	vmul.f32 v5, v1;
	v11 =	vld [tilespmem:s24+$0x160]  }
0xb8: {  	v13 =	vmov s29;
	v12 =	vmov s28;
	s28 =	sadd.s32 $0x4, s25;
	s26 =	sadd.s32 $0x3, s25;
	[tilespmem:s24+$0x100] =	vst v4;
	v4 =	vmul.f32 v8, v1;
	v8 =	vld [tilespmem:s24+$0x180]  }
0xb9: {  	v15 =	vmov s28;
	v14 =	vmov s26;
	s26 =	sadd.s32 $0x5, s25;
	[tilespmem:s24+$0x110] =	vst v3;
	v6 =	vmul.f32 v6, v1;
	v16 =	vld [tilespmem:s24+$0x190]  }
.Ltmp0:
0xba: {  	v3 =	vbroadcast v10, $0x0;
	v10 =	vmov s26;
	[tilespmem:s24+$0x120] =	vst v4;
	v9 =	vmul.f32 v9, v1;
	v5 =	vld [tilespmem:s24+$0x1A0];
	(pc) =	sbr.rel @p1 .LBB2_3-.Ltmp0, $4  }
0xbb: {  	v4 =	vand.u32 $0xFFFFFFF9, v12;
	v12 =	vand.u32 $0xFFFFFFFA, v13;
	[tilespmem:s24+$0x130] =	vst v6;
	v13 =	vmul.f32 v7, v1;
	v6 =	vld [tilespmem:s24+$0x1B0]  }
0xbc: {  	v17 =	vand.u32 $0xFFFFFFFB, v14;
	v4 =	vbroadcast v4, $0x0;
	[tilespmem:s24+$0x140] =	vst v9;
	v18 =	vmul.f32 v11, v1;
	v7 =	vld [tilespmem:s24+$0x1C0]  }
0xbd: {  	v9 =	vbroadcast v12, $0x0;
	v1 =	vand.u32 $0xFFFFFFFC, v15;
	[tilespmem:s24+$0x150] =	vst v13;
	v14 =	vmul.f32 v8, v0;
	v8 =	vld [tilespmem:s24+$0x1D0]  }
0xbe: {  	s26 =	sadd.s32 $0x6, s25;
	s25 =	sadd.s32 $0x8, s25;
	v11 =	vbroadcast v17, $0x0;
	v13 =	vand.u32 $0xFFFFFFFD, v10;
	[tilespmem:s24+$0x160] =	vst v18;
	v12 =	vmul.f32 v16, v0;
	v10 =	vld [tilespmem:s24+$0x1E0]  }
0xbf: {  	_ =	sdelay $0x2  }
0xc0: {  	v15 =	vld [tilespmem:s24+$0x1F0]  }
0xc1: {  	v34 =	vbroadcast v1, $0x0;
	v1 =	vld.idx.msk [tilespmem:v2+s19+$0x0], $0xffff  }
0xc2: {  	v17 =	vld.idx.msk [tilespmem:v3+s19+$0x0], $0xffff  }
0xc3: {  	v37 =	vld.idx.msk [tilespmem:v4+s19+$0x0], $0xffff  }
0xc4: {  	v9 =	vld.idx.msk [tilespmem:v9+s19+$0x0], $0xffff  }
0xc5: {  	s25 =	sadd.s32 $0x400, s24;
	v11 =	vld.idx.msk [tilespmem:v11+s19+$0x0], $0xffff  }
0xc6: {  	v40 =	vld [tilespmem:s25+$0xFFFFFE00]  }
0xc7: {  	v42 =	vld [tilespmem:s25+$0xFFFFFE10]  }
0xc8: {  	[tilespmem:s24+$0x180] =	vst v14;
	v5 =	vmul.f32 v5, v0;
	v44 =	vld [tilespmem:s25+$0xFFFFFE20]  }
0xc9: {  	[tilespmem:s24+$0x190] =	vst v12;
	v6 =	vmul.f32 v6, v0;
	v46 =	vld [tilespmem:s25+$0xFFFFFE30]  }
0xca: {  	v47 =	vld [tilespmem:s25+$0xFFFFFE40];
	[tilespmem:s24+$0x1A0] =	vst v5;
	v39 =	vmul.f32 v7, v0  }
0xcb: {  	v49 =	vld [tilespmem:s25+$0xFFFFFE50];
	[tilespmem:s24+$0x1B0] =	vst v6;
	v41 =	vmul.f32 v8, v0  }
0xcc: {  	v50 =	vld [tilespmem:s25+$0xFFFFFE60];
	[tilespmem:s24+$0x1C0] =	vst v39;
	v43 =	vmul.f32 v10, v0  }
0xcd: {  	v52 =	vld [tilespmem:s25+$0xFFFFFE70];
	[tilespmem:s24+$0x1D0] =	vst v41;
	v45 =	vmul.f32 v15, v0  }
0xce: {  	v53 =	vld [tilespmem:s25+$0xFFFFFE80];
	[tilespmem:s24+$0x1E0] =	vst v43;
	v48 =	vmul.f32 v40, v17  }
0xcf: {  	v55 =	vld [tilespmem:s25+$0xFFFFFE90];
	v8 =	vmul.f32 v42, v17;
	[tilespmem:s24+$0x1F0] =	vst v45  }
0xd0: {  	v57 =	vld [tilespmem:s25+$0xFFFFFEA0];
	v51 =	vmul.f32 v44, v17;
	[tilespmem:s25+$0xFFFFFE00] =	vst v48  }
0xd1: {  	v59 =	vld [tilespmem:s25+$0xFFFFFEB0];
	v6 =	vmul.f32 v46, v17;
	[tilespmem:s25+$0xFFFFFE10] =	vst v8  }
0xd2: {  	v61 =	vld [tilespmem:s25+$0xFFFFFEC0];
	v54 =	vmul.f32 v47, v17;
	[tilespmem:s25+$0xFFFFFE20] =	vst v51  }
0xd3: {  	v63 =	vld [tilespmem:s25+$0xFFFFFED0];
	v56 =	vmul.f32 v49, v17;
	[tilespmem:s25+$0xFFFFFE30] =	vst v6  }
0xd4: {  	v19 =	vld [tilespmem:s25+$0xFFFFFEF0];
	v58 =	vmul.f32 v50, v17;
	[tilespmem:s25+$0xFFFFFE40] =	vst v54  }
0xd5: {  	v21 =	vld [tilespmem:s25+$0xFFFFFF00];
	v60 =	vmul.f32 v52, v17;
	[tilespmem:s25+$0xFFFFFE50] =	vst v56  }
0xd6: {  	v23 =	vld [tilespmem:s25+$0xFFFFFF10];
	v62 =	vmul.f32 v53, v37;
	[tilespmem:s25+$0xFFFFFE60] =	vst v58  }
0xd7: {  	v25 =	vld [tilespmem:s25+$0xFFFFFF20];
	v5 =	vmul.f32 v55, v37;
	[tilespmem:s25+$0xFFFFFE70] =	vst v60  }
0xd8: {  	v27 =	vld [tilespmem:s25+$0xFFFFFF30];
	v18 =	vmul.f32 v57, v37;
	[tilespmem:s25+$0xFFFFFE80] =	vst v62  }
0xd9: {  	v13 =	vbroadcast v13, $0x0;
	v31 =	vld [tilespmem:s25+$0xFFFFFF50];
	v20 =	vmul.f32 v59, v37;
	[tilespmem:s25+$0xFFFFFE90] =	vst v5  }
0xda: {  	v35 =	vmov s26;
	v33 =	vld [tilespmem:s25+$0xFFFFFF60];
	v22 =	vmul.f32 v61, v37;
	[tilespmem:s25+$0xFFFFFEA0] =	vst v18  }
0xdb: {  	v16 =	vand.u32 $0xFFFFFFFE, v35;
	v35 =	vld [tilespmem:s25+$0xFFFFFF70];
	v24 =	vmul.f32 v63, v37;
	[tilespmem:s25+$0xFFFFFEB0] =	vst v20  }
0xdc: {  	v39 =	vld [tilespmem:s25+$0xFFFFFF90];
	v28 =	vmul.f32 v19, v37;
	[tilespmem:s25+$0xFFFFFEC0] =	vst v22  }
0xdd: {  	v36 =	vbroadcast v16, $0x0;
	v41 =	vld [tilespmem:s25+$0xFFFFFFA0];
	v30 =	vmul.f32 v21, v9;
	[tilespmem:s25+$0xFFFFFED0] =	vst v24  }
0xde: {  	v4 =	vld.idx.msk [tilespmem:v34+s19+$0x0], $0xffff;
	v32 =	vmul.f32 v23, v9;
	[tilespmem:s25+$0xFFFFFEF0] =	vst v28  }
0xdf: {  	v3 =	vld.idx.msk [tilespmem:v13+s19+$0x0], $0xffff;
	v34 =	vmul.f32 v25, v9;
	[tilespmem:s25+$0xFFFFFF00] =	vst v30  }
0xe0: {  	v17 =	vld [tilespmem:s25+$0xFFFFFEE0];
	v40 =	vmul.f32 v31, v9;
	[tilespmem:s25+$0xFFFFFF10] =	vst v32  }
0xe1: {  	v42 =	vmul.f32 v33, v9;
	v43 =	vld [tilespmem:s25+$0xFFFFFFB0];
	[tilespmem:s25+$0xFFFFFF20] =	vst v34  }
0xe2: {  	v44 =	vmul.f32 v35, v9;
	v47 =	vld [tilespmem:s25+$0xFFFFFFD0];
	[tilespmem:s25+$0xFFFFFF50] =	vst v40  }
0xe3: {  	v2 =	vld.idx.msk [tilespmem:v36+s19+$0x0], $0xffff;
	v36 =	vmul.f32 v27, v9;
	[tilespmem:s25+$0xFFFFFF60] =	vst v42  }
0xe4: {  	v49 =	vld [tilespmem:s25+$0xFFFFFFE0];
	[tilespmem:s25+$0xFFFFFF70] =	vst v44;
	v48 =	vmul.f32 v39, v11  }
0xe5: {  	v53 =	vld [tilespmem:s25+$0x0];
	[tilespmem:s25+$0xFFFFFF30] =	vst v36;
	v50 =	vmul.f32 v41, v11  }
0xe6: {  	v57 =	vld [tilespmem:s25+$0x20];
	v26 =	vmul.f32 v17, v37;
	[tilespmem:s25+$0xFFFFFF90] =	vst v48  }
0xe7: {  	v59 =	vld [tilespmem:s25+$0x30];
	v52 =	vmul.f32 v43, v11;
	[tilespmem:s25+$0xFFFFFFA0] =	vst v50  }
0xe8: {  	v61 =	vld [tilespmem:s25+$0x40];
	v56 =	vmul.f32 v47, v11;
	[tilespmem:s25+$0xFFFFFEE0] =	vst v26  }
0xe9: {  	v63 =	vld [tilespmem:s25+$0x50];
	v58 =	vmul.f32 v49, v11;
	[tilespmem:s25+$0xFFFFFFB0] =	vst v52  }
0xea: {  	v13 =	vld [tilespmem:s25+$0x60];
	v62 =	vmul.f32 v53, v4;
	[tilespmem:s25+$0xFFFFFFD0] =	vst v56  }
0xeb: {  	v19 =	vld [tilespmem:s25+$0x90];
	v14 =	vmul.f32 v57, v4;
	[tilespmem:s25+$0xFFFFFFE0] =	vst v58  }
0xec: {  	v23 =	vld [tilespmem:s25+$0xB0];
	v16 =	vmul.f32 v59, v4;
	[tilespmem:s25+$0x0] =	vst v62  }
0xed: {  	v45 =	vld [tilespmem:s25+$0xFFFFFFC0];
	v18 =	vmul.f32 v61, v4;
	[tilespmem:s25+$0x20] =	vst v14  }
0xee: {  	v38 =	vld [tilespmem:s25+$0x170];
	v20 =	vmul.f32 v63, v4;
	[tilespmem:s25+$0x30] =	vst v16  }
0xef: {  	v29 =	vld [tilespmem:s25+$0xFFFFFF40];
	v22 =	vmul.f32 v13, v4;
	[tilespmem:s25+$0x40] =	vst v18  }
0xf0: {  	v51 =	vld [tilespmem:s25+$0xFFFFFFF0];
	v27 =	vmul.f32 v19, v3;
	[tilespmem:s25+$0x50] =	vst v20  }
0xf1: {  	v21 =	vld [tilespmem:s25+$0xA0];
	v31 =	vmul.f32 v23, v3;
	[tilespmem:s25+$0x60] =	vst v22  }
0xf2: {  	v24 =	vld [tilespmem:s25+$0xC0];
	v54 =	vmul.f32 v45, v11;
	[tilespmem:s25+$0x90] =	vst v27  }
0xf3: {  	v32 =	vld [tilespmem:s25+$0x100];
	v12 =	vmul.f32 v38, v2;
	[tilespmem:s25+$0xB0] =	vst v31  }
0xf4: {  	v34 =	vld [tilespmem:s25+$0x110];
	v38 =	vmul.f32 v29, v9;
	[tilespmem:s25+$0xFFFFFFC0] =	vst v54  }
0xf5: {  	v39 =	vld [tilespmem:s25+$0x140];
	v60 =	vmul.f32 v51, v11;
	[tilespmem:s25+$0x170] =	vst v12  }
0xf6: {  	v55 =	vld [tilespmem:s25+$0x10];
	v29 =	vmul.f32 v21, v3;
	[tilespmem:s25+$0xFFFFFF40] =	vst v38  }
0xf7: {  	v15 =	vld [tilespmem:s25+$0x70];
	v33 =	vmul.f32 v24, v3;
	[tilespmem:s25+$0xFFFFFFF0] =	vst v60  }
0xf8: {  	v36 =	vld [tilespmem:s25+$0x120];
	v40 =	vmul.f32 v32, v2;
	[tilespmem:s25+$0xA0] =	vst v29  }
0xf9: {  	v41 =	vld [tilespmem:s25+$0x150];
	v42 =	vmul.f32 v34, v2;
	[tilespmem:s25+$0xC0] =	vst v33  }
0xfa: {  	v37 =	vld [tilespmem:s25+$0xFFFFFF80];
	v48 =	vmul.f32 v39, v2;
	[tilespmem:s25+$0x100] =	vst v40  }
0xfb: {  	v17 =	vld [tilespmem:s25+$0x80];
	v12 =	vmul.f32 v55, v4;
	[tilespmem:s25+$0x110] =	vst v42  }
0xfc: {  	v28 =	vld [tilespmem:s25+$0xE0];
	v4 =	vmul.f32 v15, v4;
	[tilespmem:s25+$0x140] =	vst v48  }
0xfd: {  	v43 =	vld [tilespmem:s25+$0x160];
	v44 =	vmul.f32 v36, v2;
	[tilespmem:s25+$0x10] =	vst v12  }
0xfe: {  	v47 =	vld [tilespmem:s25+$0x190];
	v50 =	vmul.f32 v41, v2;
	[tilespmem:s25+$0x70] =	vst v4  }
0xff: {  	v49 =	vld [tilespmem:s25+$0x1A0];
	v46 =	vmul.f32 v37, v11;
	[tilespmem:s25+$0x120] =	vst v44  }
0x100: {  	v57 =	vld [tilespmem:s25+$0x1E0];
	v25 =	vmul.f32 v17, v3;
	[tilespmem:s25+$0x150] =	vst v50  }
0x101: {  	v59 =	vld [tilespmem:s25+$0x1F0];
	v37 =	vmul.f32 v28, v3;
	[tilespmem:s25+$0xFFFFFF80] =	vst v46  }
0x102: {  	v45 =	vld [tilespmem:s25+$0x180];
	v52 =	vmul.f32 v43, v2;
	[tilespmem:s25+$0x80] =	vst v25  }
0x103: {  	v26 =	vld [tilespmem:s25+$0xD0];
	v56 =	vmul.f32 v47, v1;
	[tilespmem:s25+$0xE0] =	vst v37  }
0x104: {  	v30 =	vld [tilespmem:s25+$0xF0];
	v58 =	vmul.f32 v49, v1;
	[tilespmem:s25+$0x160] =	vst v52  }
0x105: {  	v51 =	vld [tilespmem:s25+$0x1B0];
	v62 =	vmul.f32 v57, v1;
	[tilespmem:s25+$0x190] =	vst v56  }
0x106: {  	v38 =	vld [tilespmem:s25+$0x130];
	v63 =	vmul.f32 v59, v1;
	[tilespmem:s25+$0x1A0] =	vst v58  }
0x107: {  	v53 =	vld [tilespmem:s25+$0x1C0];
	v54 =	vmul.f32 v45, v1;
	[tilespmem:s25+$0x1E0] =	vst v62  }
0x108: {  	v55 =	vld [tilespmem:s25+$0x1D0];
	v35 =	vmul.f32 v26, v3;
	[tilespmem:s25+$0x1F0] =	vst v63  }
0x109: {  	v3 =	vmul.f32 v30, v3;
	[tilespmem:s25+$0x180] =	vst v54  }
0x10a: {  	v60 =	vmul.f32 v51, v1;
	[tilespmem:s25+$0xD0] =	vst v35  }
0x10b: {  	[tilespmem:s25+$0xF0] =	vst v3;
	v46 =	vmul.f32 v38, v2  }
0x10c: {  	v2 =	vmul.f32 v53, v1;
	[tilespmem:s25+$0x1B0] =	vst v60  }
0x10d: {  	s23 =	sadd.s32 $0x1, s23;
	v61 =	vmul.f32 v55, v1;
	[tilespmem:s25+$0x130] =	vst v46  }
0x10e: {  	p1 =	sne.s32 s23, $0x64;
	[tilespmem:s25+$0x1C0] =	vst v2  }
.Ltmp1:
0x10f: {  	[tilespmem:s25+$0x1D0] =	vst v61;
	(pc) =	sbr.rel @p1 .LBB2_2-.Ltmp1, $4  }
0x110: {  	[spmem:s2] =	stream.indirect.scatter.add.f32 [tilespmem:s21], [sflag:$0x2], $0x80, s18, s20, $0xb8;
	[tilespmem:$0x19F80] =	vst v63  }
0x111: {  	_ =	swait.ge [sflag:s16], $0x6400  }
0x112: {  	[sflag:s16] =	ssyncset.done $0x0  }
0x113: {  	[sflag:s16] =	ssyncadd.s32 $0xFFFF9C00  }
0x114: {  	[bflag:$0x0] =	sbarrier.arrive $0xFFFF  }
0x115: {  	[hbm:s12], [sflag:s9] =	dma.local [spmem:s15], $0x2700  }
0x116: {  	s3 =	sadd.s32 $0x1, s3;
	_ =	swait.ge [sflag:s16], $0x2700  }
0x117: {  	p1 =	sne.s32 s3, s14;
	[sflag:s16] =	ssyncset.done $0x0  }
.Ltmp2:
0x118: {  	s23 =	simm.s32 @!p0 $0x2;
	[sflag:s16] =	ssyncadd.s32 $0xFFFFD900;
	(pc) =	sbr.rel @p1 .LBB2_1-.Ltmp2, $4  }
0x119: {  	[hbm:s13], [sflag:s9] =	dma.local @!p0 [spmem:s17], $0x100  }
0x11a: {  	_ =	swait.ge @!p0 [sflag:s23], $0x100  }
0x11b: {  	[sflag:s23] =	ssyncset.done @!p0 $0x0  }
0x11c: {  	[sflag:s23] =	ssyncadd.s32 @!p0 $0xFFFFFF00  }
0x11d: {  	_ =	sfence.sel $0x180000  }
0x11e: {  	[bflag:$0x0] =	sbarrier.arrive $0xFFFF  }
0x11f: {  	_ =	strace $0x90000050  }
0x120: {  	s0 =	sadd.s32 @!p0 $0x100000, s0;
	[bflag:$0x2] =	sbarrier.arrive $0xFFFF  }
0x121: {  	[sflag:s0] =	ssyncadd.tile.s32 @!p0 $0x1;
	_ =	shalt  }
.Lfunc_end2:
_tile_overlayer_lowered:
.L_overlay_start_2:
0x122: {  	(tag) =	ssettag $0x2  }
0x123: {  	s0 =	rddreg [dreg:$0x0];
	s2 =	stileid.u32  }
0x124: {  	s1 =	rddreg [dreg:$0x1];
	p0 =	sne.s32 s2, $0x0  }
0x125: {  	s3 =	rddreg [dreg:$0x2];
	[bflag:$0x3] =	sbarrier.arrive $0xFFFF;
	s2 =	simm.s32 @!p0 $0x1C02  }
0x126: {  	[timem:s3], [sflag:s2] =	dma.local @!p0 [hbm:s0], s1  }
0x127: {  	s0 =	simm.s32 @!p0 $0x2  }
0x128: {  	_ =	swait.ge @!p0 [sflag:s0], s1  }
0x129: {  	s1 =	ssub.s32 @!p0 $0x0, s1;
	[sflag:s0] =	ssyncset.done @!p0 $0x0  }
0x12a: {  	[sflag:s0] =	ssyncadd.s32 @!p0 s1  }
0x12b: {  	[bflag:$0x3] =	sbarrier.arrive $0xFFFF  }
0x12c: {  	_ =	shalt  }

</sc_bundles>
